<compile_context>
chip_gen: v7x
topology: tpu7x:2x2x1
jax: 0.10.2.dev20260603
libtpu: 0.0.44.dev20260713+nightly
codegen_flags: <defaults>
</compile_context>

<pallas_src>
import functools
import math

import jax
import jax.numpy as jnp
from jax import lax
from jax.experimental import pallas as pl
from jax.experimental.pallas import tpu as pltpu
from jax.experimental.pallas import tpu_sc as plsc

_B = 262144
_D = 64
_K = 8
_MIN_SCALE = 1e-10
_LOG2PI = math.log(2.0 * math.pi)
_LN2 = math.log(2.0)

_NW = 32
_B_SC = 16384
_B_TC = _B - _B_SC
_ROWS_PER_W = _B_SC // _NW
_T = 256
_NT = _ROWS_PER_W // _T
_BLK = 24576
_NBUF = 2

_LOG_POLY = (
    3.3423269089893903e-08, 1.000003098647089, -0.5000129330593959,
    0.33304812395033884, -0.24911210645380452, 0.2061178523941565,
    -0.18627697325890152, 0.11448435453731831,
)


def _prep_body(locs_ref, logscales_ref, logcoefs_ref, ab_ref, c_ref):
    locs = locs_ref[...]
    logscales = logscales_ref[...]
    logcoefs = logcoefs_ref[...]
    scale = jnp.exp(logscales) + _MIN_SCALE
    inv2 = 1.0 / (scale * scale)
    ab_ref[...] = jnp.concatenate([-0.5 * inv2, locs * inv2], axis=1)
    lc = logcoefs[0] - jax.nn.logsumexp(logcoefs[0])
    c = (lc
         - jnp.sum(jnp.log(scale), axis=1)
         - 0.5 * _D * _LOG2PI
         - 0.5 * jnp.sum(locs * locs * inv2, axis=1))
    c_ref[...] = jnp.concatenate([c, jnp.zeros((8,), jnp.float32)])[None, :]


def _prep(locs, logscales, logcoefs):
    return pl.pallas_call(
        _prep_body,
        out_shape=(
            jax.ShapeDtypeStruct((_K, 2 * _D), jnp.float32),
            jax.ShapeDtypeStruct((1, 16), jnp.float32),
        ),
    )(locs, logscales, logcoefs)


def _poly_log(s):
    bits = lax.bitcast_convert_type(s, jnp.int32)
    e = lax.shift_right_logical(bits, 23) - 127
    mant = lax.bitwise_or(lax.bitwise_and(bits, 0x007FFFFF), 0x3F800000)
    u = lax.bitcast_convert_type(mant, jnp.float32)
    big = u > 1.4142135
    u = jnp.where(big, u * 0.5, u)
    e = jnp.where(big, e + 1, e)
    w = u - 1.0
    p = jnp.full_like(w, _LOG_POLY[-1])
    for coef in _LOG_POLY[-2::-1]:
        p = p * w + coef
    return e.astype(jnp.float32) * _LN2 + p


def _sc_body(x_hbm, ab_hbm, c_hbm, out_hbm,
             xv0, xv1, outv, ab_sp, c_sp, ab_sm, c_sm, sem0, sem1):
    cid = lax.axis_index("c")
    sid = lax.axis_index("s")
    wid = sid * 2 + cid
    base = _B_TC + wid * _ROWS_PER_W

    @pl.when(sid == 0)
    def _():
        pltpu.sync_copy(ab_hbm, ab_sp)
        pltpu.sync_copy(c_hbm, c_sp)

    plsc.subcore_barrier()
    pltpu.sync_copy(ab_sp, ab_sm)
    pltpu.sync_copy(c_sp, c_sm)

    iota = lax.iota(jnp.int32, 16)
    bufs = (xv0, xv1)
    sems = (sem0, sem1)

    def start(t):
        return pltpu.async_copy(
            x_hbm.at[pl.ds(base + t * _T, _T), :],
            bufs[t % 2], sems[t % 2])

    pending = start(0)
    for t in range(_NT):
        pending.wait()
        if t + 1 < _NT:
            pending = start(t + 1)
        buf = bufs[t % 2]

        def group(g, carry):
            rows = g * 16 + iota

            def dstep(d, accs):
                cols = jnp.full((16,), d, jnp.int32)
                xv = plsc.load_gather(buf, [rows, cols])
                x2 = xv * xv
                return tuple(
                    accs[i] + ab_sm[i, d] * x2 + ab_sm[i, _D + d] * xv
                    for i in range(_K))

            init = tuple(jnp.full((16,), c_sm[0, i], jnp.float32)
                         for i in range(_K))
            accs = lax.fori_loop(0, _D, dstep, init, unroll=8)
            m01 = jnp.maximum(accs[0], accs[1])
            m23 = jnp.maximum(accs[2], accs[3])
            m45 = jnp.maximum(accs[4], accs[5])
            m67 = jnp.maximum(accs[6], accs[7])
            m = jnp.maximum(jnp.maximum(m01, m23), jnp.maximum(m45, m67))
            s = jnp.zeros((16,), jnp.float32)
            for i in range(_K):
                s = s + jnp.exp(accs[i] - m)
            outv[pl.ds(g * 16, 16)] = m + _poly_log(s)
            return carry

        lax.fori_loop(0, _T // 16, group, 0)
        pltpu.sync_copy(outv, out_hbm.at[pl.ds(wid * _ROWS_PER_W + t * _T, _T)])


@functools.partial(
    pl.kernel,
    out_type=jax.ShapeDtypeStruct((_B_SC,), jnp.float32),
    mesh=plsc.VectorSubcoreMesh(core_axis_name="c", subcore_axis_name="s"),
    compiler_params=pltpu.CompilerParams(needs_layout_passes=False),
    scratch_types=[
        pltpu.VMEM((_T, _D), jnp.float32),
        pltpu.VMEM((_T, _D), jnp.float32),
        pltpu.VMEM((_T,), jnp.float32),
        pltpu.VMEM_SHARED((_K, 2 * _D), jnp.float32),
        pltpu.VMEM_SHARED((1, 16), jnp.float32),
        pltpu.SMEM((_K, 2 * _D), jnp.float32),
        pltpu.SMEM((1, 16), jnp.float32),
        pltpu.SemaphoreType.DMA,
        pltpu.SemaphoreType.DMA,
    ],
)
def _sc_kernel(x_hbm, ab_hbm, c_hbm, out_hbm, *scratch):
    _sc_body(x_hbm, ab_hbm, c_hbm, out_hbm, *scratch)


def _tc_manual_body(x_hbm, locs_ref, logscales_ref, logcoefs_ref, out_ref,
                    xbuf, sems):
    i = pl.program_id(0)
    n = pl.num_programs(0)

    def start(step, slot):
        pltpu.make_async_copy(
            x_hbm.at[pl.ds(step * _BLK, _BLK), :],
            xbuf.at[slot], sems.at[slot]).start()

    @pl.when(i == 0)
    def _():
        start(0, 0)

    @pl.when(i + 1 < n)
    def _():
        start(i + 1, (i + 1) % _NBUF)

    slot = i % _NBUF
    pltpu.make_async_copy(
        x_hbm.at[pl.ds(i * _BLK, _BLK), :],
        xbuf.at[slot], sems.at[slot]).wait()

    locs = locs_ref[...]
    logscales = logscales_ref[...]
    logcoefs = logcoefs_ref[...]

    scale = jnp.exp(logscales) + _MIN_SCALE
    inv2 = 1.0 / (scale * scale)
    a = -0.5 * inv2
    t = locs * inv2
    lc = logcoefs[0] - jax.nn.logsumexp(logcoefs[0])
    c = (lc
         - jnp.sum(jnp.log(scale), axis=1)
         - 0.5 * _D * _LOG2PI
         - 0.5 * jnp.sum(locs * locs * inv2, axis=1))

    x = xbuf[slot]
    nt = (((1,), (1,)), ((), ()))
    lp = (lax.dot_general(t, x, nt, preferred_element_type=jnp.float32)
          + lax.dot_general(a, x * x, nt, preferred_element_type=jnp.float32)
          + c[:, None])
    m = jnp.max(lp, axis=0)
    s = jnp.sum(jnp.exp(lp - m[None, :]), axis=0)
    out_ref[...] = (m + jnp.log(s))[None, None, :]


def _tc_manual(x, locs, logscales, logcoefs, rows):
    grid = rows // _BLK
    out2d = pl.pallas_call(
        _tc_manual_body,
        grid=(grid,),
        in_specs=[
            pl.BlockSpec(memory_space=pltpu.MemorySpace.HBM),
            pl.BlockSpec((_K, _D), lambda i: (0, 0)),
            pl.BlockSpec((_K, _D), lambda i: (0, 0)),
            pl.BlockSpec((1, _K), lambda i: (0, 0)),
        ],
        out_specs=pl.BlockSpec((1, 1, _BLK), lambda i: (i, 0, 0)),
        out_shape=jax.ShapeDtypeStruct((grid, 1, _BLK), jnp.float32),
        scratch_shapes=[
            pltpu.VMEM((_NBUF, _BLK, _D), jnp.float32),
            pltpu.SemaphoreType.DMA((_NBUF,)),
        ],
    )(x, locs, logscales, logcoefs)
    return out2d.reshape(rows)


@jax.jit
def kernel(x, locs, logscales, logcoefs):
    ab, c = _prep(locs, logscales, logcoefs)
    out_sc = _sc_kernel(x, ab, c)
    out_tc = _tc_manual(x, locs, logscales, logcoefs, _B_TC)
    return jnp.concatenate([out_tc, out_sc])

# --- scband reference (transcript-rebuilt; emitter-appended) ---
"""Pipeline reference for scband-gmmprior-layer-50577534878309 (READ-ONLY COPY).

The authoritative reference and input builder live on the scoring server;
editing this copy changes nothing except your own understanding.
"""

import jax, jax.numpy as jnp
import numpy as np

B = 262144
D = 64
K = 8
MIN_SCALE = 1e-10


def setup_inputs(seed: int = 0) -> dict:
    key = jax.random.key(seed)
    k1, k2, k3, k4 = jax.random.split(key, 4)
    x = jax.random.normal(k1, (B, D), dtype=jnp.float32)
    # learned parameters of GMMPriorLayer (active=True): per-component loc/logscale + mixture logcoefs
    locs = jax.random.normal(k2, (K, D), dtype=jnp.float32)            # stacked comps[i].loc (each was [1, D])
    logscales = jax.random.normal(k3, (K, D), dtype=jnp.float32) * 0.001
    logcoefs = jax.random.normal(k4, (1, K), dtype=jnp.float32)
    return {"x": x, "locs": locs, "logscales": logscales, "logcoefs": logcoefs}


def reference(x, locs, logscales, logcoefs):
    # GMMPriorLayer.forward(x) builds GMMDist with per-batch expanded params;
    # we evaluate the distribution on the input: gmm.log_prob(x).
    b = x.shape[0]
    # GaussianPriorLayer: loc expanded to (b, D); scale = exp(logscale) + min_scale expanded to (b, D)
    # GMMDist.__init__: normalize logcoefs
    lc = jnp.broadcast_to(logcoefs, (b, K))
    lc = lc - jax.nn.logsumexp(lc, axis=-1, keepdims=True)  # [b, K]
    log2pi = jnp.log(2.0 * jnp.pi).astype(jnp.float32)
    all_logp = []
    for i in range(K):
        scale_i = jnp.exp(logscales[i]) + MIN_SCALE           # [D]
        # DiagGaussianDist.log_prob: Normal log_prob summed over last dim
        z = (x - locs[i]) / scale_i
        lp = (-0.5 * z * z - jnp.log(scale_i) - 0.5 * log2pi).sum(-1)  # [b]
        all_logp.append(lc[:, i] + lp)
    log_prob = jax.nn.logsumexp(jnp.stack(all_logp, axis=0), axis=0)  # [b]
    return log_prob

if __name__ == "__main__":
    import jax
    _d = setup_inputs()
    print(jax.jit(kernel)(*tuple(_d.values())))

</pallas_src>

<mosaic_0001>
#map = affine_map<(d0, d1) -> (0, 0)>
#map1 = affine_map<(d0, d1) -> (0)>
module attributes {stable_mosaic.version = 14 : i64} {
  func.func @_sc_kernel(%arg0: i32, %arg1: i32, %arg2: memref<262144x64xf32, #tpu.memory_space<hbm>>, %arg3: memref<8x128xf32, #tpu.memory_space<hbm>>, %arg4: memref<1x16xf32, #tpu.memory_space<hbm>>, %arg5: memref<16384xf32, #tpu.memory_space<hbm>>, %arg6: memref<256x64xf32, #tpu.memory_space<vmem>>, %arg7: memref<256x64xf32, #tpu.memory_space<vmem>>, %arg8: memref<256xf32, #tpu.memory_space<vmem>>, %arg9: memref<8x128xf32, #tpu.memory_space<vmem_shared>>, %arg10: memref<1x16xf32, #tpu.memory_space<vmem_shared>>, %arg11: memref<8x128xf32, #tpu.memory_space<smem>>, %arg12: memref<1x16xf32, #tpu.memory_space<smem>>, %arg13: memref<!tpu.dma_semaphore, #tpu.memory_space<semaphore_mem>>, %arg14: memref<!tpu.dma_semaphore, #tpu.memory_space<semaphore_mem>>) attributes {dimension_semantics = [#tpu.dimension_semantics<core_parallel>, #tpu.dimension_semantics<subcore_parallel>], iteration_bounds = array<i64: 2, 16>, scalar_prefetch = 0 : i64, scratch_operands = 9 : i64, tpu.core_type = #tpu.core_type<sc_vector_subcore>, window_params = [{transform_indices = #map}, {transform_indices = #map}, {transform_indices = #map}, {transform_indices = #map1}]} {
    %mul3A = arith.constant 2 : i32
    %mul3A_0 = arith.muli %arg1, %mul3A : i32
    %add3A = arith.addi %mul3A_0, %arg0 : i32
    %mul3A_1 = arith.constant 512 : i32
    %mul3A_2 = arith.muli %add3A, %mul3A_1 : i32
    %add3A_3 = arith.constant 245760 : i32
    %add3A_4 = arith.addi %add3A_3, %mul3A_2 : i32
    %eq3A = arith.constant 0 : i32
    %eq3A_5 = arith.cmpi eq, %arg1, %eq3A : i32
    %convert_element_type3A = arith.extui %eq3A_5 : i1 to i32
    %cond3A = arith.constant 0 : i32
    %cond3A_6 = arith.cmpi ne, %convert_element_type3A, %cond3A : i32
    scf.if %cond3A_6 {
      "tpu.region"() ({
        %run_scoped3A = tpu.sem_alloc : memref<!tpu.dma_semaphore, #tpu.memory_space<semaphore_mem>>
        tpu.enqueue_dma source(%arg3 : memref<8x128xf32, #tpu.memory_space<hbm>>) target(%arg9 : memref<8x128xf32, #tpu.memory_space<vmem_shared>>) target_semaphore(%run_scoped3A : memref<!tpu.dma_semaphore, #tpu.memory_space<semaphore_mem>>)
        tpu.wait_dma2 semaphore(%run_scoped3A : memref<!tpu.dma_semaphore, #tpu.memory_space<semaphore_mem>>) src(%arg3 : memref<8x128xf32, #tpu.memory_space<hbm>>) dst(%arg9 : memref<8x128xf32, #tpu.memory_space<vmem_shared>>)
        tpu.yield
      }) : () -> ()
      "tpu.region"() ({
        %run_scoped3A = tpu.sem_alloc : memref<!tpu.dma_semaphore, #tpu.memory_space<semaphore_mem>>
        tpu.enqueue_dma source(%arg4 : memref<1x16xf32, #tpu.memory_space<hbm>>) target(%arg10 : memref<1x16xf32, #tpu.memory_space<vmem_shared>>) target_semaphore(%run_scoped3A : memref<!tpu.dma_semaphore, #tpu.memory_space<semaphore_mem>>)
        tpu.wait_dma2 semaphore(%run_scoped3A : memref<!tpu.dma_semaphore, #tpu.memory_space<semaphore_mem>>) src(%arg4 : memref<1x16xf32, #tpu.memory_space<hbm>>) dst(%arg10 : memref<1x16xf32, #tpu.memory_space<vmem_shared>>)
        tpu.yield
      }) : () -> ()
    } else {
    }
    %barrier3A = arith.constant 0 : index
    tpu.barrier barrier_id(%barrier3A)
    "tpu.region"() ({
      %run_scoped3A = tpu.sem_alloc : memref<!tpu.dma_semaphore, #tpu.memory_space<semaphore_mem>>
      tpu.enqueue_dma source(%arg9 : memref<8x128xf32, #tpu.memory_space<vmem_shared>>) target(%arg11 : memref<8x128xf32, #tpu.memory_space<smem>>) target_semaphore(%run_scoped3A : memref<!tpu.dma_semaphore, #tpu.memory_space<semaphore_mem>>)
      tpu.wait_dma2 semaphore(%run_scoped3A : memref<!tpu.dma_semaphore, #tpu.memory_space<semaphore_mem>>) src(%arg9 : memref<8x128xf32, #tpu.memory_space<vmem_shared>>) dst(%arg11 : memref<8x128xf32, #tpu.memory_space<smem>>)
      tpu.yield
    }) : () -> ()
    "tpu.region"() ({
      %run_scoped3A = tpu.sem_alloc : memref<!tpu.dma_semaphore, #tpu.memory_space<semaphore_mem>>
      tpu.enqueue_dma source(%arg10 : memref<1x16xf32, #tpu.memory_space<vmem_shared>>) target(%arg12 : memref<1x16xf32, #tpu.memory_space<smem>>) target_semaphore(%run_scoped3A : memref<!tpu.dma_semaphore, #tpu.memory_space<semaphore_mem>>)
      tpu.wait_dma2 semaphore(%run_scoped3A : memref<!tpu.dma_semaphore, #tpu.memory_space<semaphore_mem>>) src(%arg10 : memref<1x16xf32, #tpu.memory_space<vmem_shared>>) dst(%arg12 : memref<1x16xf32, #tpu.memory_space<smem>>)
      tpu.yield
    }) : () -> ()
    %iota3A = tpu.iota {dimensions = array<i32: 0>} : vector<16xi32>
    %add3A_7 = arith.constant 0 : i32
    %add3A_8 = arith.addi %add3A_4, %add3A_7 : i32
    %dma_start3A = arith.constant 0 : i32
    %dma_start3A_9 = tpu.memref_slice %arg2[%add3A_8, %dma_start3A] : memref<262144x64xf32, #tpu.memory_space<hbm>> -> memref<256x64xf32, #tpu.memory_space<hbm>>
    %dma_start3A_10 = arith.constant 0 : i32
    %dma_start3A_11 = tpu.memref_slice %arg2[%add3A_8, %dma_start3A_10] : memref<262144x64xf32, #tpu.memory_space<hbm>> -> memref<256x64xf32, #tpu.memory_space<hbm>>
    tpu.enqueue_dma source(%dma_start3A_11 : memref<256x64xf32, #tpu.memory_space<hbm>>) target(%arg6 : memref<256x64xf32, #tpu.memory_space<vmem>>) target_semaphore(%arg13 : memref<!tpu.dma_semaphore, #tpu.memory_space<semaphore_mem>>)
    %dma_wait3A = arith.constant 0 : i32
    %dma_wait3A_12 = tpu.memref_slice %arg2[%add3A_8, %dma_wait3A] : memref<262144x64xf32, #tpu.memory_space<hbm>> -> memref<256x64xf32, #tpu.memory_space<hbm>>
    %dma_wait3A_13 = arith.constant 0 : i32
    %dma_wait3A_14 = tpu.memref_slice %arg2[%add3A_8, %dma_wait3A_13] : memref<262144x64xf32, #tpu.memory_space<hbm>> -> memref<256x64xf32, #tpu.memory_space<hbm>>
    tpu.wait_dma2 semaphore(%arg13 : memref<!tpu.dma_semaphore, #tpu.memory_space<semaphore_mem>>) src(%dma_wait3A_14 : memref<256x64xf32, #tpu.memory_space<hbm>>) dst(%arg6 : memref<256x64xf32, #tpu.memory_space<vmem>>)
    %add3A_15 = arith.constant 256 : i32
    %add3A_16 = arith.addi %add3A_4, %add3A_15 : i32
    %dma_start3A_17 = arith.constant 0 : i32
    %dma_start3A_18 = tpu.memref_slice %arg2[%add3A_16, %dma_start3A_17] : memref<262144x64xf32, #tpu.memory_space<hbm>> -> memref<256x64xf32, #tpu.memory_space<hbm>>
    %dma_start3A_19 = arith.constant 0 : i32
    %dma_start3A_20 = tpu.memref_slice %arg2[%add3A_16, %dma_start3A_19] : memref<262144x64xf32, #tpu.memory_space<hbm>> -> memref<256x64xf32, #tpu.memory_space<hbm>>
    tpu.enqueue_dma source(%dma_start3A_20 : memref<256x64xf32, #tpu.memory_space<hbm>>) target(%arg7 : memref<256x64xf32, #tpu.memory_space<vmem>>) target_semaphore(%arg14 : memref<!tpu.dma_semaphore, #tpu.memory_space<semaphore_mem>>)
    %scan3A = arith.constant 0 : i32
    %scan3A_21 = arith.constant 0 : i32
    %scan3A_22 = arith.constant 16 : i32
    %scan3A_23 = arith.addi %scan3A_21, %scan3A_22 : i32
    %scan3A_24 = arith.constant 1 : i32
    scf.for %scan3A_44 = %scan3A_21 to %scan3A_23 step %scan3A_24  : i32 {
      %mul3A_45 = arith.constant 16 : i32
      %mul3A_46 = arith.muli %scan3A_44, %mul3A_45 : i32
      %add3A_47 = vector.broadcast %mul3A_46 : i32 to vector<16xi32>
      %add3A_48 = arith.addi %add3A_47, %iota3A : vector<16xi32>
      %get3A = arith.constant 0 : i32
      %get3A_49 = arith.constant 0 : i32
      %get3A_50 = arith.index_cast %get3A : i32 to index
      %get3A_51 = arith.index_cast %get3A_49 : i32 to index
      %get3A_52 = memref.load %arg12[%get3A_50, %get3A_51] : memref<1x16xf32, #tpu.memory_space<smem>>
      %broadcast_in_dim3A = vector.broadcast %get3A_52 : f32 to vector<16xf32>
      %get3A_53 = arith.constant 0 : i32
      %get3A_54 = arith.constant 1 : i32
      %get3A_55 = arith.index_cast %get3A_53 : i32 to index
      %get3A_56 = arith.index_cast %get3A_54 : i32 to index
      %get3A_57 = memref.load %arg12[%get3A_55, %get3A_56] : memref<1x16xf32, #tpu.memory_space<smem>>
      %broadcast_in_dim3A_58 = vector.broadcast %get3A_57 : f32 to vector<16xf32>
      %get3A_59 = arith.constant 0 : i32
      %get3A_60 = arith.constant 2 : i32
      %get3A_61 = arith.index_cast %get3A_59 : i32 to index
      %get3A_62 = arith.index_cast %get3A_60 : i32 to index
      %get3A_63 = memref.load %arg12[%get3A_61, %get3A_62] : memref<1x16xf32, #tpu.memory_space<smem>>
      %broadcast_in_dim3A_64 = vector.broadcast %get3A_63 : f32 to vector<16xf32>
      %get3A_65 = arith.constant 0 : i32
      %get3A_66 = arith.constant 3 : i32
      %get3A_67 = arith.index_cast %get3A_65 : i32 to index
      %get3A_68 = arith.index_cast %get3A_66 : i32 to index
      %get3A_69 = memref.load %arg12[%get3A_67, %get3A_68] : memref<1x16xf32, #tpu.memory_space<smem>>
      %broadcast_in_dim3A_70 = vector.broadcast %get3A_69 : f32 to vector<16xf32>
      %get3A_71 = arith.constant 0 : i32
      %get3A_72 = arith.constant 4 : i32
      %get3A_73 = arith.index_cast %get3A_71 : i32 to index
      %get3A_74 = arith.index_cast %get3A_72 : i32 to index
      %get3A_75 = memref.load %arg12[%get3A_73, %get3A_74] : memref<1x16xf32, #tpu.memory_space<smem>>
      %broadcast_in_dim3A_76 = vector.broadcast %get3A_75 : f32 to vector<16xf32>
      %get3A_77 = arith.constant 0 : i32
      %get3A_78 = arith.constant 5 : i32
      %get3A_79 = arith.index_cast %get3A_77 : i32 to index
      %get3A_80 = arith.index_cast %get3A_78 : i32 to index
      %get3A_81 = memref.load %arg12[%get3A_79, %get3A_80] : memref<1x16xf32, #tpu.memory_space<smem>>
      %broadcast_in_dim3A_82 = vector.broadcast %get3A_81 : f32 to vector<16xf32>
      %get3A_83 = arith.constant 0 : i32
      %get3A_84 = arith.constant 6 : i32
      %get3A_85 = arith.index_cast %get3A_83 : i32 to index
      %get3A_86 = arith.index_cast %get3A_84 : i32 to index
      %get3A_87 = memref.load %arg12[%get3A_85, %get3A_86] : memref<1x16xf32, #tpu.memory_space<smem>>
      %broadcast_in_dim3A_88 = vector.broadcast %get3A_87 : f32 to vector<16xf32>
      %get3A_89 = arith.constant 0 : i32
      %get3A_90 = arith.constant 7 : i32
      %get3A_91 = arith.index_cast %get3A_89 : i32 to index
      %get3A_92 = arith.index_cast %get3A_90 : i32 to index
      %get3A_93 = memref.load %arg12[%get3A_91, %get3A_92] : memref<1x16xf32, #tpu.memory_space<smem>>
      %broadcast_in_dim3A_94 = vector.broadcast %get3A_93 : f32 to vector<16xf32>
      %scan3A_95 = arith.constant 0 : i32
      %scan3A_96 = arith.constant 64 : i32
      %scan3A_97 = arith.addi %scan3A_95, %scan3A_96 : i32
      %scan3A_98 = arith.constant 8 : i32
      %scan3A_99:8 = scf.for %scan3A_192 = %scan3A_95 to %scan3A_97 step %scan3A_98 iter_args(%scan3A_193 = %broadcast_in_dim3A, %scan3A_194 = %broadcast_in_dim3A_58, %scan3A_195 = %broadcast_in_dim3A_64, %scan3A_196 = %broadcast_in_dim3A_70, %scan3A_197 = %broadcast_in_dim3A_76, %scan3A_198 = %broadcast_in_dim3A_82, %scan3A_199 = %broadcast_in_dim3A_88, %scan3A_200 = %broadcast_in_dim3A_94) -> (vector<16xf32>, vector<16xf32>, vector<16xf32>, vector<16xf32>, vector<16xf32>, vector<16xf32>, vector<16xf32>, vector<16xf32>)  : i32 {
        %broadcast_in_dim3A_201 = vector.broadcast %scan3A_192 : i32 to vector<16xi32>
        %gather3A = tpu.vector_load_idx %arg6[%add3A_48, %broadcast_in_dim3A_201] : memref<256x64xf32, #tpu.memory_space<vmem>>[vector<16xi32>, vector<16xi32>], vector<16xf32>,
        %mul3A_202 = arith.mulf %gather3A, %gather3A : vector<16xf32>
        %get3A_203 = arith.constant 0 : i32
        %get3A_204 = arith.index_cast %get3A_203 : i32 to index
        %get3A_205 = arith.index_cast %scan3A_192 : i32 to index
        %get3A_206 = memref.load %arg11[%get3A_204, %get3A_205] : memref<8x128xf32, #tpu.memory_space<smem>>
        %mul3A_207 = vector.broadcast %get3A_206 : f32 to vector<16xf32>
        %mul3A_208 = arith.mulf %mul3A_207, %mul3A_202 : vector<16xf32>
        %add3A_209 = arith.addf %scan3A_193, %mul3A_208 : vector<16xf32>
        %add3A_210 = arith.constant 64 : i32
        %add3A_211 = arith.addi %add3A_210, %scan3A_192 : i32
        %get3A_212 = arith.constant 0 : i32
        %get3A_213 = arith.index_cast %get3A_212 : i32 to index
        %get3A_214 = arith.index_cast %add3A_211 : i32 to index
        %get3A_215 = memref.load %arg11[%get3A_213, %get3A_214] : memref<8x128xf32, #tpu.memory_space<smem>>
        %mul3A_216 = vector.broadcast %get3A_215 : f32 to vector<16xf32>
        %mul3A_217 = arith.mulf %mul3A_216, %gather3A : vector<16xf32>
        %add3A_218 = arith.addf %add3A_209, %mul3A_217 : vector<16xf32>
        %get3A_219 = arith.constant 1 : i32
        %get3A_220 = arith.index_cast %get3A_219 : i32 to index
        %get3A_221 = arith.index_cast %scan3A_192 : i32 to index
        %get3A_222 = memref.load %arg11[%get3A_220, %get3A_221] : memref<8x128xf32, #tpu.memory_space<smem>>
        %mul3A_223 = vector.broadcast %get3A_222 : f32 to vector<16xf32>
        %mul3A_224 = arith.mulf %mul3A_223, %mul3A_202 : vector<16xf32>
        %add3A_225 = arith.addf %scan3A_194, %mul3A_224 : vector<16xf32>
        %add3A_226 = arith.constant 64 : i32
        %add3A_227 = arith.addi %add3A_226, %scan3A_192 : i32
        %get3A_228 = arith.constant 1 : i32
        %get3A_229 = arith.index_cast %get3A_228 : i32 to index
        %get3A_230 = arith.index_cast %add3A_227 : i32 to index
        %get3A_231 = memref.load %arg11[%get3A_229, %get3A_230] : memref<8x128xf32, #tpu.memory_space<smem>>
        %mul3A_232 = vector.broadcast %get3A_231 : f32 to vector<16xf32>
        %mul3A_233 = arith.mulf %mul3A_232, %gather3A : vector<16xf32>
        %add3A_234 = arith.addf %add3A_225, %mul3A_233 : vector<16xf32>
        %get3A_235 = arith.constant 2 : i32
        %get3A_236 = arith.index_cast %get3A_235 : i32 to index
        %get3A_237 = arith.index_cast %scan3A_192 : i32 to index
        %get3A_238 = memref.load %arg11[%get3A_236, %get3A_237] : memref<8x128xf32, #tpu.memory_space<smem>>
        %mul3A_239 = vector.broadcast %get3A_238 : f32 to vector<16xf32>
        %mul3A_240 = arith.mulf %mul3A_239, %mul3A_202 : vector<16xf32>
        %add3A_241 = arith.addf %scan3A_195, %mul3A_240 : vector<16xf32>
        %add3A_242 = arith.constant 64 : i32
        %add3A_243 = arith.addi %add3A_242, %scan3A_192 : i32
        %get3A_244 = arith.constant 2 : i32
        %get3A_245 = arith.index_cast %get3A_244 : i32 to index
        %get3A_246 = arith.index_cast %add3A_243 : i32 to index
        %get3A_247 = memref.load %arg11[%get3A_245, %get3A_246] : memref<8x128xf32, #tpu.memory_space<smem>>
        %mul3A_248 = vector.broadcast %get3A_247 : f32 to vector<16xf32>
        %mul3A_249 = arith.mulf %mul3A_248, %gather3A : vector<16xf32>
        %add3A_250 = arith.addf %add3A_241, %mul3A_249 : vector<16xf32>
        %get3A_251 = arith.constant 3 : i32
        %get3A_252 = arith.index_cast %get3A_251 : i32 to index
        %get3A_253 = arith.index_cast %scan3A_192 : i32 to index
        %get3A_254 = memref.load %arg11[%get3A_252, %get3A_253] : memref<8x128xf32, #tpu.memory_space<smem>>
        %mul3A_255 = vector.broadcast %get3A_254 : f32 to vector<16xf32>
        %mul3A_256 = arith.mulf %mul3A_255, %mul3A_202 : vector<16xf32>
        %add3A_257 = arith.addf %scan3A_196, %mul3A_256 : vector<16xf32>
        %add3A_258 = arith.constant 64 : i32
        %add3A_259 = arith.addi %add3A_258, %scan3A_192 : i32
        %get3A_260 = arith.constant 3 : i32
        %get3A_261 = arith.index_cast %get3A_260 : i32 to index
        %get3A_262 = arith.index_cast %add3A_259 : i32 to index
        %get3A_263 = memref.load %arg11[%get3A_261, %get3A_262] : memref<8x128xf32, #tpu.memory_space<smem>>
        %mul3A_264 = vector.broadcast %get3A_263 : f32 to vector<16xf32>
        %mul3A_265 = arith.mulf %mul3A_264, %gather3A : vector<16xf32>
        %add3A_266 = arith.addf %add3A_257, %mul3A_265 : vector<16xf32>
        %get3A_267 = arith.constant 4 : i32
        %get3A_268 = arith.index_cast %get3A_267 : i32 to index
        %get3A_269 = arith.index_cast %scan3A_192 : i32 to index
        %get3A_270 = memref.load %arg11[%get3A_268, %get3A_269] : memref<8x128xf32, #tpu.memory_space<smem>>
        %mul3A_271 = vector.broadcast %get3A_270 : f32 to vector<16xf32>
        %mul3A_272 = arith.mulf %mul3A_271, %mul3A_202 : vector<16xf32>
        %add3A_273 = arith.addf %scan3A_197, %mul3A_272 : vector<16xf32>
        %add3A_274 = arith.constant 64 : i32
        %add3A_275 = arith.addi %add3A_274, %scan3A_192 : i32
        %get3A_276 = arith.constant 4 : i32
        %get3A_277 = arith.index_cast %get3A_276 : i32 to index
        %get3A_278 = arith.index_cast %add3A_275 : i32 to index
        %get3A_279 = memref.load %arg11[%get3A_277, %get3A_278] : memref<8x128xf32, #tpu.memory_space<smem>>
        %mul3A_280 = vector.broadcast %get3A_279 : f32 to vector<16xf32>
        %mul3A_281 = arith.mulf %mul3A_280, %gather3A : vector<16xf32>
        %add3A_282 = arith.addf %add3A_273, %mul3A_281 : vector<16xf32>
        %get3A_283 = arith.constant 5 : i32
        %get3A_284 = arith.index_cast %get3A_283 : i32 to index
        %get3A_285 = arith.index_cast %scan3A_192 : i32 to index
        %get3A_286 = memref.load %arg11[%get3A_284, %get3A_285] : memref<8x128xf32, #tpu.memory_space<smem>>
        %mul3A_287 = vector.broadcast %get3A_286 : f32 to vector<16xf32>
        %mul3A_288 = arith.mulf %mul3A_287, %mul3A_202 : vector<16xf32>
        %add3A_289 = arith.addf %scan3A_198, %mul3A_288 : vector<16xf32>
        %add3A_290 = arith.constant 64 : i32
        %add3A_291 = arith.addi %add3A_290, %scan3A_192 : i32
        %get3A_292 = arith.constant 5 : i32
        %get3A_293 = arith.index_cast %get3A_292 : i32 to index
        %get3A_294 = arith.index_cast %add3A_291 : i32 to index
        %get3A_295 = memref.load %arg11[%get3A_293, %get3A_294] : memref<8x128xf32, #tpu.memory_space<smem>>
        %mul3A_296 = vector.broadcast %get3A_295 : f32 to vector<16xf32>
        %mul3A_297 = arith.mulf %mul3A_296, %gather3A : vector<16xf32>
        %add3A_298 = arith.addf %add3A_289, %mul3A_297 : vector<16xf32>
        %get3A_299 = arith.constant 6 : i32
        %get3A_300 = arith.index_cast %get3A_299 : i32 to index
        %get3A_301 = arith.index_cast %scan3A_192 : i32 to index
        %get3A_302 = memref.load %arg11[%get3A_300, %get3A_301] : memref<8x128xf32, #tpu.memory_space<smem>>
        %mul3A_303 = vector.broadcast %get3A_302 : f32 to vector<16xf32>
        %mul3A_304 = arith.mulf %mul3A_303, %mul3A_202 : vector<16xf32>
        %add3A_305 = arith.addf %scan3A_199, %mul3A_304 : vector<16xf32>
        %add3A_306 = arith.constant 64 : i32
        %add3A_307 = arith.addi %add3A_306, %scan3A_192 : i32
        %get3A_308 = arith.constant 6 : i32
        %get3A_309 = arith.index_cast %get3A_308 : i32 to index
        %get3A_310 = arith.index_cast %add3A_307 : i32 to index
        %get3A_311 = memref.load %arg11[%get3A_309, %get3A_310] : memref<8x128xf32, #tpu.memory_space<smem>>
        %mul3A_312 = vector.broadcast %get3A_311 : f32 to vector<16xf32>
        %mul3A_313 = arith.mulf %mul3A_312, %gather3A : vector<16xf32>
        %add3A_314 = arith.addf %add3A_305, %mul3A_313 : vector<16xf32>
        %get3A_315 = arith.constant 7 : i32
        %get3A_316 = arith.index_cast %get3A_315 : i32 to index
        %get3A_317 = arith.index_cast %scan3A_192 : i32 to index
        %get3A_318 = memref.load %arg11[%get3A_316, %get3A_317] : memref<8x128xf32, #tpu.memory_space<smem>>
        %mul3A_319 = vector.broadcast %get3A_318 : f32 to vector<16xf32>
        %mul3A_320 = arith.mulf %mul3A_319, %mul3A_202 : vector<16xf32>
        %add3A_321 = arith.addf %scan3A_200, %mul3A_320 : vector<16xf32>
        %add3A_322 = arith.constant 64 : i32
        %add3A_323 = arith.addi %add3A_322, %scan3A_192 : i32
        %get3A_324 = arith.constant 7 : i32
        %get3A_325 = arith.index_cast %get3A_324 : i32 to index
        %get3A_326 = arith.index_cast %add3A_323 : i32 to index
        %get3A_327 = memref.load %arg11[%get3A_325, %get3A_326] : memref<8x128xf32, #tpu.memory_space<smem>>
        %mul3A_328 = vector.broadcast %get3A_327 : f32 to vector<16xf32>
        %mul3A_329 = arith.mulf %mul3A_328, %gather3A : vector<16xf32>
        %add3A_330 = arith.addf %add3A_321, %mul3A_329 : vector<16xf32>
        %scan3A_331 = arith.constant 1 : i32
        %scan3A_332 = arith.addi %scan3A_192, %scan3A_331 : i32
        %broadcast_in_dim3A_333 = vector.broadcast %scan3A_332 : i32 to vector<16xi32>
        %gather3A_334 = tpu.vector_load_idx %arg6[%add3A_48, %broadcast_in_dim3A_333] : memref<256x64xf32, #tpu.memory_space<vmem>>[vector<16xi32>, vector<16xi32>], vector<16xf32>,
        %mul3A_335 = arith.mulf %gather3A_334, %gather3A_334 : vector<16xf32>
        %get3A_336 = arith.constant 0 : i32
        %get3A_337 = arith.index_cast %get3A_336 : i32 to index
        %get3A_338 = arith.index_cast %scan3A_332 : i32 to index
        %get3A_339 = memref.load %arg11[%get3A_337, %get3A_338] : memref<8x128xf32, #tpu.memory_space<smem>>
        %mul3A_340 = vector.broadcast %get3A_339 : f32 to vector<16xf32>
        %mul3A_341 = arith.mulf %mul3A_340, %mul3A_335 : vector<16xf32>
        %add3A_342 = arith.addf %add3A_218, %mul3A_341 : vector<16xf32>
        %add3A_343 = arith.constant 64 : i32
        %add3A_344 = arith.addi %add3A_343, %scan3A_332 : i32
        %get3A_345 = arith.constant 0 : i32
        %get3A_346 = arith.index_cast %get3A_345 : i32 to index
        %get3A_347 = arith.index_cast %add3A_344 : i32 to index
        %get3A_348 = memref.load %arg11[%get3A_346, %get3A_347] : memref<8x128xf32, #tpu.memory_space<smem>>
        %mul3A_349 = vector.broadcast %get3A_348 : f32 to vector<16xf32>
        %mul3A_350 = arith.mulf %mul3A_349, %gather3A_334 : vector<16xf32>
        %add3A_351 = arith.addf %add3A_342, %mul3A_350 : vector<16xf32>
        %get3A_352 = arith.constant 1 : i32
        %get3A_353 = arith.index_cast %get3A_352 : i32 to index
        %get3A_354 = arith.index_cast %scan3A_332 : i32 to index
        %get3A_355 = memref.load %arg11[%get3A_353, %get3A_354] : memref<8x128xf32, #tpu.memory_space<smem>>
        %mul3A_356 = vector.broadcast %get3A_355 : f32 to vector<16xf32>
        %mul3A_357 = arith.mulf %mul3A_356, %mul3A_335 : vector<16xf32>
        %add3A_358 = arith.addf %add3A_234, %mul3A_357 : vector<16xf32>
        %add3A_359 = arith.constant 64 : i32
        %add3A_360 = arith.addi %add3A_359, %scan3A_332 : i32
        %get3A_361 = arith.constant 1 : i32
        %get3A_362 = arith.index_cast %get3A_361 : i32 to index
        %get3A_363 = arith.index_cast %add3A_360 : i32 to index
        %get3A_364 = memref.load %arg11[%get3A_362, %get3A_363] : memref<8x128xf32, #tpu.memory_space<smem>>
        %mul3A_365 = vector.broadcast %get3A_364 : f32 to vector<16xf32>
        %mul3A_366 = arith.mulf %mul3A_365, %gather3A_334 : vector<16xf32>
        %add3A_367 = arith.addf %add3A_358, %mul3A_366 : vector<16xf32>
        %get3A_368 = arith.constant 2 : i32
        %get3A_369 = arith.index_cast %get3A_368 : i32 to index
        %get3A_370 = arith.index_cast %scan3A_332 : i32 to index
        %get3A_371 = memref.load %arg11[%get3A_369, %get3A_370] : memref<8x128xf32, #tpu.memory_space<smem>>
        %mul3A_372 = vector.broadcast %get3A_371 : f32 to vector<16xf32>
        %mul3A_373 = arith.mulf %mul3A_372, %mul3A_335 : vector<16xf32>
        %add3A_374 = arith.addf %add3A_250, %mul3A_373 : vector<16xf32>
        %add3A_375 = arith.constant 64 : i32
        %add3A_376 = arith.addi %add3A_375, %scan3A_332 : i32
        %get3A_377 = arith.constant 2 : i32
        %get3A_378 = arith.index_cast %get3A_377 : i32 to index
        %get3A_379 = arith.index_cast %add3A_376 : i32 to index
        %get3A_380 = memref.load %arg11[%get3A_378, %get3A_379] : memref<8x128xf32, #tpu.memory_space<smem>>
        %mul3A_381 = vector.broadcast %get3A_380 : f32 to vector<16xf32>
        %mul3A_382 = arith.mulf %mul3A_381, %gather3A_334 : vector<16xf32>
        %add3A_383 = arith.addf %add3A_374, %mul3A_382 : vector<16xf32>
        %get3A_384 = arith.constant 3 : i32
        %get3A_385 = arith.index_cast %get3A_384 : i32 to index
        %get3A_386 = arith.index_cast %scan3A_332 : i32 to index
        %get3A_387 = memref.load %arg11[%get3A_385, %get3A_386] : memref<8x128xf32, #tpu.memory_space<smem>>
        %mul3A_388 = vector.broadcast %get3A_387 : f32 to vector<16xf32>
        %mul3A_389 = arith.mulf %mul3A_388, %mul3A_335 : vector<16xf32>
        %add3A_390 = arith.addf %add3A_266, %mul3A_389 : vector<16xf32>
        %add3A_391 = arith.constant 64 : i32
        %add3A_392 = arith.addi %add3A_391, %scan3A_332 : i32
        %get3A_393 = arith.constant 3 : i32
        %get3A_394 = arith.index_cast %get3A_393 : i32 to index
        %get3A_395 = arith.index_cast %add3A_392 : i32 to index
        %get3A_396 = memref.load %arg11[%get3A_394, %get3A_395] : memref<8x128xf32, #tpu.memory_space<smem>>
        %mul3A_397 = vector.broadcast %get3A_396 : f32 to vector<16xf32>
        %mul3A_398 = arith.mulf %mul3A_397, %gather3A_334 : vector<16xf32>
        %add3A_399 = arith.addf %add3A_390, %mul3A_398 : vector<16xf32>
        %get3A_400 = arith.constant 4 : i32
        %get3A_401 = arith.index_cast %get3A_400 : i32 to index
        %get3A_402 = arith.index_cast %scan3A_332 : i32 to index
        %get3A_403 = memref.load %arg11[%get3A_401, %get3A_402] : memref<8x128xf32, #tpu.memory_space<smem>>
        %mul3A_404 = vector.broadcast %get3A_403 : f32 to vector<16xf32>
        %mul3A_405 = arith.mulf %mul3A_404, %mul3A_335 : vector<16xf32>
        %add3A_406 = arith.addf %add3A_282, %mul3A_405 : vector<16xf32>
        %add3A_407 = arith.constant 64 : i32
        %add3A_408 = arith.addi %add3A_407, %scan3A_332 : i32
        %get3A_409 = arith.constant 4 : i32
        %get3A_410 = arith.index_cast %get3A_409 : i32 to index
        %get3A_411 = arith.index_cast %add3A_408 : i32 to index
        %get3A_412 = memref.load %arg11[%get3A_410, %get3A_411] : memref<8x128xf32, #tpu.memory_space<smem>>
        %mul3A_413 = vector.broadcast %get3A_412 : f32 to vector<16xf32>
        %mul3A_414 = arith.mulf %mul3A_413, %gather3A_334 : vector<16xf32>
        %add3A_415 = arith.addf %add3A_406, %mul3A_414 : vector<16xf32>
        %get3A_416 = arith.constant 5 : i32
        %get3A_417 = arith.index_cast %get3A_416 : i32 to index
        %get3A_418 = arith.index_cast %scan3A_332 : i32 to index
        %get3A_419 = memref.load %arg11[%get3A_417, %get3A_418] : memref<8x128xf32, #tpu.memory_space<smem>>
        %mul3A_420 = vector.broadcast %get3A_419 : f32 to vector<16xf32>
        %mul3A_421 = arith.mulf %mul3A_420, %mul3A_335 : vector<16xf32>
        %add3A_422 = arith.addf %add3A_298, %mul3A_421 : vector<16xf32>
        %add3A_423 = arith.constant 64 : i32
        %add3A_424 = arith.addi %add3A_423, %scan3A_332 : i32
        %get3A_425 = arith.constant 5 : i32
        %get3A_426 = arith.index_cast %get3A_425 : i32 to index
        %get3A_427 = arith.index_cast %add3A_424 : i32 to index
        %get3A_428 = memref.load %arg11[%get3A_426, %get3A_427] : memref<8x128xf32, #tpu.memory_space<smem>>
        %mul3A_429 = vector.broadcast %get3A_428 : f32 to vector<16xf32>
        %mul3A_430 = arith.mulf %mul3A_429, %gather3A_334 : vector<16xf32>
        %add3A_431 = arith.addf %add3A_422, %mul3A_430 : vector<16xf32>
        %get3A_432 = arith.constant 6 : i32
        %get3A_433 = arith.index_cast %get3A_432 : i32 to index
        %get3A_434 = arith.index_cast %scan3A_332 : i32 to index
        %get3A_435 = memref.load %arg11[%get3A_433, %get3A_434] : memref<8x128xf32, #tpu.memory_space<smem>>
        %mul3A_436 = vector.broadcast %get3A_435 : f32 to vector<16xf32>
        %mul3A_437 = arith.mulf %mul3A_436, %mul3A_335 : vector<16xf32>
        %add3A_438 = arith.addf %add3A_314, %mul3A_437 : vector<16xf32>
        %add3A_439 = arith.constant 64 : i32
        %add3A_440 = arith.addi %add3A_439, %scan3A_332 : i32
        %get3A_441 = arith.constant 6 : i32
        %get3A_442 = arith.index_cast %get3A_441 : i32 to index
        %get3A_443 = arith.index_cast %add3A_440 : i32 to index
        %get3A_444 = memref.load %arg11[%get3A_442, %get3A_443] : memref<8x128xf32, #tpu.memory_space<smem>>
        %mul3A_445 = vector.broadcast %get3A_444 : f32 to vector<16xf32>
        %mul3A_446 = arith.mulf %mul3A_445, %gather3A_334 : vector<16xf32>
        %add3A_447 = arith.addf %add3A_438, %mul3A_446 : vector<16xf32>
        %get3A_448 = arith.constant 7 : i32
        %get3A_449 = arith.index_cast %get3A_448 : i32 to index
        %get3A_450 = arith.index_cast %scan3A_332 : i32 to index
        %get3A_451 = memref.load %arg11[%get3A_449, %get3A_450] : memref<8x128xf32, #tpu.memory_space<smem>>
        %mul3A_452 = vector.broadcast %get3A_451 : f32 to vector<16xf32>
        %mul3A_453 = arith.mulf %mul3A_452, %mul3A_335 : vector<16xf32>
        %add3A_454 = arith.addf %add3A_330, %mul3A_453 : vector<16xf32>
        %add3A_455 = arith.constant 64 : i32
        %add3A_456 = arith.addi %add3A_455, %scan3A_332 : i32
        %get3A_457 = arith.constant 7 : i32
        %get3A_458 = arith.index_cast %get3A_457 : i32 to index
        %get3A_459 = arith.index_cast %add3A_456 : i32 to index
        %get3A_460 = memref.load %arg11[%get3A_458, %get3A_459] : memref<8x128xf32, #tpu.memory_space<smem>>
        %mul3A_461 = vector.broadcast %get3A_460 : f32 to vector<16xf32>
        %mul3A_462 = arith.mulf %mul3A_461, %gather3A_334 : vector<16xf32>
        %add3A_463 = arith.addf %add3A_454, %mul3A_462 : vector<16xf32>
        %scan3A_464 = arith.constant 2 : i32
        %scan3A_465 = arith.addi %scan3A_192, %scan3A_464 : i32
        %broadcast_in_dim3A_466 = vector.broadcast %scan3A_465 : i32 to vector<16xi32>
        %gather3A_467 = tpu.vector_load_idx %arg6[%add3A_48, %broadcast_in_dim3A_466] : memref<256x64xf32, #tpu.memory_space<vmem>>[vector<16xi32>, vector<16xi32>], vector<16xf32>,
        %mul3A_468 = arith.mulf %gather3A_467, %gather3A_467 : vector<16xf32>
        %get3A_469 = arith.constant 0 : i32
        %get3A_470 = arith.index_cast %get3A_469 : i32 to index
        %get3A_471 = arith.index_cast %scan3A_465 : i32 to index
        %get3A_472 = memref.load %arg11[%get3A_470, %get3A_471] : memref<8x128xf32, #tpu.memory_space<smem>>
        %mul3A_473 = vector.broadcast %get3A_472 : f32 to vector<16xf32>
        %mul3A_474 = arith.mulf %mul3A_473, %mul3A_468 : vector<16xf32>
        %add3A_475 = arith.addf %add3A_351, %mul3A_474 : vector<16xf32>
        %add3A_476 = arith.constant 64 : i32
        %add3A_477 = arith.addi %add3A_476, %scan3A_465 : i32
        %get3A_478 = arith.constant 0 : i32
        %get3A_479 = arith.index_cast %get3A_478 : i32 to index
        %get3A_480 = arith.index_cast %add3A_477 : i32 to index
        %get3A_481 = memref.load %arg11[%get3A_479, %get3A_480] : memref<8x128xf32, #tpu.memory_space<smem>>
        %mul3A_482 = vector.broadcast %get3A_481 : f32 to vector<16xf32>
        %mul3A_483 = arith.mulf %mul3A_482, %gather3A_467 : vector<16xf32>
        %add3A_484 = arith.addf %add3A_475, %mul3A_483 : vector<16xf32>
        %get3A_485 = arith.constant 1 : i32
        %get3A_486 = arith.index_cast %get3A_485 : i32 to index
        %get3A_487 = arith.index_cast %scan3A_465 : i32 to index
        %get3A_488 = memref.load %arg11[%get3A_486, %get3A_487] : memref<8x128xf32, #tpu.memory_space<smem>>
        %mul3A_489 = vector.broadcast %get3A_488 : f32 to vector<16xf32>
        %mul3A_490 = arith.mulf %mul3A_489, %mul3A_468 : vector<16xf32>
        %add3A_491 = arith.addf %add3A_367, %mul3A_490 : vector<16xf32>
        %add3A_492 = arith.constant 64 : i32
        %add3A_493 = arith.addi %add3A_492, %scan3A_465 : i32
        %get3A_494 = arith.constant 1 : i32
        %get3A_495 = arith.index_cast %get3A_494 : i32 to index
        %get3A_496 = arith.index_cast %add3A_493 : i32 to index
        %get3A_497 = memref.load %arg11[%get3A_495, %get3A_496] : memref<8x128xf32, #tpu.memory_space<smem>>
        %mul3A_498 = vector.broadcast %get3A_497 : f32 to vector<16xf32>
        %mul3A_499 = arith.mulf %mul3A_498, %gather3A_467 : vector<16xf32>
        %add3A_500 = arith.addf %add3A_491, %mul3A_499 : vector<16xf32>
        %get3A_501 = arith.constant 2 : i32
        %get3A_502 = arith.index_cast %get3A_501 : i32 to index
        %get3A_503 = arith.index_cast %scan3A_465 : i32 to index
        %get3A_504 = memref.load %arg11[%get3A_502, %get3A_503] : memref<8x128xf32, #tpu.memory_space<smem>>
        %mul3A_505 = vector.broadcast %get3A_504 : f32 to vector<16xf32>
        %mul3A_506 = arith.mulf %mul3A_505, %mul3A_468 : vector<16xf32>
        %add3A_507 = arith.addf %add3A_383, %mul3A_506 : vector<16xf32>
        %add3A_508 = arith.constant 64 : i32
        %add3A_509 = arith.addi %add3A_508, %scan3A_465 : i32
        %get3A_510 = arith.constant 2 : i32
        %get3A_511 = arith.index_cast %get3A_510 : i32 to index
        %get3A_512 = arith.index_cast %add3A_509 : i32 to index
        %get3A_513 = memref.load %arg11[%get3A_511, %get3A_512] : memref<8x128xf32, #tpu.memory_space<smem>>
        %mul3A_514 = vector.broadcast %get3A_513 : f32 to vector<16xf32>
        %mul3A_515 = arith.mulf %mul3A_514, %gather3A_467 : vector<16xf32>
        %add3A_516 = arith.addf %add3A_507, %mul3A_515 : vector<16xf32>
        %get3A_517 = arith.constant 3 : i32
        %get3A_518 = arith.index_cast %get3A_517 : i32 to index
        %get3A_519 = arith.index_cast %scan3A_465 : i32 to index
        %get3A_520 = memref.load %arg11[%get3A_518, %get3A_519] : memref<8x128xf32, #tpu.memory_space<smem>>
        %mul3A_521 = vector.broadcast %get3A_520 : f32 to vector<16xf32>
        %mul3A_522 = arith.mulf %mul3A_521, %mul3A_468 : vector<16xf32>
        %add3A_523 = arith.addf %add3A_399, %mul3A_522 : vector<16xf32>
        %add3A_524 = arith.constant 64 : i32
        %add3A_525 = arith.addi %add3A_524, %scan3A_465 : i32
        %get3A_526 = arith.constant 3 : i32
        %get3A_527 = arith.index_cast %get3A_526 : i32 to index
        %get3A_528 = arith.index_cast %add3A_525 : i32 to index
        %get3A_529 = memref.load %arg11[%get3A_527, %get3A_528] : memref<8x128xf32, #tpu.memory_space<smem>>
        %mul3A_530 = vector.broadcast %get3A_529 : f32 to vector<16xf32>
        %mul3A_531 = arith.mulf %mul3A_530, %gather3A_467 : vector<16xf32>
        %add3A_532 = arith.addf %add3A_523, %mul3A_531 : vector<16xf32>
        %get3A_533 = arith.constant 4 : i32
        %get3A_534 = arith.index_cast %get3A_533 : i32 to index
        %get3A_535 = arith.index_cast %scan3A_465 : i32 to index
        %get3A_536 = memref.load %arg11[%get3A_534, %get3A_535] : memref<8x128xf32, #tpu.memory_space<smem>>
        %mul3A_537 = vector.broadcast %get3A_536 : f32 to vector<16xf32>
        %mul3A_538 = arith.mulf %mul3A_537, %mul3A_468 : vector<16xf32>
        %add3A_539 = arith.addf %add3A_415, %mul3A_538 : vector<16xf32>
        %add3A_540 = arith.constant 64 : i32
        %add3A_541 = arith.addi %add3A_540, %scan3A_465 : i32
        %get3A_542 = arith.constant 4 : i32
        %get3A_543 = arith.index_cast %get3A_542 : i32 to index
        %get3A_544 = arith.index_cast %add3A_541 : i32 to index
        %get3A_545 = memref.load %arg11[%get3A_543, %get3A_544] : memref<8x128xf32, #tpu.memory_space<smem>>
        %mul3A_546 = vector.broadcast %get3A_545 : f32 to vector<16xf32>
        %mul3A_547 = arith.mulf %mul3A_546, %gather3A_467 : vector<16xf32>
        %add3A_548 = arith.addf %add3A_539, %mul3A_547 : vector<16xf32>
        %get3A_549 = arith.constant 5 : i32
        %get3A_550 = arith.index_cast %get3A_549 : i32 to index
        %get3A_551 = arith.index_cast %scan3A_465 : i32 to index
        %get3A_552 = memref.load %arg11[%get3A_550, %get3A_551] : memref<8x128xf32, #tpu.memory_space<smem>>
        %mul3A_553 = vector.broadcast %get3A_552 : f32 to vector<16xf32>
        %mul3A_554 = arith.mulf %mul3A_553, %mul3A_468 : vector<16xf32>
        %add3A_555 = arith.addf %add3A_431, %mul3A_554 : vector<16xf32>
        %add3A_556 = arith.constant 64 : i32
        %add3A_557 = arith.addi %add3A_556, %scan3A_465 : i32
        %get3A_558 = arith.constant 5 : i32
        %get3A_559 = arith.index_cast %get3A_558 : i32 to index
        %get3A_560 = arith.index_cast %add3A_557 : i32 to index
        %get3A_561 = memref.load %arg11[%get3A_559, %get3A_560] : memref<8x128xf32, #tpu.memory_space<smem>>
        %mul3A_562 = vector.broadcast %get3A_561 : f32 to vector<16xf32>
        %mul3A_563 = arith.mulf %mul3A_562, %gather3A_467 : vector<16xf32>
        %add3A_564 = arith.addf %add3A_555, %mul3A_563 : vector<16xf32>
        %get3A_565 = arith.constant 6 : i32
        %get3A_566 = arith.index_cast %get3A_565 : i32 to index
        %get3A_567 = arith.index_cast %scan3A_465 : i32 to index
        %get3A_568 = memref.load %arg11[%get3A_566, %get3A_567] : memref<8x128xf32, #tpu.memory_space<smem>>
        %mul3A_569 = vector.broadcast %get3A_568 : f32 to vector<16xf32>
        %mul3A_570 = arith.mulf %mul3A_569, %mul3A_468 : vector<16xf32>
        %add3A_571 = arith.addf %add3A_447, %mul3A_570 : vector<16xf32>
        %add3A_572 = arith.constant 64 : i32
        %add3A_573 = arith.addi %add3A_572, %scan3A_465 : i32
        %get3A_574 = arith.constant 6 : i32
        %get3A_575 = arith.index_cast %get3A_574 : i32 to index
        %get3A_576 = arith.index_cast %add3A_573 : i32 to index
        %get3A_577 = memref.load %arg11[%get3A_575, %get3A_576] : memref<8x128xf32, #tpu.memory_space<smem>>
        %mul3A_578 = vector.broadcast %get3A_577 : f32 to vector<16xf32>
        %mul3A_579 = arith.mulf %mul3A_578, %gather3A_467 : vector<16xf32>
        %add3A_580 = arith.addf %add3A_571, %mul3A_579 : vector<16xf32>
        %get3A_581 = arith.constant 7 : i32
        %get3A_582 = arith.index_cast %get3A_581 : i32 to index
        %get3A_583 = arith.index_cast %scan3A_465 : i32 to index
        %get3A_584 = memref.load %arg11[%get3A_582, %get3A_583] : memref<8x128xf32, #tpu.memory_space<smem>>
        %mul3A_585 = vector.broadcast %get3A_584 : f32 to vector<16xf32>
        %mul3A_586 = arith.mulf %mul3A_585, %mul3A_468 : vector<16xf32>
        %add3A_587 = arith.addf %add3A_463, %mul3A_586 : vector<16xf32>
        %add3A_588 = arith.constant 64 : i32
        %add3A_589 = arith.addi %add3A_588, %scan3A_465 : i32
        %get3A_590 = arith.constant 7 : i32
        %get3A_591 = arith.index_cast %get3A_590 : i32 to index
        %get3A_592 = arith.index_cast %add3A_589 : i32 to index
        %get3A_593 = memref.load %arg11[%get3A_591, %get3A_592] : memref<8x128xf32, #tpu.memory_space<smem>>
        %mul3A_594 = vector.broadcast %get3A_593 : f32 to vector<16xf32>
        %mul3A_595 = arith.mulf %mul3A_594, %gather3A_467 : vector<16xf32>
        %add3A_596 = arith.addf %add3A_587, %mul3A_595 : vector<16xf32>
        %scan3A_597 = arith.constant 3 : i32
        %scan3A_598 = arith.addi %scan3A_192, %scan3A_597 : i32
        %broadcast_in_dim3A_599 = vector.broadcast %scan3A_598 : i32 to vector<16xi32>
        %gather3A_600 = tpu.vector_load_idx %arg6[%add3A_48, %broadcast_in_dim3A_599] : memref<256x64xf32, #tpu.memory_space<vmem>>[vector<16xi32>, vector<16xi32>], vector<16xf32>,
        %mul3A_601 = arith.mulf %gather3A_600, %gather3A_600 : vector<16xf32>
        %get3A_602 = arith.constant 0 : i32
        %get3A_603 = arith.index_cast %get3A_602 : i32 to index
        %get3A_604 = arith.index_cast %scan3A_598 : i32 to index
        %get3A_605 = memref.load %arg11[%get3A_603, %get3A_604] : memref<8x128xf32, #tpu.memory_space<smem>>
        %mul3A_606 = vector.broadcast %get3A_605 : f32 to vector<16xf32>
        %mul3A_607 = arith.mulf %mul3A_606, %mul3A_601 : vector<16xf32>
        %add3A_608 = arith.addf %add3A_484, %mul3A_607 : vector<16xf32>
        %add3A_609 = arith.constant 64 : i32
        %add3A_610 = arith.addi %add3A_609, %scan3A_598 : i32
        %get3A_611 = arith.constant 0 : i32
        %get3A_612 = arith.index_cast %get3A_611 : i32 to index
        %get3A_613 = arith.index_cast %add3A_610 : i32 to index
        %get3A_614 = memref.load %arg11[%get3A_612, %get3A_613] : memref<8x128xf32, #tpu.memory_space<smem>>
        %mul3A_615 = vector.broadcast %get3A_614 : f32 to vector<16xf32>
        %mul3A_616 = arith.mulf %mul3A_615, %gather3A_600 : vector<16xf32>
        %add3A_617 = arith.addf %add3A_608, %mul3A_616 : vector<16xf32>
        %get3A_618 = arith.constant 1 : i32
        %get3A_619 = arith.index_cast %get3A_618 : i32 to index
        %get3A_620 = arith.index_cast %scan3A_598 : i32 to index
        %get3A_621 = memref.load %arg11[%get3A_619, %get3A_620] : memref<8x128xf32, #tpu.memory_space<smem>>
        %mul3A_622 = vector.broadcast %get3A_621 : f32 to vector<16xf32>
        %mul3A_623 = arith.mulf %mul3A_622, %mul3A_601 : vector<16xf32>
        %add3A_624 = arith.addf %add3A_500, %mul3A_623 : vector<16xf32>
        %add3A_625 = arith.constant 64 : i32
        %add3A_626 = arith.addi %add3A_625, %scan3A_598 : i32
        %get3A_627 = arith.constant 1 : i32
        %get3A_628 = arith.index_cast %get3A_627 : i32 to index
        %get3A_629 = arith.index_cast %add3A_626 : i32 to index
        %get3A_630 = memref.load %arg11[%get3A_628, %get3A_629] : memref<8x128xf32, #tpu.memory_space<smem>>
        %mul3A_631 = vector.broadcast %get3A_630 : f32 to vector<16xf32>
        %mul3A_632 = arith.mulf %mul3A_631, %gather3A_600 : vector<16xf32>
        %add3A_633 = arith.addf %add3A_624, %mul3A_632 : vector<16xf32>
        %get3A_634 = arith.constant 2 : i32
        %get3A_635 = arith.index_cast %get3A_634 : i32 to index
        %get3A_636 = arith.index_cast %scan3A_598 : i32 to index
        %get3A_637 = memref.load %arg11[%get3A_635, %get3A_636] : memref<8x128xf32, #tpu.memory_space<smem>>
        %mul3A_638 = vector.broadcast %get3A_637 : f32 to vector<16xf32>
        %mul3A_639 = arith.mulf %mul3A_638, %mul3A_601 : vector<16xf32>
        %add3A_640 = arith.addf %add3A_516, %mul3A_639 : vector<16xf32>
        %add3A_641 = arith.constant 64 : i32
        %add3A_642 = arith.addi %add3A_641, %scan3A_598 : i32
        %get3A_643 = arith.constant 2 : i32
        %get3A_644 = arith.index_cast %get3A_643 : i32 to index
        %get3A_645 = arith.index_cast %add3A_642 : i32 to index
        %get3A_646 = memref.load %arg11[%get3A_644, %get3A_645] : memref<8x128xf32, #tpu.memory_space<smem>>
        %mul3A_647 = vector.broadcast %get3A_646 : f32 to vector<16xf32>
        %mul3A_648 = arith.mulf %mul3A_647, %gather3A_600 : vector<16xf32>
        %add3A_649 = arith.addf %add3A_640, %mul3A_648 : vector<16xf32>
        %get3A_650 = arith.constant 3 : i32
        %get3A_651 = arith.index_cast %get3A_650 : i32 to index
        %get3A_652 = arith.index_cast %scan3A_598 : i32 to index
        %get3A_653 = memref.load %arg11[%get3A_651, %get3A_652] : memref<8x128xf32, #tpu.memory_space<smem>>
        %mul3A_654 = vector.broadcast %get3A_653 : f32 to vector<16xf32>
        %mul3A_655 = arith.mulf %mul3A_654, %mul3A_601 : vector<16xf32>
        %add3A_656 = arith.addf %add3A_532, %mul3A_655 : vector<16xf32>
        %add3A_657 = arith.constant 64 : i32
        %add3A_658 = arith.addi %add3A_657, %scan3A_598 : i32
        %get3A_659 = arith.constant 3 : i32
        %get3A_660 = arith.index_cast %get3A_659 : i32 to index
        %get3A_661 = arith.index_cast %add3A_658 : i32 to index
        %get3A_662 = memref.load %arg11[%get3A_660, %get3A_661] : memref<8x128xf32, #tpu.memory_space<smem>>
        %mul3A_663 = vector.broadcast %get3A_662 : f32 to vector<16xf32>
        %mul3A_664 = arith.mulf %mul3A_663, %gather3A_600 : vector<16xf32>
        %add3A_665 = arith.addf %add3A_656, %mul3A_664 : vector<16xf32>
        %get3A_666 = arith.constant 4 : i32
        %get3A_667 = arith.index_cast %get3A_666 : i32 to index
        %get3A_668 = arith.index_cast %scan3A_598 : i32 to index
        %get3A_669 = memref.load %arg11[%get3A_667, %get3A_668] : memref<8x128xf32, #tpu.memory_space<smem>>
        %mul3A_670 = vector.broadcast %get3A_669 : f32 to vector<16xf32>
        %mul3A_671 = arith.mulf %mul3A_670, %mul3A_601 : vector<16xf32>
        %add3A_672 = arith.addf %add3A_548, %mul3A_671 : vector<16xf32>
        %add3A_673 = arith.constant 64 : i32
        %add3A_674 = arith.addi %add3A_673, %scan3A_598 : i32
        %get3A_675 = arith.constant 4 : i32
        %get3A_676 = arith.index_cast %get3A_675 : i32 to index
        %get3A_677 = arith.index_cast %add3A_674 : i32 to index
        %get3A_678 = memref.load %arg11[%get3A_676, %get3A_677] : memref<8x128xf32, #tpu.memory_space<smem>>
        %mul3A_679 = vector.broadcast %get3A_678 : f32 to vector<16xf32>
        %mul3A_680 = arith.mulf %mul3A_679, %gather3A_600 : vector<16xf32>
        %add3A_681 = arith.addf %add3A_672, %mul3A_680 : vector<16xf32>
        %get3A_682 = arith.constant 5 : i32
        %get3A_683 = arith.index_cast %get3A_682 : i32 to index
        %get3A_684 = arith.index_cast %scan3A_598 : i32 to index
        %get3A_685 = memref.load %arg11[%get3A_683, %get3A_684] : memref<8x128xf32, #tpu.memory_space<smem>>
        %mul3A_686 = vector.broadcast %get3A_685 : f32 to vector<16xf32>
        %mul3A_687 = arith.mulf %mul3A_686, %mul3A_601 : vector<16xf32>
        %add3A_688 = arith.addf %add3A_564, %mul3A_687 : vector<16xf32>
        %add3A_689 = arith.constant 64 : i32
        %add3A_690 = arith.addi %add3A_689, %scan3A_598 : i32
        %get3A_691 = arith.constant 5 : i32
        %get3A_692 = arith.index_cast %get3A_691 : i32 to index
        %get3A_693 = arith.index_cast %add3A_690 : i32 to index
        %get3A_694 = memref.load %arg11[%get3A_692, %get3A_693] : memref<8x128xf32, #tpu.memory_space<smem>>
        %mul3A_695 = vector.broadcast %get3A_694 : f32 to vector<16xf32>
        %mul3A_696 = arith.mulf %mul3A_695, %gather3A_600 : vector<16xf32>
        %add3A_697 = arith.addf %add3A_688, %mul3A_696 : vector<16xf32>
        %get3A_698 = arith.constant 6 : i32
        %get3A_699 = arith.index_cast %get3A_698 : i32 to index
        %get3A_700 = arith.index_cast %scan3A_598 : i32 to index
        %get3A_701 = memref.load %arg11[%get3A_699, %get3A_700] : memref<8x128xf32, #tpu.memory_space<smem>>
        %mul3A_702 = vector.broadcast %get3A_701 : f32 to vector<16xf32>
        %mul3A_703 = arith.mulf %mul3A_702, %mul3A_601 : vector<16xf32>
        %add3A_704 = arith.addf %add3A_580, %mul3A_703 : vector<16xf32>
        %add3A_705 = arith.constant 64 : i32
        %add3A_706 = arith.addi %add3A_705, %scan3A_598 : i32
        %get3A_707 = arith.constant 6 : i32
        %get3A_708 = arith.index_cast %get3A_707 : i32 to index
        %get3A_709 = arith.index_cast %add3A_706 : i32 to index
        %get3A_710 = memref.load %arg11[%get3A_708, %get3A_709] : memref<8x128xf32, #tpu.memory_space<smem>>
        %mul3A_711 = vector.broadcast %get3A_710 : f32 to vector<16xf32>
        %mul3A_712 = arith.mulf %mul3A_711, %gather3A_600 : vector<16xf32>
        %add3A_713 = arith.addf %add3A_704, %mul3A_712 : vector<16xf32>
        %get3A_714 = arith.constant 7 : i32
        %get3A_715 = arith.index_cast %get3A_714 : i32 to index
        %get3A_716 = arith.index_cast %scan3A_598 : i32 to index
        %get3A_717 = memref.load %arg11[%get3A_715, %get3A_716] : memref<8x128xf32, #tpu.memory_space<smem>>
        %mul3A_718 = vector.broadcast %get3A_717 : f32 to vector<16xf32>
        %mul3A_719 = arith.mulf %mul3A_718, %mul3A_601 : vector<16xf32>
        %add3A_720 = arith.addf %add3A_596, %mul3A_719 : vector<16xf32>
        %add3A_721 = arith.constant 64 : i32
        %add3A_722 = arith.addi %add3A_721, %scan3A_598 : i32
        %get3A_723 = arith.constant 7 : i32
        %get3A_724 = arith.index_cast %get3A_723 : i32 to index
        %get3A_725 = arith.index_cast %add3A_722 : i32 to index
        %get3A_726 = memref.load %arg11[%get3A_724, %get3A_725] : memref<8x128xf32, #tpu.memory_space<smem>>
        %mul3A_727 = vector.broadcast %get3A_726 : f32 to vector<16xf32>
        %mul3A_728 = arith.mulf %mul3A_727, %gather3A_600 : vector<16xf32>
        %add3A_729 = arith.addf %add3A_720, %mul3A_728 : vector<16xf32>
        %scan3A_730 = arith.constant 4 : i32
        %scan3A_731 = arith.addi %scan3A_192, %scan3A_730 : i32
        %broadcast_in_dim3A_732 = vector.broadcast %scan3A_731 : i32 to vector<16xi32>
        %gather3A_733 = tpu.vector_load_idx %arg6[%add3A_48, %broadcast_in_dim3A_732] : memref<256x64xf32, #tpu.memory_space<vmem>>[vector<16xi32>, vector<16xi32>], vector<16xf32>,
        %mul3A_734 = arith.mulf %gather3A_733, %gather3A_733 : vector<16xf32>
        %get3A_735 = arith.constant 0 : i32
        %get3A_736 = arith.index_cast %get3A_735 : i32 to index
        %get3A_737 = arith.index_cast %scan3A_731 : i32 to index
        %get3A_738 = memref.load %arg11[%get3A_736, %get3A_737] : memref<8x128xf32, #tpu.memory_space<smem>>
        %mul3A_739 = vector.broadcast %get3A_738 : f32 to vector<16xf32>
        %mul3A_740 = arith.mulf %mul3A_739, %mul3A_734 : vector<16xf32>
        %add3A_741 = arith.addf %add3A_617, %mul3A_740 : vector<16xf32>
        %add3A_742 = arith.constant 64 : i32
        %add3A_743 = arith.addi %add3A_742, %scan3A_731 : i32
        %get3A_744 = arith.constant 0 : i32
        %get3A_745 = arith.index_cast %get3A_744 : i32 to index
        %get3A_746 = arith.index_cast %add3A_743 : i32 to index
        %get3A_747 = memref.load %arg11[%get3A_745, %get3A_746] : memref<8x128xf32, #tpu.memory_space<smem>>
        %mul3A_748 = vector.broadcast %get3A_747 : f32 to vector<16xf32>
        %mul3A_749 = arith.mulf %mul3A_748, %gather3A_733 : vector<16xf32>
        %add3A_750 = arith.addf %add3A_741, %mul3A_749 : vector<16xf32>
        %get3A_751 = arith.constant 1 : i32
        %get3A_752 = arith.index_cast %get3A_751 : i32 to index
        %get3A_753 = arith.index_cast %scan3A_731 : i32 to index
        %get3A_754 = memref.load %arg11[%get3A_752, %get3A_753] : memref<8x128xf32, #tpu.memory_space<smem>>
        %mul3A_755 = vector.broadcast %get3A_754 : f32 to vector<16xf32>
        %mul3A_756 = arith.mulf %mul3A_755, %mul3A_734 : vector<16xf32>
        %add3A_757 = arith.addf %add3A_633, %mul3A_756 : vector<16xf32>
        %add3A_758 = arith.constant 64 : i32
        %add3A_759 = arith.addi %add3A_758, %scan3A_731 : i32
        %get3A_760 = arith.constant 1 : i32
        %get3A_761 = arith.index_cast %get3A_760 : i32 to index
        %get3A_762 = arith.index_cast %add3A_759 : i32 to index
        %get3A_763 = memref.load %arg11[%get3A_761, %get3A_762] : memref<8x128xf32, #tpu.memory_space<smem>>
        %mul3A_764 = vector.broadcast %get3A_763 : f32 to vector<16xf32>
        %mul3A_765 = arith.mulf %mul3A_764, %gather3A_733 : vector<16xf32>
        %add3A_766 = arith.addf %add3A_757, %mul3A_765 : vector<16xf32>
        %get3A_767 = arith.constant 2 : i32
        %get3A_768 = arith.index_cast %get3A_767 : i32 to index
        %get3A_769 = arith.index_cast %scan3A_731 : i32 to index
        %get3A_770 = memref.load %arg11[%get3A_768, %get3A_769] : memref<8x128xf32, #tpu.memory_space<smem>>
        %mul3A_771 = vector.broadcast %get3A_770 : f32 to vector<16xf32>
        %mul3A_772 = arith.mulf %mul3A_771, %mul3A_734 : vector<16xf32>
        %add3A_773 = arith.addf %add3A_649, %mul3A_772 : vector<16xf32>
        %add3A_774 = arith.constant 64 : i32
        %add3A_775 = arith.addi %add3A_774, %scan3A_731 : i32
        %get3A_776 = arith.constant 2 : i32
        %get3A_777 = arith.index_cast %get3A_776 : i32 to index
        %get3A_778 = arith.index_cast %add3A_775 : i32 to index
        %get3A_779 = memref.load %arg11[%get3A_777, %get3A_778] : memref<8x128xf32, #tpu.memory_space<smem>>
        %mul3A_780 = vector.broadcast %get3A_779 : f32 to vector<16xf32>
        %mul3A_781 = arith.mulf %mul3A_780, %gather3A_733 : vector<16xf32>
        %add3A_782 = arith.addf %add3A_773, %mul3A_781 : vector<16xf32>
        %get3A_783 = arith.constant 3 : i32
        %get3A_784 = arith.index_cast %get3A_783 : i32 to index
        %get3A_785 = arith.index_cast %scan3A_731 : i32 to index
        %get3A_786 = memref.load %arg11[%get3A_784, %get3A_785] : memref<8x128xf32, #tpu.memory_space<smem>>
        %mul3A_787 = vector.broadcast %get3A_786 : f32 to vector<16xf32>
        %mul3A_788 = arith.mulf %mul3A_787, %mul3A_734 : vector<16xf32>
        %add3A_789 = arith.addf %add3A_665, %mul3A_788 : vector<16xf32>
        %add3A_790 = arith.constant 64 : i32
        %add3A_791 = arith.addi %add3A_790, %scan3A_731 : i32
        %get3A_792 = arith.constant 3 : i32
        %get3A_793 = arith.index_cast %get3A_792 : i32 to index
        %get3A_794 = arith.index_cast %add3A_791 : i32 to index
        %get3A_795 = memref.load %arg11[%get3A_793, %get3A_794] : memref<8x128xf32, #tpu.memory_space<smem>>
        %mul3A_796 = vector.broadcast %get3A_795 : f32 to vector<16xf32>
        %mul3A_797 = arith.mulf %mul3A_796, %gather3A_733 : vector<16xf32>
        %add3A_798 = arith.addf %add3A_789, %mul3A_797 : vector<16xf32>
        %get3A_799 = arith.constant 4 : i32
        %get3A_800 = arith.index_cast %get3A_799 : i32 to index
        %get3A_801 = arith.index_cast %scan3A_731 : i32 to index
        %get3A_802 = memref.load %arg11[%get3A_800, %get3A_801] : memref<8x128xf32, #tpu.memory_space<smem>>
        %mul3A_803 = vector.broadcast %get3A_802 : f32 to vector<16xf32>
        %mul3A_804 = arith.mulf %mul3A_803, %mul3A_734 : vector<16xf32>
        %add3A_805 = arith.addf %add3A_681, %mul3A_804 : vector<16xf32>
        %add3A_806 = arith.constant 64 : i32
        %add3A_807 = arith.addi %add3A_806, %scan3A_731 : i32
        %get3A_808 = arith.constant 4 : i32
        %get3A_809 = arith.index_cast %get3A_808 : i32 to index
        %get3A_810 = arith.index_cast %add3A_807 : i32 to index
        %get3A_811 = memref.load %arg11[%get3A_809, %get3A_810] : memref<8x128xf32, #tpu.memory_space<smem>>
        %mul3A_812 = vector.broadcast %get3A_811 : f32 to vector<16xf32>
        %mul3A_813 = arith.mulf %mul3A_812, %gather3A_733 : vector<16xf32>
        %add3A_814 = arith.addf %add3A_805, %mul3A_813 : vector<16xf32>
        %get3A_815 = arith.constant 5 : i32
        %get3A_816 = arith.index_cast %get3A_815 : i32 to index
        %get3A_817 = arith.index_cast %scan3A_731 : i32 to index
        %get3A_818 = memref.load %arg11[%get3A_816, %get3A_817] : memref<8x128xf32, #tpu.memory_space<smem>>
        %mul3A_819 = vector.broadcast %get3A_818 : f32 to vector<16xf32>
        %mul3A_820 = arith.mulf %mul3A_819, %mul3A_734 : vector<16xf32>
        %add3A_821 = arith.addf %add3A_697, %mul3A_820 : vector<16xf32>
        %add3A_822 = arith.constant 64 : i32
        %add3A_823 = arith.addi %add3A_822, %scan3A_731 : i32
        %get3A_824 = arith.constant 5 : i32
        %get3A_825 = arith.index_cast %get3A_824 : i32 to index
        %get3A_826 = arith.index_cast %add3A_823 : i32 to index
        %get3A_827 = memref.load %arg11[%get3A_825, %get3A_826] : memref<8x128xf32, #tpu.memory_space<smem>>
        %mul3A_828 = vector.broadcast %get3A_827 : f32 to vector<16xf32>
        %mul3A_829 = arith.mulf %mul3A_828, %gather3A_733 : vector<16xf32>
        %add3A_830 = arith.addf %add3A_821, %mul3A_829 : vector<16xf32>
        %get3A_831 = arith.constant 6 : i32
        %get3A_832 = arith.index_cast %get3A_831 : i32 to index
        %get3A_833 = arith.index_cast %scan3A_731 : i32 to index
        %get3A_834 = memref.load %arg11[%get3A_832, %get3A_833] : memref<8x128xf32, #tpu.memory_space<smem>>
        %mul3A_835 = vector.broadcast %get3A_834 : f32 to vector<16xf32>
        %mul3A_836 = arith.mulf %mul3A_835, %mul3A_734 : vector<16xf32>
        %add3A_837 = arith.addf %add3A_713, %mul3A_836 : vector<16xf32>
        %add3A_838 = arith.constant 64 : i32
        %add3A_839 = arith.addi %add3A_838, %scan3A_731 : i32
        %get3A_840 = arith.constant 6 : i32
        %get3A_841 = arith.index_cast %get3A_840 : i32 to index
        %get3A_842 = arith.index_cast %add3A_839 : i32 to index
        %get3A_843 = memref.load %arg11[%get3A_841, %get3A_842] : memref<8x128xf32, #tpu.memory_space<smem>>
        %mul3A_844 = vector.broadcast %get3A_843 : f32 to vector<16xf32>
        %mul3A_845 = arith.mulf %mul3A_844, %gather3A_733 : vector<16xf32>
        %add3A_846 = arith.addf %add3A_837, %mul3A_845 : vector<16xf32>
        %get3A_847 = arith.constant 7 : i32
        %get3A_848 = arith.index_cast %get3A_847 : i32 to index
        %get3A_849 = arith.index_cast %scan3A_731 : i32 to index
        %get3A_850 = memref.load %arg11[%get3A_848, %get3A_849] : memref<8x128xf32, #tpu.memory_space<smem>>
        %mul3A_851 = vector.broadcast %get3A_850 : f32 to vector<16xf32>
        %mul3A_852 = arith.mulf %mul3A_851, %mul3A_734 : vector<16xf32>
        %add3A_853 = arith.addf %add3A_729, %mul3A_852 : vector<16xf32>
        %add3A_854 = arith.constant 64 : i32
        %add3A_855 = arith.addi %add3A_854, %scan3A_731 : i32
        %get3A_856 = arith.constant 7 : i32
        %get3A_857 = arith.index_cast %get3A_856 : i32 to index
        %get3A_858 = arith.index_cast %add3A_855 : i32 to index
        %get3A_859 = memref.load %arg11[%get3A_857, %get3A_858] : memref<8x128xf32, #tpu.memory_space<smem>>
        %mul3A_860 = vector.broadcast %get3A_859 : f32 to vector<16xf32>
        %mul3A_861 = arith.mulf %mul3A_860, %gather3A_733 : vector<16xf32>
        %add3A_862 = arith.addf %add3A_853, %mul3A_861 : vector<16xf32>
        %scan3A_863 = arith.constant 5 : i32
        %scan3A_864 = arith.addi %scan3A_192, %scan3A_863 : i32
        %broadcast_in_dim3A_865 = vector.broadcast %scan3A_864 : i32 to vector<16xi32>
        %gather3A_866 = tpu.vector_load_idx %arg6[%add3A_48, %broadcast_in_dim3A_865] : memref<256x64xf32, #tpu.memory_space<vmem>>[vector<16xi32>, vector<16xi32>], vector<16xf32>,
        %mul3A_867 = arith.mulf %gather3A_866, %gather3A_866 : vector<16xf32>
        %get3A_868 = arith.constant 0 : i32
        %get3A_869 = arith.index_cast %get3A_868 : i32 to index
        %get3A_870 = arith.index_cast %scan3A_864 : i32 to index
        %get3A_871 = memref.load %arg11[%get3A_869, %get3A_870] : memref<8x128xf32, #tpu.memory_space<smem>>
        %mul3A_872 = vector.broadcast %get3A_871 : f32 to vector<16xf32>
        %mul3A_873 = arith.mulf %mul3A_872, %mul3A_867 : vector<16xf32>
        %add3A_874 = arith.addf %add3A_750, %mul3A_873 : vector<16xf32>
        %add3A_875 = arith.constant 64 : i32
        %add3A_876 = arith.addi %add3A_875, %scan3A_864 : i32
        %get3A_877 = arith.constant 0 : i32
        %get3A_878 = arith.index_cast %get3A_877 : i32 to index
        %get3A_879 = arith.index_cast %add3A_876 : i32 to index
        %get3A_880 = memref.load %arg11[%get3A_878, %get3A_879] : memref<8x128xf32, #tpu.memory_space<smem>>
        %mul3A_881 = vector.broadcast %get3A_880 : f32 to vector<16xf32>
        %mul3A_882 = arith.mulf %mul3A_881, %gather3A_866 : vector<16xf32>
        %add3A_883 = arith.addf %add3A_874, %mul3A_882 : vector<16xf32>
        %get3A_884 = arith.constant 1 : i32
        %get3A_885 = arith.index_cast %get3A_884 : i32 to index
        %get3A_886 = arith.index_cast %scan3A_864 : i32 to index
        %get3A_887 = memref.load %arg11[%get3A_885, %get3A_886] : memref<8x128xf32, #tpu.memory_space<smem>>
        %mul3A_888 = vector.broadcast %get3A_887 : f32 to vector<16xf32>
        %mul3A_889 = arith.mulf %mul3A_888, %mul3A_867 : vector<16xf32>
        %add3A_890 = arith.addf %add3A_766, %mul3A_889 : vector<16xf32>
        %add3A_891 = arith.constant 64 : i32
        %add3A_892 = arith.addi %add3A_891, %scan3A_864 : i32
        %get3A_893 = arith.constant 1 : i32
        %get3A_894 = arith.index_cast %get3A_893 : i32 to index
        %get3A_895 = arith.index_cast %add3A_892 : i32 to index
        %get3A_896 = memref.load %arg11[%get3A_894, %get3A_895] : memref<8x128xf32, #tpu.memory_space<smem>>
        %mul3A_897 = vector.broadcast %get3A_896 : f32 to vector<16xf32>
        %mul3A_898 = arith.mulf %mul3A_897, %gather3A_866 : vector<16xf32>
        %add3A_899 = arith.addf %add3A_890, %mul3A_898 : vector<16xf32>
        %get3A_900 = arith.constant 2 : i32
        %get3A_901 = arith.index_cast %get3A_900 : i32 to index
        %get3A_902 = arith.index_cast %scan3A_864 : i32 to index
        %get3A_903 = memref.load %arg11[%get3A_901, %get3A_902] : memref<8x128xf32, #tpu.memory_space<smem>>
        %mul3A_904 = vector.broadcast %get3A_903 : f32 to vector<16xf32>
        %mul3A_905 = arith.mulf %mul3A_904, %mul3A_867 : vector<16xf32>
        %add3A_906 = arith.addf %add3A_782, %mul3A_905 : vector<16xf32>
        %add3A_907 = arith.constant 64 : i32
        %add3A_908 = arith.addi %add3A_907, %scan3A_864 : i32
        %get3A_909 = arith.constant 2 : i32
        %get3A_910 = arith.index_cast %get3A_909 : i32 to index
        %get3A_911 = arith.index_cast %add3A_908 : i32 to index
        %get3A_912 = memref.load %arg11[%get3A_910, %get3A_911] : memref<8x128xf32, #tpu.memory_space<smem>>
        %mul3A_913 = vector.broadcast %get3A_912 : f32 to vector<16xf32>
        %mul3A_914 = arith.mulf %mul3A_913, %gather3A_866 : vector<16xf32>
        %add3A_915 = arith.addf %add3A_906, %mul3A_914 : vector<16xf32>
        %get3A_916 = arith.constant 3 : i32
        %get3A_917 = arith.index_cast %get3A_916 : i32 to index
        %get3A_918 = arith.index_cast %scan3A_864 : i32 to index
        %get3A_919 = memref.load %arg11[%get3A_917, %get3A_918] : memref<8x128xf32, #tpu.memory_space<smem>>
        %mul3A_920 = vector.broadcast %get3A_919 : f32 to vector<16xf32>
        %mul3A_921 = arith.mulf %mul3A_920, %mul3A_867 : vector<16xf32>
        %add3A_922 = arith.addf %add3A_798, %mul3A_921 : vector<16xf32>
        %add3A_923 = arith.constant 64 : i32
        %add3A_924 = arith.addi %add3A_923, %scan3A_864 : i32
        %get3A_925 = arith.constant 3 : i32
        %get3A_926 = arith.index_cast %get3A_925 : i32 to index
        %get3A_927 = arith.index_cast %add3A_924 : i32 to index
        %get3A_928 = memref.load %arg11[%get3A_926, %get3A_927] : memref<8x128xf32, #tpu.memory_space<smem>>
        %mul3A_929 = vector.broadcast %get3A_928 : f32 to vector<16xf32>
        %mul3A_930 = arith.mulf %mul3A_929, %gather3A_866 : vector<16xf32>
        %add3A_931 = arith.addf %add3A_922, %mul3A_930 : vector<16xf32>
        %get3A_932 = arith.constant 4 : i32
        %get3A_933 = arith.index_cast %get3A_932 : i32 to index
        %get3A_934 = arith.index_cast %scan3A_864 : i32 to index
        %get3A_935 = memref.load %arg11[%get3A_933, %get3A_934] : memref<8x128xf32, #tpu.memory_space<smem>>
        %mul3A_936 = vector.broadcast %get3A_935 : f32 to vector<16xf32>
        %mul3A_937 = arith.mulf %mul3A_936, %mul3A_867 : vector<16xf32>
        %add3A_938 = arith.addf %add3A_814, %mul3A_937 : vector<16xf32>
        %add3A_939 = arith.constant 64 : i32
        %add3A_940 = arith.addi %add3A_939, %scan3A_864 : i32
        %get3A_941 = arith.constant 4 : i32
        %get3A_942 = arith.index_cast %get3A_941 : i32 to index
        %get3A_943 = arith.index_cast %add3A_940 : i32 to index
        %get3A_944 = memref.load %arg11[%get3A_942, %get3A_943] : memref<8x128xf32, #tpu.memory_space<smem>>
        %mul3A_945 = vector.broadcast %get3A_944 : f32 to vector<16xf32>
        %mul3A_946 = arith.mulf %mul3A_945, %gather3A_866 : vector<16xf32>
        %add3A_947 = arith.addf %add3A_938, %mul3A_946 : vector<16xf32>
        %get3A_948 = arith.constant 5 : i32
        %get3A_949 = arith.index_cast %get3A_948 : i32 to index
        %get3A_950 = arith.index_cast %scan3A_864 : i32 to index
        %get3A_951 = memref.load %arg11[%get3A_949, %get3A_950] : memref<8x128xf32, #tpu.memory_space<smem>>
        %mul3A_952 = vector.broadcast %get3A_951 : f32 to vector<16xf32>
        %mul3A_953 = arith.mulf %mul3A_952, %mul3A_867 : vector<16xf32>
        %add3A_954 = arith.addf %add3A_830, %mul3A_953 : vector<16xf32>
        %add3A_955 = arith.constant 64 : i32
        %add3A_956 = arith.addi %add3A_955, %scan3A_864 : i32
        %get3A_957 = arith.constant 5 : i32
        %get3A_958 = arith.index_cast %get3A_957 : i32 to index
        %get3A_959 = arith.index_cast %add3A_956 : i32 to index
        %get3A_960 = memref.load %arg11[%get3A_958, %get3A_959] : memref<8x128xf32, #tpu.memory_space<smem>>
        %mul3A_961 = vector.broadcast %get3A_960 : f32 to vector<16xf32>
        %mul3A_962 = arith.mulf %mul3A_961, %gather3A_866 : vector<16xf32>
        %add3A_963 = arith.addf %add3A_954, %mul3A_962 : vector<16xf32>
        %get3A_964 = arith.constant 6 : i32
        %get3A_965 = arith.index_cast %get3A_964 : i32 to index
        %get3A_966 = arith.index_cast %scan3A_864 : i32 to index
        %get3A_967 = memref.load %arg11[%get3A_965, %get3A_966] : memref<8x128xf32, #tpu.memory_space<smem>>
        %mul3A_968 = vector.broadcast %get3A_967 : f32 to vector<16xf32>
        %mul3A_969 = arith.mulf %mul3A_968, %mul3A_867 : vector<16xf32>
        %add3A_970 = arith.addf %add3A_846, %mul3A_969 : vector<16xf32>
        %add3A_971 = arith.constant 64 : i32
        %add3A_972 = arith.addi %add3A_971, %scan3A_864 : i32
        %get3A_973 = arith.constant 6 : i32
        %get3A_974 = arith.index_cast %get3A_973 : i32 to index
        %get3A_975 = arith.index_cast %add3A_972 : i32 to index
        %get3A_976 = memref.load %arg11[%get3A_974, %get3A_975] : memref<8x128xf32, #tpu.memory_space<smem>>
        %mul3A_977 = vector.broadcast %get3A_976 : f32 to vector<16xf32>
        %mul3A_978 = arith.mulf %mul3A_977, %gather3A_866 : vector<16xf32>
        %add3A_979 = arith.addf %add3A_970, %mul3A_978 : vector<16xf32>
        %get3A_980 = arith.constant 7 : i32
        %get3A_981 = arith.index_cast %get3A_980 : i32 to index
        %get3A_982 = arith.index_cast %scan3A_864 : i32 to index
        %get3A_983 = memref.load %arg11[%get3A_981, %get3A_982] : memref<8x128xf32, #tpu.memory_space<smem>>
        %mul3A_984 = vector.broadcast %get3A_983 : f32 to vector<16xf32>
        %mul3A_985 = arith.mulf %mul3A_984, %mul3A_867 : vector<16xf32>
        %add3A_986 = arith.addf %add3A_862, %mul3A_985 : vector<16xf32>
        %add3A_987 = arith.constant 64 : i32
        %add3A_988 = arith.addi %add3A_987, %scan3A_864 : i32
        %get3A_989 = arith.constant 7 : i32
        %get3A_990 = arith.index_cast %get3A_989 : i32 to index
        %get3A_991 = arith.index_cast %add3A_988 : i32 to index
        %get3A_992 = memref.load %arg11[%get3A_990, %get3A_991] : memref<8x128xf32, #tpu.memory_space<smem>>
        %mul3A_993 = vector.broadcast %get3A_992 : f32 to vector<16xf32>
        %mul3A_994 = arith.mulf %mul3A_993, %gather3A_866 : vector<16xf32>
        %add3A_995 = arith.addf %add3A_986, %mul3A_994 : vector<16xf32>
        %scan3A_996 = arith.constant 6 : i32
        %scan3A_997 = arith.addi %scan3A_192, %scan3A_996 : i32
        %broadcast_in_dim3A_998 = vector.broadcast %scan3A_997 : i32 to vector<16xi32>
        %gather3A_999 = tpu.vector_load_idx %arg6[%add3A_48, %broadcast_in_dim3A_998] : memref<256x64xf32, #tpu.memory_space<vmem>>[vector<16xi32>, vector<16xi32>], vector<16xf32>,
        %mul3A_1000 = arith.mulf %gather3A_999, %gather3A_999 : vector<16xf32>
        %get3A_1001 = arith.constant 0 : i32
        %get3A_1002 = arith.index_cast %get3A_1001 : i32 to index
        %get3A_1003 = arith.index_cast %scan3A_997 : i32 to index
        %get3A_1004 = memref.load %arg11[%get3A_1002, %get3A_1003] : memref<8x128xf32, #tpu.memory_space<smem>>
        %mul3A_1005 = vector.broadcast %get3A_1004 : f32 to vector<16xf32>
        %mul3A_1006 = arith.mulf %mul3A_1005, %mul3A_1000 : vector<16xf32>
        %add3A_1007 = arith.addf %add3A_883, %mul3A_1006 : vector<16xf32>
        %add3A_1008 = arith.constant 64 : i32
        %add3A_1009 = arith.addi %add3A_1008, %scan3A_997 : i32
        %get3A_1010 = arith.constant 0 : i32
        %get3A_1011 = arith.index_cast %get3A_1010 : i32 to index
        %get3A_1012 = arith.index_cast %add3A_1009 : i32 to index
        %get3A_1013 = memref.load %arg11[%get3A_1011, %get3A_1012] : memref<8x128xf32, #tpu.memory_space<smem>>
        %mul3A_1014 = vector.broadcast %get3A_1013 : f32 to vector<16xf32>
        %mul3A_1015 = arith.mulf %mul3A_1014, %gather3A_999 : vector<16xf32>
        %add3A_1016 = arith.addf %add3A_1007, %mul3A_1015 : vector<16xf32>
        %get3A_1017 = arith.constant 1 : i32
        %get3A_1018 = arith.index_cast %get3A_1017 : i32 to index
        %get3A_1019 = arith.index_cast %scan3A_997 : i32 to index
        %get3A_1020 = memref.load %arg11[%get3A_1018, %get3A_1019] : memref<8x128xf32, #tpu.memory_space<smem>>
        %mul3A_1021 = vector.broadcast %get3A_1020 : f32 to vector<16xf32>
        %mul3A_1022 = arith.mulf %mul3A_1021, %mul3A_1000 : vector<16xf32>
        %add3A_1023 = arith.addf %add3A_899, %mul3A_1022 : vector<16xf32>
        %add3A_1024 = arith.constant 64 : i32
        %add3A_1025 = arith.addi %add3A_1024, %scan3A_997 : i32
        %get3A_1026 = arith.constant 1 : i32
        %get3A_1027 = arith.index_cast %get3A_1026 : i32 to index
        %get3A_1028 = arith.index_cast %add3A_1025 : i32 to index
        %get3A_1029 = memref.load %arg11[%get3A_1027, %get3A_1028] : memref<8x128xf32, #tpu.memory_space<smem>>
        %mul3A_1030 = vector.broadcast %get3A_1029 : f32 to vector<16xf32>
        %mul3A_1031 = arith.mulf %mul3A_1030, %gather3A_999 : vector<16xf32>
        %add3A_1032 = arith.addf %add3A_1023, %mul3A_1031 : vector<16xf32>
        %get3A_1033 = arith.constant 2 : i32
        %get3A_1034 = arith.index_cast %get3A_1033 : i32 to index
        %get3A_1035 = arith.index_cast %scan3A_997 : i32 to index
        %get3A_1036 = memref.load %arg11[%get3A_1034, %get3A_1035] : memref<8x128xf32, #tpu.memory_space<smem>>
        %mul3A_1037 = vector.broadcast %get3A_1036 : f32 to vector<16xf32>
        %mul3A_1038 = arith.mulf %mul3A_1037, %mul3A_1000 : vector<16xf32>
        %add3A_1039 = arith.addf %add3A_915, %mul3A_1038 : vector<16xf32>
        %add3A_1040 = arith.constant 64 : i32
        %add3A_1041 = arith.addi %add3A_1040, %scan3A_997 : i32
        %get3A_1042 = arith.constant 2 : i32
        %get3A_1043 = arith.index_cast %get3A_1042 : i32 to index
        %get3A_1044 = arith.index_cast %add3A_1041 : i32 to index
        %get3A_1045 = memref.load %arg11[%get3A_1043, %get3A_1044] : memref<8x128xf32, #tpu.memory_space<smem>>
        %mul3A_1046 = vector.broadcast %get3A_1045 : f32 to vector<16xf32>
        %mul3A_1047 = arith.mulf %mul3A_1046, %gather3A_999 : vector<16xf32>
        %add3A_1048 = arith.addf %add3A_1039, %mul3A_1047 : vector<16xf32>
        %get3A_1049 = arith.constant 3 : i32
        %get3A_1050 = arith.index_cast %get3A_1049 : i32 to index
        %get3A_1051 = arith.index_cast %scan3A_997 : i32 to index
        %get3A_1052 = memref.load %arg11[%get3A_1050, %get3A_1051] : memref<8x128xf32, #tpu.memory_space<smem>>
        %mul3A_1053 = vector.broadcast %get3A_1052 : f32 to vector<16xf32>
        %mul3A_1054 = arith.mulf %mul3A_1053, %mul3A_1000 : vector<16xf32>
        %add3A_1055 = arith.addf %add3A_931, %mul3A_1054 : vector<16xf32>
        %add3A_1056 = arith.constant 64 : i32
        %add3A_1057 = arith.addi %add3A_1056, %scan3A_997 : i32
        %get3A_1058 = arith.constant 3 : i32
        %get3A_1059 = arith.index_cast %get3A_1058 : i32 to index
        %get3A_1060 = arith.index_cast %add3A_1057 : i32 to index
        %get3A_1061 = memref.load %arg11[%get3A_1059, %get3A_1060] : memref<8x128xf32, #tpu.memory_space<smem>>
        %mul3A_1062 = vector.broadcast %get3A_1061 : f32 to vector<16xf32>
        %mul3A_1063 = arith.mulf %mul3A_1062, %gather3A_999 : vector<16xf32>
        %add3A_1064 = arith.addf %add3A_1055, %mul3A_1063 : vector<16xf32>
        %get3A_1065 = arith.constant 4 : i32
        %get3A_1066 = arith.index_cast %get3A_1065 : i32 to index
        %get3A_1067 = arith.index_cast %scan3A_997 : i32 to index
        %get3A_1068 = memref.load %arg11[%get3A_1066, %get3A_1067] : memref<8x128xf32, #tpu.memory_space<smem>>
        %mul3A_1069 = vector.broadcast %get3A_1068 : f32 to vector<16xf32>
        %mul3A_1070 = arith.mulf %mul3A_1069, %mul3A_1000 : vector<16xf32>
        %add3A_1071 = arith.addf %add3A_947, %mul3A_1070 : vector<16xf32>
        %add3A_1072 = arith.constant 64 : i32
        %add3A_1073 = arith.addi %add3A_1072, %scan3A_997 : i32
        %get3A_1074 = arith.constant 4 : i32
        %get3A_1075 = arith.index_cast %get3A_1074 : i32 to index
        %get3A_1076 = arith.index_cast %add3A_1073 : i32 to index
        %get3A_1077 = memref.load %arg11[%get3A_1075, %get3A_1076] : memref<8x128xf32, #tpu.memory_space<smem>>
        %mul3A_1078 = vector.broadcast %get3A_1077 : f32 to vector<16xf32>
        %mul3A_1079 = arith.mulf %mul3A_1078, %gather3A_999 : vector<16xf32>
        %add3A_1080 = arith.addf %add3A_1071, %mul3A_1079 : vector<16xf32>
        %get3A_1081 = arith.constant 5 : i32
        %get3A_1082 = arith.index_cast %get3A_1081 : i32 to index
        %get3A_1083 = arith.index_cast %scan3A_997 : i32 to index
        %get3A_1084 = memref.load %arg11[%get3A_1082, %get3A_1083] : memref<8x128xf32, #tpu.memory_space<smem>>
        %mul3A_1085 = vector.broadcast %get3A_1084 : f32 to vector<16xf32>
        %mul3A_1086 = arith.mulf %mul3A_1085, %mul3A_1000 : vector<16xf32>
        %add3A_1087 = arith.addf %add3A_963, %mul3A_1086 : vector<16xf32>
        %add3A_1088 = arith.constant 64 : i32
        %add3A_1089 = arith.addi %add3A_1088, %scan3A_997 : i32
        %get3A_1090 = arith.constant 5 : i32
        %get3A_1091 = arith.index_cast %get3A_1090 : i32 to index
        %get3A_1092 = arith.index_cast %add3A_1089 : i32 to index
        %get3A_1093 = memref.load %arg11[%get3A_1091, %get3A_1092] : memref<8x128xf32, #tpu.memory_space<smem>>
        %mul3A_1094 = vector.broadcast %get3A_1093 : f32 to vector<16xf32>
        %mul3A_1095 = arith.mulf %mul3A_1094, %gather3A_999 : vector<16xf32>
        %add3A_1096 = arith.addf %add3A_1087, %mul3A_1095 : vector<16xf32>
        %get3A_1097 = arith.constant 6 : i32
        %get3A_1098 = arith.index_cast %get3A_1097 : i32 to index
        %get3A_1099 = arith.index_cast %scan3A_997 : i32 to index
        %get3A_1100 = memref.load %arg11[%get3A_1098, %get3A_1099] : memref<8x128xf32, #tpu.memory_space<smem>>
        %mul3A_1101 = vector.broadcast %get3A_1100 : f32 to vector<16xf32>
        %mul3A_1102 = arith.mulf %mul3A_1101, %mul3A_1000 : vector<16xf32>
        %add3A_1103 = arith.addf %add3A_979, %mul3A_1102 : vector<16xf32>
        %add3A_1104 = arith.constant 64 : i32
        %add3A_1105 = arith.addi %add3A_1104, %scan3A_997 : i32
        %get3A_1106 = arith.constant 6 : i32
        %get3A_1107 = arith.index_cast %get3A_1106 : i32 to index
        %get3A_1108 = arith.index_cast %add3A_1105 : i32 to index
        %get3A_1109 = memref.load %arg11[%get3A_1107, %get3A_1108] : memref<8x128xf32, #tpu.memory_space<smem>>
        %mul3A_1110 = vector.broadcast %get3A_1109 : f32 to vector<16xf32>
        %mul3A_1111 = arith.mulf %mul3A_1110, %gather3A_999 : vector<16xf32>
        %add3A_1112 = arith.addf %add3A_1103, %mul3A_1111 : vector<16xf32>
        %get3A_1113 = arith.constant 7 : i32
        %get3A_1114 = arith.index_cast %get3A_1113 : i32 to index
        %get3A_1115 = arith.index_cast %scan3A_997 : i32 to index
        %get3A_1116 = memref.load %arg11[%get3A_1114, %get3A_1115] : memref<8x128xf32, #tpu.memory_space<smem>>
        %mul3A_1117 = vector.broadcast %get3A_1116 : f32 to vector<16xf32>
        %mul3A_1118 = arith.mulf %mul3A_1117, %mul3A_1000 : vector<16xf32>
        %add3A_1119 = arith.addf %add3A_995, %mul3A_1118 : vector<16xf32>
        %add3A_1120 = arith.constant 64 : i32
        %add3A_1121 = arith.addi %add3A_1120, %scan3A_997 : i32
        %get3A_1122 = arith.constant 7 : i32
        %get3A_1123 = arith.index_cast %get3A_1122 : i32 to index
        %get3A_1124 = arith.index_cast %add3A_1121 : i32 to index
        %get3A_1125 = memref.load %arg11[%get3A_1123, %get3A_1124] : memref<8x128xf32, #tpu.memory_space<smem>>
        %mul3A_1126 = vector.broadcast %get3A_1125 : f32 to vector<16xf32>
        %mul3A_1127 = arith.mulf %mul3A_1126, %gather3A_999 : vector<16xf32>
        %add3A_1128 = arith.addf %add3A_1119, %mul3A_1127 : vector<16xf32>
        %scan3A_1129 = arith.constant 7 : i32
        %scan3A_1130 = arith.addi %scan3A_192, %scan3A_1129 : i32
        %broadcast_in_dim3A_1131 = vector.broadcast %scan3A_1130 : i32 to vector<16xi32>
        %gather3A_1132 = tpu.vector_load_idx %arg6[%add3A_48, %broadcast_in_dim3A_1131] : memref<256x64xf32, #tpu.memory_space<vmem>>[vector<16xi32>, vector<16xi32>], vector<16xf32>,
        %mul3A_1133 = arith.mulf %gather3A_1132, %gather3A_1132 : vector<16xf32>
        %get3A_1134 = arith.constant 0 : i32
        %get3A_1135 = arith.index_cast %get3A_1134 : i32 to index
        %get3A_1136 = arith.index_cast %scan3A_1130 : i32 to index
        %get3A_1137 = memref.load %arg11[%get3A_1135, %get3A_1136] : memref<8x128xf32, #tpu.memory_space<smem>>
        %mul3A_1138 = vector.broadcast %get3A_1137 : f32 to vector<16xf32>
        %mul3A_1139 = arith.mulf %mul3A_1138, %mul3A_1133 : vector<16xf32>
        %add3A_1140 = arith.addf %add3A_1016, %mul3A_1139 : vector<16xf32>
        %add3A_1141 = arith.constant 64 : i32
        %add3A_1142 = arith.addi %add3A_1141, %scan3A_1130 : i32
        %get3A_1143 = arith.constant 0 : i32
        %get3A_1144 = arith.index_cast %get3A_1143 : i32 to index
        %get3A_1145 = arith.index_cast %add3A_1142 : i32 to index
        %get3A_1146 = memref.load %arg11[%get3A_1144, %get3A_1145] : memref<8x128xf32, #tpu.memory_space<smem>>
        %mul3A_1147 = vector.broadcast %get3A_1146 : f32 to vector<16xf32>
        %mul3A_1148 = arith.mulf %mul3A_1147, %gather3A_1132 : vector<16xf32>
        %add3A_1149 = arith.addf %add3A_1140, %mul3A_1148 : vector<16xf32>
        %get3A_1150 = arith.constant 1 : i32
        %get3A_1151 = arith.index_cast %get3A_1150 : i32 to index
        %get3A_1152 = arith.index_cast %scan3A_1130 : i32 to index
        %get3A_1153 = memref.load %arg11[%get3A_1151, %get3A_1152] : memref<8x128xf32, #tpu.memory_space<smem>>
        %mul3A_1154 = vector.broadcast %get3A_1153 : f32 to vector<16xf32>
        %mul3A_1155 = arith.mulf %mul3A_1154, %mul3A_1133 : vector<16xf32>
        %add3A_1156 = arith.addf %add3A_1032, %mul3A_1155 : vector<16xf32>
        %add3A_1157 = arith.constant 64 : i32
        %add3A_1158 = arith.addi %add3A_1157, %scan3A_1130 : i32
        %get3A_1159 = arith.constant 1 : i32
        %get3A_1160 = arith.index_cast %get3A_1159 : i32 to index
        %get3A_1161 = arith.index_cast %add3A_1158 : i32 to index
        %get3A_1162 = memref.load %arg11[%get3A_1160, %get3A_1161] : memref<8x128xf32, #tpu.memory_space<smem>>
        %mul3A_1163 = vector.broadcast %get3A_1162 : f32 to vector<16xf32>
        %mul3A_1164 = arith.mulf %mul3A_1163, %gather3A_1132 : vector<16xf32>
        %add3A_1165 = arith.addf %add3A_1156, %mul3A_1164 : vector<16xf32>
        %get3A_1166 = arith.constant 2 : i32
        %get3A_1167 = arith.index_cast %get3A_1166 : i32 to index
        %get3A_1168 = arith.index_cast %scan3A_1130 : i32 to index
        %get3A_1169 = memref.load %arg11[%get3A_1167, %get3A_1168] : memref<8x128xf32, #tpu.memory_space<smem>>
        %mul3A_1170 = vector.broadcast %get3A_1169 : f32 to vector<16xf32>
        %mul3A_1171 = arith.mulf %mul3A_1170, %mul3A_1133 : vector<16xf32>
        %add3A_1172 = arith.addf %add3A_1048, %mul3A_1171 : vector<16xf32>
        %add3A_1173 = arith.constant 64 : i32
        %add3A_1174 = arith.addi %add3A_1173, %scan3A_1130 : i32
        %get3A_1175 = arith.constant 2 : i32
        %get3A_1176 = arith.index_cast %get3A_1175 : i32 to index
        %get3A_1177 = arith.index_cast %add3A_1174 : i32 to index
        %get3A_1178 = memref.load %arg11[%get3A_1176, %get3A_1177] : memref<8x128xf32, #tpu.memory_space<smem>>
        %mul3A_1179 = vector.broadcast %get3A_1178 : f32 to vector<16xf32>
        %mul3A_1180 = arith.mulf %mul3A_1179, %gather3A_1132 : vector<16xf32>
        %add3A_1181 = arith.addf %add3A_1172, %mul3A_1180 : vector<16xf32>
        %get3A_1182 = arith.constant 3 : i32
        %get3A_1183 = arith.index_cast %get3A_1182 : i32 to index
        %get3A_1184 = arith.index_cast %scan3A_1130 : i32 to index
        %get3A_1185 = memref.load %arg11[%get3A_1183, %get3A_1184] : memref<8x128xf32, #tpu.memory_space<smem>>
        %mul3A_1186 = vector.broadcast %get3A_1185 : f32 to vector<16xf32>
        %mul3A_1187 = arith.mulf %mul3A_1186, %mul3A_1133 : vector<16xf32>
        %add3A_1188 = arith.addf %add3A_1064, %mul3A_1187 : vector<16xf32>
        %add3A_1189 = arith.constant 64 : i32
        %add3A_1190 = arith.addi %add3A_1189, %scan3A_1130 : i32
        %get3A_1191 = arith.constant 3 : i32
        %get3A_1192 = arith.index_cast %get3A_1191 : i32 to index
        %get3A_1193 = arith.index_cast %add3A_1190 : i32 to index
        %get3A_1194 = memref.load %arg11[%get3A_1192, %get3A_1193] : memref<8x128xf32, #tpu.memory_space<smem>>
        %mul3A_1195 = vector.broadcast %get3A_1194 : f32 to vector<16xf32>
        %mul3A_1196 = arith.mulf %mul3A_1195, %gather3A_1132 : vector<16xf32>
        %add3A_1197 = arith.addf %add3A_1188, %mul3A_1196 : vector<16xf32>
        %get3A_1198 = arith.constant 4 : i32
        %get3A_1199 = arith.index_cast %get3A_1198 : i32 to index
        %get3A_1200 = arith.index_cast %scan3A_1130 : i32 to index
        %get3A_1201 = memref.load %arg11[%get3A_1199, %get3A_1200] : memref<8x128xf32, #tpu.memory_space<smem>>
        %mul3A_1202 = vector.broadcast %get3A_1201 : f32 to vector<16xf32>
        %mul3A_1203 = arith.mulf %mul3A_1202, %mul3A_1133 : vector<16xf32>
        %add3A_1204 = arith.addf %add3A_1080, %mul3A_1203 : vector<16xf32>
        %add3A_1205 = arith.constant 64 : i32
        %add3A_1206 = arith.addi %add3A_1205, %scan3A_1130 : i32
        %get3A_1207 = arith.constant 4 : i32
        %get3A_1208 = arith.index_cast %get3A_1207 : i32 to index
        %get3A_1209 = arith.index_cast %add3A_1206 : i32 to index
        %get3A_1210 = memref.load %arg11[%get3A_1208, %get3A_1209] : memref<8x128xf32, #tpu.memory_space<smem>>
        %mul3A_1211 = vector.broadcast %get3A_1210 : f32 to vector<16xf32>
        %mul3A_1212 = arith.mulf %mul3A_1211, %gather3A_1132 : vector<16xf32>
        %add3A_1213 = arith.addf %add3A_1204, %mul3A_1212 : vector<16xf32>
        %get3A_1214 = arith.constant 5 : i32
        %get3A_1215 = arith.index_cast %get3A_1214 : i32 to index
        %get3A_1216 = arith.index_cast %scan3A_1130 : i32 to index
        %get3A_1217 = memref.load %arg11[%get3A_1215, %get3A_1216] : memref<8x128xf32, #tpu.memory_space<smem>>
        %mul3A_1218 = vector.broadcast %get3A_1217 : f32 to vector<16xf32>
        %mul3A_1219 = arith.mulf %mul3A_1218, %mul3A_1133 : vector<16xf32>
        %add3A_1220 = arith.addf %add3A_1096, %mul3A_1219 : vector<16xf32>
        %add3A_1221 = arith.constant 64 : i32
        %add3A_1222 = arith.addi %add3A_1221, %scan3A_1130 : i32
        %get3A_1223 = arith.constant 5 : i32
        %get3A_1224 = arith.index_cast %get3A_1223 : i32 to index
        %get3A_1225 = arith.index_cast %add3A_1222 : i32 to index
        %get3A_1226 = memref.load %arg11[%get3A_1224, %get3A_1225] : memref<8x128xf32, #tpu.memory_space<smem>>
        %mul3A_1227 = vector.broadcast %get3A_1226 : f32 to vector<16xf32>
        %mul3A_1228 = arith.mulf %mul3A_1227, %gather3A_1132 : vector<16xf32>
        %add3A_1229 = arith.addf %add3A_1220, %mul3A_1228 : vector<16xf32>
        %get3A_1230 = arith.constant 6 : i32
        %get3A_1231 = arith.index_cast %get3A_1230 : i32 to index
        %get3A_1232 = arith.index_cast %scan3A_1130 : i32 to index
        %get3A_1233 = memref.load %arg11[%get3A_1231, %get3A_1232] : memref<8x128xf32, #tpu.memory_space<smem>>
        %mul3A_1234 = vector.broadcast %get3A_1233 : f32 to vector<16xf32>
        %mul3A_1235 = arith.mulf %mul3A_1234, %mul3A_1133 : vector<16xf32>
        %add3A_1236 = arith.addf %add3A_1112, %mul3A_1235 : vector<16xf32>
        %add3A_1237 = arith.constant 64 : i32
        %add3A_1238 = arith.addi %add3A_1237, %scan3A_1130 : i32
        %get3A_1239 = arith.constant 6 : i32
        %get3A_1240 = arith.index_cast %get3A_1239 : i32 to index
        %get3A_1241 = arith.index_cast %add3A_1238 : i32 to index
        %get3A_1242 = memref.load %arg11[%get3A_1240, %get3A_1241] : memref<8x128xf32, #tpu.memory_space<smem>>
        %mul3A_1243 = vector.broadcast %get3A_1242 : f32 to vector<16xf32>
        %mul3A_1244 = arith.mulf %mul3A_1243, %gather3A_1132 : vector<16xf32>
        %add3A_1245 = arith.addf %add3A_1236, %mul3A_1244 : vector<16xf32>
        %get3A_1246 = arith.constant 7 : i32
        %get3A_1247 = arith.index_cast %get3A_1246 : i32 to index
        %get3A_1248 = arith.index_cast %scan3A_1130 : i32 to index
        %get3A_1249 = memref.load %arg11[%get3A_1247, %get3A_1248] : memref<8x128xf32, #tpu.memory_space<smem>>
        %mul3A_1250 = vector.broadcast %get3A_1249 : f32 to vector<16xf32>
        %mul3A_1251 = arith.mulf %mul3A_1250, %mul3A_1133 : vector<16xf32>
        %add3A_1252 = arith.addf %add3A_1128, %mul3A_1251 : vector<16xf32>
        %add3A_1253 = arith.constant 64 : i32
        %add3A_1254 = arith.addi %add3A_1253, %scan3A_1130 : i32
        %get3A_1255 = arith.constant 7 : i32
        %get3A_1256 = arith.index_cast %get3A_1255 : i32 to index
        %get3A_1257 = arith.index_cast %add3A_1254 : i32 to index
        %get3A_1258 = memref.load %arg11[%get3A_1256, %get3A_1257] : memref<8x128xf32, #tpu.memory_space<smem>>
        %mul3A_1259 = vector.broadcast %get3A_1258 : f32 to vector<16xf32>
        %mul3A_1260 = arith.mulf %mul3A_1259, %gather3A_1132 : vector<16xf32>
        %add3A_1261 = arith.addf %add3A_1252, %mul3A_1260 : vector<16xf32>
        scf.yield %add3A_1149, %add3A_1165, %add3A_1181, %add3A_1197, %add3A_1213, %add3A_1229, %add3A_1245, %add3A_1261 : vector<16xf32>, vector<16xf32>, vector<16xf32>, vector<16xf32>, vector<16xf32>, vector<16xf32>, vector<16xf32>, vector<16xf32>
      }
      %scan3A_100 = arith.constant 64 : i32
      %max3A = arith.maximumf %scan3A_99#0, %scan3A_99#1 : vector<16xf32>
      %max3A_101 = arith.maximumf %scan3A_99#2, %scan3A_99#3 : vector<16xf32>
      %max3A_102 = arith.maximumf %scan3A_99#4, %scan3A_99#5 : vector<16xf32>
      %max3A_103 = arith.maximumf %scan3A_99#6, %scan3A_99#7 : vector<16xf32>
      %max3A_104 = arith.maximumf %max3A, %max3A_101 : vector<16xf32>
      %max3A_105 = arith.maximumf %max3A_102, %max3A_103 : vector<16xf32>
      %max3A_106 = arith.maximumf %max3A_104, %max3A_105 : vector<16xf32>
      %broadcast_in_dim3A_107 = arith.constant 0.000000e+00 : f32
      %broadcast_in_dim3A_108 = vector.broadcast %broadcast_in_dim3A_107 : f32 to vector<16xf32>
      %sub3A = arith.subf %scan3A_99#0, %max3A_106 : vector<16xf32>
      %exp3A = math.exp %sub3A : vector<16xf32>
      %add3A_109 = arith.addf %broadcast_in_dim3A_108, %exp3A : vector<16xf32>
      %sub3A_110 = arith.subf %scan3A_99#1, %max3A_106 : vector<16xf32>
      %exp3A_111 = math.exp %sub3A_110 : vector<16xf32>
      %add3A_112 = arith.addf %add3A_109, %exp3A_111 : vector<16xf32>
      %sub3A_113 = arith.subf %scan3A_99#2, %max3A_106 : vector<16xf32>
      %exp3A_114 = math.exp %sub3A_113 : vector<16xf32>
      %add3A_115 = arith.addf %add3A_112, %exp3A_114 : vector<16xf32>
      %sub3A_116 = arith.subf %scan3A_99#3, %max3A_106 : vector<16xf32>
      %exp3A_117 = math.exp %sub3A_116 : vector<16xf32>
      %add3A_118 = arith.addf %add3A_115, %exp3A_117 : vector<16xf32>
      %sub3A_119 = arith.subf %scan3A_99#4, %max3A_106 : vector<16xf32>
      %exp3A_120 = math.exp %sub3A_119 : vector<16xf32>
      %add3A_121 = arith.addf %add3A_118, %exp3A_120 : vector<16xf32>
      %sub3A_122 = arith.subf %scan3A_99#5, %max3A_106 : vector<16xf32>
      %exp3A_123 = math.exp %sub3A_122 : vector<16xf32>
      %add3A_124 = arith.addf %add3A_121, %exp3A_123 : vector<16xf32>
      %sub3A_125 = arith.subf %scan3A_99#6, %max3A_106 : vector<16xf32>
      %exp3A_126 = math.exp %sub3A_125 : vector<16xf32>
      %add3A_127 = arith.addf %add3A_124, %exp3A_126 : vector<16xf32>
      %sub3A_128 = arith.subf %scan3A_99#7, %max3A_106 : vector<16xf32>
      %exp3A_129 = math.exp %sub3A_128 : vector<16xf32>
      %add3A_130 = arith.addf %add3A_127, %exp3A_129 : vector<16xf32>
      %bitcast_convert_type3A = tpu.bitcast %add3A_130 : vector<16xf32> -> vector<16xi32>
      %shift_right_logical3A = arith.constant 23 : i32
      %shift_right_logical3A_131 = vector.broadcast %shift_right_logical3A : i32 to vector<16xi32>
      %shift_right_logical3A_132 = arith.shrui %bitcast_convert_type3A, %shift_right_logical3A_131 : vector<16xi32>
      %sub3A_133 = arith.constant 127 : i32
      %sub3A_134 = vector.broadcast %sub3A_133 : i32 to vector<16xi32>
      %sub3A_135 = arith.subi %shift_right_logical3A_132, %sub3A_134 : vector<16xi32>
      %and3A = arith.constant 8388607 : i32
      %and3A_136 = vector.broadcast %and3A : i32 to vector<16xi32>
      %and3A_137 = arith.andi %bitcast_convert_type3A, %and3A_136 : vector<16xi32>
      %or3A = arith.constant 1065353216 : i32
      %or3A_138 = vector.broadcast %or3A : i32 to vector<16xi32>
      %or3A_139 = arith.ori %and3A_137, %or3A_138 : vector<16xi32>
      %bitcast_convert_type3A_140 = tpu.bitcast %or3A_139 : vector<16xi32> -> vector<16xf32>
      %gt3A = arith.constant 1.41421354 : f32
      %gt3A_141 = vector.broadcast %gt3A : f32 to vector<16xf32>
      %gt3A_142 = arith.cmpf ogt, %bitcast_convert_type3A_140, %gt3A_141 : vector<16xf32>
      %mul3A_143 = arith.constant 5.000000e-01 : f32
      %mul3A_144 = vector.broadcast %mul3A_143 : f32 to vector<16xf32>
      %mul3A_145 = arith.mulf %bitcast_convert_type3A_140, %mul3A_144 : vector<16xf32>
      %select_n3A = arith.select %gt3A_142, %mul3A_145, %bitcast_convert_type3A_140 : vector<16xi1>, vector<16xf32>
      %add3A_146 = arith.constant 1 : i32
      %add3A_147 = vector.broadcast %add3A_146 : i32 to vector<16xi32>
      %add3A_148 = arith.addi %sub3A_135, %add3A_147 : vector<16xi32>
      %select_n3A_149 = arith.select %gt3A_142, %add3A_148, %sub3A_135 : vector<16xi1>, vector<16xi32>
      %sub3A_150 = arith.constant 1.000000e+00 : f32
      %sub3A_151 = vector.broadcast %sub3A_150 : f32 to vector<16xf32>
      %sub3A_152 = arith.subf %select_n3A, %sub3A_151 : vector<16xf32>
      %broadcast_in_dim3A_153 = arith.constant 0.114484355 : f32
      %broadcast_in_dim3A_154 = vector.broadcast %broadcast_in_dim3A_153 : f32 to vector<16xf32>
      %mul3A_155 = arith.mulf %broadcast_in_dim3A_154, %sub3A_152 : vector<16xf32>
      %add3A_156 = arith.constant -0.186276972 : f32
      %add3A_157 = vector.broadcast %add3A_156 : f32 to vector<16xf32>
      %add3A_158 = arith.addf %mul3A_155, %add3A_157 : vector<16xf32>
      %mul3A_159 = arith.mulf %add3A_158, %sub3A_152 : vector<16xf32>
      %add3A_160 = arith.constant 0.206117854 : f32
      %add3A_161 = vector.broadcast %add3A_160 : f32 to vector<16xf32>
      %add3A_162 = arith.addf %mul3A_159, %add3A_161 : vector<16xf32>
      %mul3A_163 = arith.mulf %add3A_162, %sub3A_152 : vector<16xf32>
      %add3A_164 = arith.constant -0.249112099 : f32
      %add3A_165 = vector.broadcast %add3A_164 : f32 to vector<16xf32>
      %add3A_166 = arith.addf %mul3A_163, %add3A_165 : vector<16xf32>
      %mul3A_167 = arith.mulf %add3A_166, %sub3A_152 : vector<16xf32>
      %add3A_168 = arith.constant 0.333048135 : f32
      %add3A_169 = vector.broadcast %add3A_168 : f32 to vector<16xf32>
      %add3A_170 = arith.addf %mul3A_167, %add3A_169 : vector<16xf32>
      %mul3A_171 = arith.mulf %add3A_170, %sub3A_152 : vector<16xf32>
      %add3A_172 = arith.constant -0.500012934 : f32
      %add3A_173 = vector.broadcast %add3A_172 : f32 to vector<16xf32>
      %add3A_174 = arith.addf %mul3A_171, %add3A_173 : vector<16xf32>
      %mul3A_175 = arith.mulf %add3A_174, %sub3A_152 : vector<16xf32>
      %add3A_176 = arith.constant 1.0000031 : f32
      %add3A_177 = vector.broadcast %add3A_176 : f32 to vector<16xf32>
      %add3A_178 = arith.addf %mul3A_175, %add3A_177 : vector<16xf32>
      %mul3A_179 = arith.mulf %add3A_178, %sub3A_152 : vector<16xf32>
      %add3A_180 = arith.constant 3.34232695E-8 : f32
      %add3A_181 = vector.broadcast %add3A_180 : f32 to vector<16xf32>
      %add3A_182 = arith.addf %mul3A_179, %add3A_181 : vector<16xf32>
      %convert_element_type3A_183 = arith.sitofp %select_n3A_149 : vector<16xi32> to vector<16xf32>
      %mul3A_184 = arith.constant 0.693147182 : f32
      %mul3A_185 = vector.broadcast %mul3A_184 : f32 to vector<16xf32>
      %mul3A_186 = arith.mulf %convert_element_type3A_183, %mul3A_185 : vector<16xf32>
      %add3A_187 = arith.addf %mul3A_186, %add3A_182 : vector<16xf32>
      %add3A_188 = arith.addf %max3A_106, %add3A_187 : vector<16xf32>
      %mul3A_189 = arith.constant 16 : i32
      %mul3A_190 = arith.muli %scan3A_44, %mul3A_189 : i32
      %swap3A = arith.index_cast %mul3A_190 : i32 to index
      %swap3A_191 = tpu.vector_load %arg8[%swap3A] {strides = array<i32>} : memref<256xf32, #tpu.memory_space<vmem>>, vector<16xf32>,
      tpu.vector_store %arg8[%swap3A], %add3A_188 {strides = array<i32>} : memref<256xf32, #tpu.memory_space<vmem>>, vector<16xf32>,
    }
    %scan3A_25 = arith.constant 16 : i32
    %mul3A_26 = arith.constant 512 : i32
    %mul3A_27 = arith.muli %add3A, %mul3A_26 : i32
    %add3A_28 = arith.constant 0 : i32
    %add3A_29 = arith.addi %mul3A_27, %add3A_28 : i32
    "tpu.region"() ({
      %run_scoped3A = tpu.sem_alloc : memref<!tpu.dma_semaphore, #tpu.memory_space<semaphore_mem>>
      %dma_start3A_44 = tpu.memref_slice %arg5[%add3A_29] : memref<16384xf32, #tpu.memory_space<hbm>> -> memref<256xf32, #tpu.memory_space<hbm>>
      %dma_start3A_45 = tpu.memref_slice %arg5[%add3A_29] : memref<16384xf32, #tpu.memory_space<hbm>> -> memref<256xf32, #tpu.memory_space<hbm>>
      tpu.enqueue_dma source(%arg8 : memref<256xf32, #tpu.memory_space<vmem>>) target(%dma_start3A_45 : memref<256xf32, #tpu.memory_space<hbm>>) target_semaphore(%run_scoped3A : memref<!tpu.dma_semaphore, #tpu.memory_space<semaphore_mem>>)
      %dma_wait3A_46 = tpu.memref_slice %arg5[%add3A_29] : memref<16384xf32, #tpu.memory_space<hbm>> -> memref<256xf32, #tpu.memory_space<hbm>>
      %dma_wait3A_47 = tpu.memref_slice %arg5[%add3A_29] : memref<16384xf32, #tpu.memory_space<hbm>> -> memref<256xf32, #tpu.memory_space<hbm>>
      tpu.wait_dma2 semaphore(%run_scoped3A : memref<!tpu.dma_semaphore, #tpu.memory_space<semaphore_mem>>) src(%arg8 : memref<256xf32, #tpu.memory_space<vmem>>) dst(%dma_wait3A_47 : memref<256xf32, #tpu.memory_space<hbm>>)
      tpu.yield
    }) : () -> ()
    %dma_wait3A_30 = arith.constant 0 : i32
    %dma_wait3A_31 = tpu.memref_slice %arg2[%add3A_16, %dma_wait3A_30] : memref<262144x64xf32, #tpu.memory_space<hbm>> -> memref<256x64xf32, #tpu.memory_space<hbm>>
    %dma_wait3A_32 = arith.constant 0 : i32
    %dma_wait3A_33 = tpu.memref_slice %arg2[%add3A_16, %dma_wait3A_32] : memref<262144x64xf32, #tpu.memory_space<hbm>> -> memref<256x64xf32, #tpu.memory_space<hbm>>
    tpu.wait_dma2 semaphore(%arg14 : memref<!tpu.dma_semaphore, #tpu.memory_space<semaphore_mem>>) src(%dma_wait3A_33 : memref<256x64xf32, #tpu.memory_space<hbm>>) dst(%arg7 : memref<256x64xf32, #tpu.memory_space<vmem>>)
    %scan3A_34 = arith.constant 0 : i32
    %scan3A_35 = arith.constant 0 : i32
    %scan3A_36 = arith.constant 16 : i32
    %scan3A_37 = arith.addi %scan3A_35, %scan3A_36 : i32
    %scan3A_38 = arith.constant 1 : i32
    scf.for %scan3A_44 = %scan3A_35 to %scan3A_37 step %scan3A_38  : i32 {
      %mul3A_45 = arith.constant 16 : i32
      %mul3A_46 = arith.muli %scan3A_44, %mul3A_45 : i32
      %add3A_47 = vector.broadcast %mul3A_46 : i32 to vector<16xi32>
      %add3A_48 = arith.addi %add3A_47, %iota3A : vector<16xi32>
      %get3A = arith.constant 0 : i32
      %get3A_49 = arith.constant 0 : i32
      %get3A_50 = arith.index_cast %get3A : i32 to index
      %get3A_51 = arith.index_cast %get3A_49 : i32 to index
      %get3A_52 = memref.load %arg12[%get3A_50, %get3A_51] : memref<1x16xf32, #tpu.memory_space<smem>>
      %broadcast_in_dim3A = vector.broadcast %get3A_52 : f32 to vector<16xf32>
      %get3A_53 = arith.constant 0 : i32
      %get3A_54 = arith.constant 1 : i32
      %get3A_55 = arith.index_cast %get3A_53 : i32 to index
      %get3A_56 = arith.index_cast %get3A_54 : i32 to index
      %get3A_57 = memref.load %arg12[%get3A_55, %get3A_56] : memref<1x16xf32, #tpu.memory_space<smem>>
      %broadcast_in_dim3A_58 = vector.broadcast %get3A_57 : f32 to vector<16xf32>
      %get3A_59 = arith.constant 0 : i32
      %get3A_60 = arith.constant 2 : i32
      %get3A_61 = arith.index_cast %get3A_59 : i32 to index
      %get3A_62 = arith.index_cast %get3A_60 : i32 to index
      %get3A_63 = memref.load %arg12[%get3A_61, %get3A_62] : memref<1x16xf32, #tpu.memory_space<smem>>
      %broadcast_in_dim3A_64 = vector.broadcast %get3A_63 : f32 to vector<16xf32>
      %get3A_65 = arith.constant 0 : i32
      %get3A_66 = arith.constant 3 : i32
      %get3A_67 = arith.index_cast %get3A_65 : i32 to index
      %get3A_68 = arith.index_cast %get3A_66 : i32 to index
      %get3A_69 = memref.load %arg12[%get3A_67, %get3A_68] : memref<1x16xf32, #tpu.memory_space<smem>>
      %broadcast_in_dim3A_70 = vector.broadcast %get3A_69 : f32 to vector<16xf32>
      %get3A_71 = arith.constant 0 : i32
      %get3A_72 = arith.constant 4 : i32
      %get3A_73 = arith.index_cast %get3A_71 : i32 to index
      %get3A_74 = arith.index_cast %get3A_72 : i32 to index
      %get3A_75 = memref.load %arg12[%get3A_73, %get3A_74] : memref<1x16xf32, #tpu.memory_space<smem>>
      %broadcast_in_dim3A_76 = vector.broadcast %get3A_75 : f32 to vector<16xf32>
      %get3A_77 = arith.constant 0 : i32
      %get3A_78 = arith.constant 5 : i32
      %get3A_79 = arith.index_cast %get3A_77 : i32 to index
      %get3A_80 = arith.index_cast %get3A_78 : i32 to index
      %get3A_81 = memref.load %arg12[%get3A_79, %get3A_80] : memref<1x16xf32, #tpu.memory_space<smem>>
      %broadcast_in_dim3A_82 = vector.broadcast %get3A_81 : f32 to vector<16xf32>
      %get3A_83 = arith.constant 0 : i32
      %get3A_84 = arith.constant 6 : i32
      %get3A_85 = arith.index_cast %get3A_83 : i32 to index
      %get3A_86 = arith.index_cast %get3A_84 : i32 to index
      %get3A_87 = memref.load %arg12[%get3A_85, %get3A_86] : memref<1x16xf32, #tpu.memory_space<smem>>
      %broadcast_in_dim3A_88 = vector.broadcast %get3A_87 : f32 to vector<16xf32>
      %get3A_89 = arith.constant 0 : i32
      %get3A_90 = arith.constant 7 : i32
      %get3A_91 = arith.index_cast %get3A_89 : i32 to index
      %get3A_92 = arith.index_cast %get3A_90 : i32 to index
      %get3A_93 = memref.load %arg12[%get3A_91, %get3A_92] : memref<1x16xf32, #tpu.memory_space<smem>>
      %broadcast_in_dim3A_94 = vector.broadcast %get3A_93 : f32 to vector<16xf32>
      %scan3A_95 = arith.constant 0 : i32
      %scan3A_96 = arith.constant 64 : i32
      %scan3A_97 = arith.addi %scan3A_95, %scan3A_96 : i32
      %scan3A_98 = arith.constant 8 : i32
      %scan3A_99:8 = scf.for %scan3A_192 = %scan3A_95 to %scan3A_97 step %scan3A_98 iter_args(%scan3A_193 = %broadcast_in_dim3A, %scan3A_194 = %broadcast_in_dim3A_58, %scan3A_195 = %broadcast_in_dim3A_64, %scan3A_196 = %broadcast_in_dim3A_70, %scan3A_197 = %broadcast_in_dim3A_76, %scan3A_198 = %broadcast_in_dim3A_82, %scan3A_199 = %broadcast_in_dim3A_88, %scan3A_200 = %broadcast_in_dim3A_94) -> (vector<16xf32>, vector<16xf32>, vector<16xf32>, vector<16xf32>, vector<16xf32>, vector<16xf32>, vector<16xf32>, vector<16xf32>)  : i32 {
        %broadcast_in_dim3A_201 = vector.broadcast %scan3A_192 : i32 to vector<16xi32>
        %gather3A = tpu.vector_load_idx %arg7[%add3A_48, %broadcast_in_dim3A_201] : memref<256x64xf32, #tpu.memory_space<vmem>>[vector<16xi32>, vector<16xi32>], vector<16xf32>,
        %mul3A_202 = arith.mulf %gather3A, %gather3A : vector<16xf32>
        %get3A_203 = arith.constant 0 : i32
        %get3A_204 = arith.index_cast %get3A_203 : i32 to index
        %get3A_205 = arith.index_cast %scan3A_192 : i32 to index
        %get3A_206 = memref.load %arg11[%get3A_204, %get3A_205] : memref<8x128xf32, #tpu.memory_space<smem>>
        %mul3A_207 = vector.broadcast %get3A_206 : f32 to vector<16xf32>
        %mul3A_208 = arith.mulf %mul3A_207, %mul3A_202 : vector<16xf32>
        %add3A_209 = arith.addf %scan3A_193, %mul3A_208 : vector<16xf32>
        %add3A_210 = arith.constant 64 : i32
        %add3A_211 = arith.addi %add3A_210, %scan3A_192 : i32
        %get3A_212 = arith.constant 0 : i32
        %get3A_213 = arith.index_cast %get3A_212 : i32 to index
        %get3A_214 = arith.index_cast %add3A_211 : i32 to index
        %get3A_215 = memref.load %arg11[%get3A_213, %get3A_214] : memref<8x128xf32, #tpu.memory_space<smem>>
        %mul3A_216 = vector.broadcast %get3A_215 : f32 to vector<16xf32>
        %mul3A_217 = arith.mulf %mul3A_216, %gather3A : vector<16xf32>
        %add3A_218 = arith.addf %add3A_209, %mul3A_217 : vector<16xf32>
        %get3A_219 = arith.constant 1 : i32
        %get3A_220 = arith.index_cast %get3A_219 : i32 to index
        %get3A_221 = arith.index_cast %scan3A_192 : i32 to index
        %get3A_222 = memref.load %arg11[%get3A_220, %get3A_221] : memref<8x128xf32, #tpu.memory_space<smem>>
        %mul3A_223 = vector.broadcast %get3A_222 : f32 to vector<16xf32>
        %mul3A_224 = arith.mulf %mul3A_223, %mul3A_202 : vector<16xf32>
        %add3A_225 = arith.addf %scan3A_194, %mul3A_224 : vector<16xf32>
        %add3A_226 = arith.constant 64 : i32
        %add3A_227 = arith.addi %add3A_226, %scan3A_192 : i32
        %get3A_228 = arith.constant 1 : i32
        %get3A_229 = arith.index_cast %get3A_228 : i32 to index
        %get3A_230 = arith.index_cast %add3A_227 : i32 to index
        %get3A_231 = memref.load %arg11[%get3A_229, %get3A_230] : memref<8x128xf32, #tpu.memory_space<smem>>
        %mul3A_232 = vector.broadcast %get3A_231 : f32 to vector<16xf32>
        %mul3A_233 = arith.mulf %mul3A_232, %gather3A : vector<16xf32>
        %add3A_234 = arith.addf %add3A_225, %mul3A_233 : vector<16xf32>
        %get3A_235 = arith.constant 2 : i32
        %get3A_236 = arith.index_cast %get3A_235 : i32 to index
        %get3A_237 = arith.index_cast %scan3A_192 : i32 to index
        %get3A_238 = memref.load %arg11[%get3A_236, %get3A_237] : memref<8x128xf32, #tpu.memory_space<smem>>
        %mul3A_239 = vector.broadcast %get3A_238 : f32 to vector<16xf32>
        %mul3A_240 = arith.mulf %mul3A_239, %mul3A_202 : vector<16xf32>
        %add3A_241 = arith.addf %scan3A_195, %mul3A_240 : vector<16xf32>
        %add3A_242 = arith.constant 64 : i32
        %add3A_243 = arith.addi %add3A_242, %scan3A_192 : i32
        %get3A_244 = arith.constant 2 : i32
        %get3A_245 = arith.index_cast %get3A_244 : i32 to index
        %get3A_246 = arith.index_cast %add3A_243 : i32 to index
        %get3A_247 = memref.load %arg11[%get3A_245, %get3A_246] : memref<8x128xf32, #tpu.memory_space<smem>>
        %mul3A_248 = vector.broadcast %get3A_247 : f32 to vector<16xf32>
        %mul3A_249 = arith.mulf %mul3A_248, %gather3A : vector<16xf32>
        %add3A_250 = arith.addf %add3A_241, %mul3A_249 : vector<16xf32>
        %get3A_251 = arith.constant 3 : i32
        %get3A_252 = arith.index_cast %get3A_251 : i32 to index
        %get3A_253 = arith.index_cast %scan3A_192 : i32 to index
        %get3A_254 = memref.load %arg11[%get3A_252, %get3A_253] : memref<8x128xf32, #tpu.memory_space<smem>>
        %mul3A_255 = vector.broadcast %get3A_254 : f32 to vector<16xf32>
        %mul3A_256 = arith.mulf %mul3A_255, %mul3A_202 : vector<16xf32>
        %add3A_257 = arith.addf %scan3A_196, %mul3A_256 : vector<16xf32>
        %add3A_258 = arith.constant 64 : i32
        %add3A_259 = arith.addi %add3A_258, %scan3A_192 : i32
        %get3A_260 = arith.constant 3 : i32
        %get3A_261 = arith.index_cast %get3A_260 : i32 to index
        %get3A_262 = arith.index_cast %add3A_259 : i32 to index
        %get3A_263 = memref.load %arg11[%get3A_261, %get3A_262] : memref<8x128xf32, #tpu.memory_space<smem>>
        %mul3A_264 = vector.broadcast %get3A_263 : f32 to vector<16xf32>
        %mul3A_265 = arith.mulf %mul3A_264, %gather3A : vector<16xf32>
        %add3A_266 = arith.addf %add3A_257, %mul3A_265 : vector<16xf32>
        %get3A_267 = arith.constant 4 : i32
        %get3A_268 = arith.index_cast %get3A_267 : i32 to index
        %get3A_269 = arith.index_cast %scan3A_192 : i32 to index
        %get3A_270 = memref.load %arg11[%get3A_268, %get3A_269] : memref<8x128xf32, #tpu.memory_space<smem>>
        %mul3A_271 = vector.broadcast %get3A_270 : f32 to vector<16xf32>
        %mul3A_272 = arith.mulf %mul3A_271, %mul3A_202 : vector<16xf32>
        %add3A_273 = arith.addf %scan3A_197, %mul3A_272 : vector<16xf32>
        %add3A_274 = arith.constant 64 : i32
        %add3A_275 = arith.addi %add3A_274, %scan3A_192 : i32
        %get3A_276 = arith.constant 4 : i32
        %get3A_277 = arith.index_cast %get3A_276 : i32 to index
        %get3A_278 = arith.index_cast %add3A_275 : i32 to index
        %get3A_279 = memref.load %arg11[%get3A_277, %get3A_278] : memref<8x128xf32, #tpu.memory_space<smem>>
        %mul3A_280 = vector.broadcast %get3A_279 : f32 to vector<16xf32>
        %mul3A_281 = arith.mulf %mul3A_280, %gather3A : vector<16xf32>
        %add3A_282 = arith.addf %add3A_273, %mul3A_281 : vector<16xf32>
        %get3A_283 = arith.constant 5 : i32
        %get3A_284 = arith.index_cast %get3A_283 : i32 to index
        %get3A_285 = arith.index_cast %scan3A_192 : i32 to index
        %get3A_286 = memref.load %arg11[%get3A_284, %get3A_285] : memref<8x128xf32, #tpu.memory_space<smem>>
        %mul3A_287 = vector.broadcast %get3A_286 : f32 to vector<16xf32>
        %mul3A_288 = arith.mulf %mul3A_287, %mul3A_202 : vector<16xf32>
        %add3A_289 = arith.addf %scan3A_198, %mul3A_288 : vector<16xf32>
        %add3A_290 = arith.constant 64 : i32
        %add3A_291 = arith.addi %add3A_290, %scan3A_192 : i32
        %get3A_292 = arith.constant 5 : i32
        %get3A_293 = arith.index_cast %get3A_292 : i32 to index
        %get3A_294 = arith.index_cast %add3A_291 : i32 to index
        %get3A_295 = memref.load %arg11[%get3A_293, %get3A_294] : memref<8x128xf32, #tpu.memory_space<smem>>
        %mul3A_296 = vector.broadcast %get3A_295 : f32 to vector<16xf32>
        %mul3A_297 = arith.mulf %mul3A_296, %gather3A : vector<16xf32>
        %add3A_298 = arith.addf %add3A_289, %mul3A_297 : vector<16xf32>
        %get3A_299 = arith.constant 6 : i32
        %get3A_300 = arith.index_cast %get3A_299 : i32 to index
        %get3A_301 = arith.index_cast %scan3A_192 : i32 to index
        %get3A_302 = memref.load %arg11[%get3A_300, %get3A_301] : memref<8x128xf32, #tpu.memory_space<smem>>
        %mul3A_303 = vector.broadcast %get3A_302 : f32 to vector<16xf32>
        %mul3A_304 = arith.mulf %mul3A_303, %mul3A_202 : vector<16xf32>
        %add3A_305 = arith.addf %scan3A_199, %mul3A_304 : vector<16xf32>
        %add3A_306 = arith.constant 64 : i32
        %add3A_307 = arith.addi %add3A_306, %scan3A_192 : i32
        %get3A_308 = arith.constant 6 : i32
        %get3A_309 = arith.index_cast %get3A_308 : i32 to index
        %get3A_310 = arith.index_cast %add3A_307 : i32 to index
        %get3A_311 = memref.load %arg11[%get3A_309, %get3A_310] : memref<8x128xf32, #tpu.memory_space<smem>>
        %mul3A_312 = vector.broadcast %get3A_311 : f32 to vector<16xf32>
        %mul3A_313 = arith.mulf %mul3A_312, %gather3A : vector<16xf32>
        %add3A_314 = arith.addf %add3A_305, %mul3A_313 : vector<16xf32>
        %get3A_315 = arith.constant 7 : i32
        %get3A_316 = arith.index_cast %get3A_315 : i32 to index
        %get3A_317 = arith.index_cast %scan3A_192 : i32 to index
        %get3A_318 = memref.load %arg11[%get3A_316, %get3A_317] : memref<8x128xf32, #tpu.memory_space<smem>>
        %mul3A_319 = vector.broadcast %get3A_318 : f32 to vector<16xf32>
        %mul3A_320 = arith.mulf %mul3A_319, %mul3A_202 : vector<16xf32>
        %add3A_321 = arith.addf %scan3A_200, %mul3A_320 : vector<16xf32>
        %add3A_322 = arith.constant 64 : i32
        %add3A_323 = arith.addi %add3A_322, %scan3A_192 : i32
        %get3A_324 = arith.constant 7 : i32
        %get3A_325 = arith.index_cast %get3A_324 : i32 to index
        %get3A_326 = arith.index_cast %add3A_323 : i32 to index
        %get3A_327 = memref.load %arg11[%get3A_325, %get3A_326] : memref<8x128xf32, #tpu.memory_space<smem>>
        %mul3A_328 = vector.broadcast %get3A_327 : f32 to vector<16xf32>
        %mul3A_329 = arith.mulf %mul3A_328, %gather3A : vector<16xf32>
        %add3A_330 = arith.addf %add3A_321, %mul3A_329 : vector<16xf32>
        %scan3A_331 = arith.constant 1 : i32
        %scan3A_332 = arith.addi %scan3A_192, %scan3A_331 : i32
        %broadcast_in_dim3A_333 = vector.broadcast %scan3A_332 : i32 to vector<16xi32>
        %gather3A_334 = tpu.vector_load_idx %arg7[%add3A_48, %broadcast_in_dim3A_333] : memref<256x64xf32, #tpu.memory_space<vmem>>[vector<16xi32>, vector<16xi32>], vector<16xf32>,
        %mul3A_335 = arith.mulf %gather3A_334, %gather3A_334 : vector<16xf32>
        %get3A_336 = arith.constant 0 : i32
        %get3A_337 = arith.index_cast %get3A_336 : i32 to index
        %get3A_338 = arith.index_cast %scan3A_332 : i32 to index
        %get3A_339 = memref.load %arg11[%get3A_337, %get3A_338] : memref<8x128xf32, #tpu.memory_space<smem>>
        %mul3A_340 = vector.broadcast %get3A_339 : f32 to vector<16xf32>
        %mul3A_341 = arith.mulf %mul3A_340, %mul3A_335 : vector<16xf32>
        %add3A_342 = arith.addf %add3A_218, %mul3A_341 : vector<16xf32>
        %add3A_343 = arith.constant 64 : i32
        %add3A_344 = arith.addi %add3A_343, %scan3A_332 : i32
        %get3A_345 = arith.constant 0 : i32
        %get3A_346 = arith.index_cast %get3A_345 : i32 to index
        %get3A_347 = arith.index_cast %add3A_344 : i32 to index
        %get3A_348 = memref.load %arg11[%get3A_346, %get3A_347] : memref<8x128xf32, #tpu.memory_space<smem>>
        %mul3A_349 = vector.broadcast %get3A_348 : f32 to vector<16xf32>
        %mul3A_350 = arith.mulf %mul3A_349, %gather3A_334 : vector<16xf32>
        %add3A_351 = arith.addf %add3A_342, %mul3A_350 : vector<16xf32>
        %get3A_352 = arith.constant 1 : i32
        %get3A_353 = arith.index_cast %get3A_352 : i32 to index
        %get3A_354 = arith.index_cast %scan3A_332 : i32 to index
        %get3A_355 = memref.load %arg11[%get3A_353, %get3A_354] : memref<8x128xf32, #tpu.memory_space<smem>>
        %mul3A_356 = vector.broadcast %get3A_355 : f32 to vector<16xf32>
        %mul3A_357 = arith.mulf %mul3A_356, %mul3A_335 : vector<16xf32>
        %add3A_358 = arith.addf %add3A_234, %mul3A_357 : vector<16xf32>
        %add3A_359 = arith.constant 64 : i32
        %add3A_360 = arith.addi %add3A_359, %scan3A_332 : i32
        %get3A_361 = arith.constant 1 : i32
        %get3A_362 = arith.index_cast %get3A_361 : i32 to index
        %get3A_363 = arith.index_cast %add3A_360 : i32 to index
        %get3A_364 = memref.load %arg11[%get3A_362, %get3A_363] : memref<8x128xf32, #tpu.memory_space<smem>>
        %mul3A_365 = vector.broadcast %get3A_364 : f32 to vector<16xf32>
        %mul3A_366 = arith.mulf %mul3A_365, %gather3A_334 : vector<16xf32>
        %add3A_367 = arith.addf %add3A_358, %mul3A_366 : vector<16xf32>
        %get3A_368 = arith.constant 2 : i32
        %get3A_369 = arith.index_cast %get3A_368 : i32 to index
        %get3A_370 = arith.index_cast %scan3A_332 : i32 to index
        %get3A_371 = memref.load %arg11[%get3A_369, %get3A_370] : memref<8x128xf32, #tpu.memory_space<smem>>
        %mul3A_372 = vector.broadcast %get3A_371 : f32 to vector<16xf32>
        %mul3A_373 = arith.mulf %mul3A_372, %mul3A_335 : vector<16xf32>
        %add3A_374 = arith.addf %add3A_250, %mul3A_373 : vector<16xf32>
        %add3A_375 = arith.constant 64 : i32
        %add3A_376 = arith.addi %add3A_375, %scan3A_332 : i32
        %get3A_377 = arith.constant 2 : i32
        %get3A_378 = arith.index_cast %get3A_377 : i32 to index
        %get3A_379 = arith.index_cast %add3A_376 : i32 to index
        %get3A_380 = memref.load %arg11[%get3A_378, %get3A_379] : memref<8x128xf32, #tpu.memory_space<smem>>
        %mul3A_381 = vector.broadcast %get3A_380 : f32 to vector<16xf32>
        %mul3A_382 = arith.mulf %mul3A_381, %gather3A_334 : vector<16xf32>
        %add3A_383 = arith.addf %add3A_374, %mul3A_382 : vector<16xf32>
        %get3A_384 = arith.constant 3 : i32
        %get3A_385 = arith.index_cast %get3A_384 : i32 to index
        %get3A_386 = arith.index_cast %scan3A_332 : i32 to index
        %get3A_387 = memref.load %arg11[%get3A_385, %get3A_386] : memref<8x128xf32, #tpu.memory_space<smem>>
        %mul3A_388 = vector.broadcast %get3A_387 : f32 to vector<16xf32>
        %mul3A_389 = arith.mulf %mul3A_388, %mul3A_335 : vector<16xf32>
        %add3A_390 = arith.addf %add3A_266, %mul3A_389 : vector<16xf32>
        %add3A_391 = arith.constant 64 : i32
        %add3A_392 = arith.addi %add3A_391, %scan3A_332 : i32
        %get3A_393 = arith.constant 3 : i32
        %get3A_394 = arith.index_cast %get3A_393 : i32 to index
        %get3A_395 = arith.index_cast %add3A_392 : i32 to index
        %get3A_396 = memref.load %arg11[%get3A_394, %get3A_395] : memref<8x128xf32, #tpu.memory_space<smem>>
        %mul3A_397 = vector.broadcast %get3A_396 : f32 to vector<16xf32>
        %mul3A_398 = arith.mulf %mul3A_397, %gather3A_334 : vector<16xf32>
        %add3A_399 = arith.addf %add3A_390, %mul3A_398 : vector<16xf32>
        %get3A_400 = arith.constant 4 : i32
        %get3A_401 = arith.index_cast %get3A_400 : i32 to index
        %get3A_402 = arith.index_cast %scan3A_332 : i32 to index
        %get3A_403 = memref.load %arg11[%get3A_401, %get3A_402] : memref<8x128xf32, #tpu.memory_space<smem>>
        %mul3A_404 = vector.broadcast %get3A_403 : f32 to vector<16xf32>
        %mul3A_405 = arith.mulf %mul3A_404, %mul3A_335 : vector<16xf32>
        %add3A_406 = arith.addf %add3A_282, %mul3A_405 : vector<16xf32>
        %add3A_407 = arith.constant 64 : i32
        %add3A_408 = arith.addi %add3A_407, %scan3A_332 : i32
        %get3A_409 = arith.constant 4 : i32
        %get3A_410 = arith.index_cast %get3A_409 : i32 to index
        %get3A_411 = arith.index_cast %add3A_408 : i32 to index
        %get3A_412 = memref.load %arg11[%get3A_410, %get3A_411] : memref<8x128xf32, #tpu.memory_space<smem>>
        %mul3A_413 = vector.broadcast %get3A_412 : f32 to vector<16xf32>
        %mul3A_414 = arith.mulf %mul3A_413, %gather3A_334 : vector<16xf32>
        %add3A_415 = arith.addf %add3A_406, %mul3A_414 : vector<16xf32>
        %get3A_416 = arith.constant 5 : i32
        %get3A_417 = arith.index_cast %get3A_416 : i32 to index
        %get3A_418 = arith.index_cast %scan3A_332 : i32 to index
        %get3A_419 = memref.load %arg11[%get3A_417, %get3A_418] : memref<8x128xf32, #tpu.memory_space<smem>>
        %mul3A_420 = vector.broadcast %get3A_419 : f32 to vector<16xf32>
        %mul3A_421 = arith.mulf %mul3A_420, %mul3A_335 : vector<16xf32>
        %add3A_422 = arith.addf %add3A_298, %mul3A_421 : vector<16xf32>
        %add3A_423 = arith.constant 64 : i32
        %add3A_424 = arith.addi %add3A_423, %scan3A_332 : i32
        %get3A_425 = arith.constant 5 : i32
        %get3A_426 = arith.index_cast %get3A_425 : i32 to index
        %get3A_427 = arith.index_cast %add3A_424 : i32 to index
        %get3A_428 = memref.load %arg11[%get3A_426, %get3A_427] : memref<8x128xf32, #tpu.memory_space<smem>>
        %mul3A_429 = vector.broadcast %get3A_428 : f32 to vector<16xf32>
        %mul3A_430 = arith.mulf %mul3A_429, %gather3A_334 : vector<16xf32>
        %add3A_431 = arith.addf %add3A_422, %mul3A_430 : vector<16xf32>
        %get3A_432 = arith.constant 6 : i32
        %get3A_433 = arith.index_cast %get3A_432 : i32 to index
        %get3A_434 = arith.index_cast %scan3A_332 : i32 to index
        %get3A_435 = memref.load %arg11[%get3A_433, %get3A_434] : memref<8x128xf32, #tpu.memory_space<smem>>
        %mul3A_436 = vector.broadcast %get3A_435 : f32 to vector<16xf32>
        %mul3A_437 = arith.mulf %mul3A_436, %mul3A_335 : vector<16xf32>
        %add3A_438 = arith.addf %add3A_314, %mul3A_437 : vector<16xf32>
        %add3A_439 = arith.constant 64 : i32
        %add3A_440 = arith.addi %add3A_439, %scan3A_332 : i32
        %get3A_441 = arith.constant 6 : i32
        %get3A_442 = arith.index_cast %get3A_441 : i32 to index
        %get3A_443 = arith.index_cast %add3A_440 : i32 to index
        %get3A_444 = memref.load %arg11[%get3A_442, %get3A_443] : memref<8x128xf32, #tpu.memory_space<smem>>
        %mul3A_445 = vector.broadcast %get3A_444 : f32 to vector<16xf32>
        %mul3A_446 = arith.mulf %mul3A_445, %gather3A_334 : vector<16xf32>
        %add3A_447 = arith.addf %add3A_438, %mul3A_446 : vector<16xf32>
        %get3A_448 = arith.constant 7 : i32
        %get3A_449 = arith.index_cast %get3A_448 : i32 to index
        %get3A_450 = arith.index_cast %scan3A_332 : i32 to index
        %get3A_451 = memref.load %arg11[%get3A_449, %get3A_450] : memref<8x128xf32, #tpu.memory_space<smem>>
        %mul3A_452 = vector.broadcast %get3A_451 : f32 to vector<16xf32>
        %mul3A_453 = arith.mulf %mul3A_452, %mul3A_335 : vector<16xf32>
        %add3A_454 = arith.addf %add3A_330, %mul3A_453 : vector<16xf32>
        %add3A_455 = arith.constant 64 : i32
        %add3A_456 = arith.addi %add3A_455, %scan3A_332 : i32
        %get3A_457 = arith.constant 7 : i32
        %get3A_458 = arith.index_cast %get3A_457 : i32 to index
        %get3A_459 = arith.index_cast %add3A_456 : i32 to index
        %get3A_460 = memref.load %arg11[%get3A_458, %get3A_459] : memref<8x128xf32, #tpu.memory_space<smem>>
        %mul3A_461 = vector.broadcast %get3A_460 : f32 to vector<16xf32>
        %mul3A_462 = arith.mulf %mul3A_461, %gather3A_334 : vector<16xf32>
        %add3A_463 = arith.addf %add3A_454, %mul3A_462 : vector<16xf32>
        %scan3A_464 = arith.constant 2 : i32
        %scan3A_465 = arith.addi %scan3A_192, %scan3A_464 : i32
        %broadcast_in_dim3A_466 = vector.broadcast %scan3A_465 : i32 to vector<16xi32>
        %gather3A_467 = tpu.vector_load_idx %arg7[%add3A_48, %broadcast_in_dim3A_466] : memref<256x64xf32, #tpu.memory_space<vmem>>[vector<16xi32>, vector<16xi32>], vector<16xf32>,
        %mul3A_468 = arith.mulf %gather3A_467, %gather3A_467 : vector<16xf32>
        %get3A_469 = arith.constant 0 : i32
        %get3A_470 = arith.index_cast %get3A_469 : i32 to index
        %get3A_471 = arith.index_cast %scan3A_465 : i32 to index
        %get3A_472 = memref.load %arg11[%get3A_470, %get3A_471] : memref<8x128xf32, #tpu.memory_space<smem>>
        %mul3A_473 = vector.broadcast %get3A_472 : f32 to vector<16xf32>
        %mul3A_474 = arith.mulf %mul3A_473, %mul3A_468 : vector<16xf32>
        %add3A_475 = arith.addf %add3A_351, %mul3A_474 : vector<16xf32>
        %add3A_476 = arith.constant 64 : i32
        %add3A_477 = arith.addi %add3A_476, %scan3A_465 : i32
        %get3A_478 = arith.constant 0 : i32
        %get3A_479 = arith.index_cast %get3A_478 : i32 to index
        %get3A_480 = arith.index_cast %add3A_477 : i32 to index
        %get3A_481 = memref.load %arg11[%get3A_479, %get3A_480] : memref<8x128xf32, #tpu.memory_space<smem>>
        %mul3A_482 = vector.broadcast %get3A_481 : f32 to vector<16xf32>
        %mul3A_483 = arith.mulf %mul3A_482, %gather3A_467 : vector<16xf32>
        %add3A_484 = arith.addf %add3A_475, %mul3A_483 : vector<16xf32>
        %get3A_485 = arith.constant 1 : i32
        %get3A_486 = arith.index_cast %get3A_485 : i32 to index
        %get3A_487 = arith.index_cast %scan3A_465 : i32 to index
        %get3A_488 = memref.load %arg11[%get3A_486, %get3A_487] : memref<8x128xf32, #tpu.memory_space<smem>>
        %mul3A_489 = vector.broadcast %get3A_488 : f32 to vector<16xf32>
        %mul3A_490 = arith.mulf %mul3A_489, %mul3A_468 : vector<16xf32>
        %add3A_491 = arith.addf %add3A_367, %mul3A_490 : vector<16xf32>
        %add3A_492 = arith.constant 64 : i32
        %add3A_493 = arith.addi %add3A_492, %scan3A_465 : i32
        %get3A_494 = arith.constant 1 : i32
        %get3A_495 = arith.index_cast %get3A_494 : i32 to index
        %get3A_496 = arith.index_cast %add3A_493 : i32 to index
        %get3A_497 = memref.load %arg11[%get3A_495, %get3A_496] : memref<8x128xf32, #tpu.memory_space<smem>>
        %mul3A_498 = vector.broadcast %get3A_497 : f32 to vector<16xf32>
        %mul3A_499 = arith.mulf %mul3A_498, %gather3A_467 : vector<16xf32>
        %add3A_500 = arith.addf %add3A_491, %mul3A_499 : vector<16xf32>
        %get3A_501 = arith.constant 2 : i32
        %get3A_502 = arith.index_cast %get3A_501 : i32 to index
        %get3A_503 = arith.index_cast %scan3A_465 : i32 to index
        %get3A_504 = memref.load %arg11[%get3A_502, %get3A_503] : memref<8x128xf32, #tpu.memory_space<smem>>
        %mul3A_505 = vector.broadcast %get3A_504 : f32 to vector<16xf32>
        %mul3A_506 = arith.mulf %mul3A_505, %mul3A_468 : vector<16xf32>
        %add3A_507 = arith.addf %add3A_383, %mul3A_506 : vector<16xf32>
        %add3A_508 = arith.constant 64 : i32
        %add3A_509 = arith.addi %add3A_508, %scan3A_465 : i32
        %get3A_510 = arith.constant 2 : i32
        %get3A_511 = arith.index_cast %get3A_510 : i32 to index
        %get3A_512 = arith.index_cast %add3A_509 : i32 to index
        %get3A_513 = memref.load %arg11[%get3A_511, %get3A_512] : memref<8x128xf32, #tpu.memory_space<smem>>
        %mul3A_514 = vector.broadcast %get3A_513 : f32 to vector<16xf32>
        %mul3A_515 = arith.mulf %mul3A_514, %gather3A_467 : vector<16xf32>
        %add3A_516 = arith.addf %add3A_507, %mul3A_515 : vector<16xf32>
        %get3A_517 = arith.constant 3 : i32
        %get3A_518 = arith.index_cast %get3A_517 : i32 to index
        %get3A_519 = arith.index_cast %scan3A_465 : i32 to index
        %get3A_520 = memref.load %arg11[%get3A_518, %get3A_519] : memref<8x128xf32, #tpu.memory_space<smem>>
        %mul3A_521 = vector.broadcast %get3A_520 : f32 to vector<16xf32>
        %mul3A_522 = arith.mulf %mul3A_521, %mul3A_468 : vector<16xf32>
        %add3A_523 = arith.addf %add3A_399, %mul3A_522 : vector<16xf32>
        %add3A_524 = arith.constant 64 : i32
        %add3A_525 = arith.addi %add3A_524, %scan3A_465 : i32
        %get3A_526 = arith.constant 3 : i32
        %get3A_527 = arith.index_cast %get3A_526 : i32 to index
        %get3A_528 = arith.index_cast %add3A_525 : i32 to index
        %get3A_529 = memref.load %arg11[%get3A_527, %get3A_528] : memref<8x128xf32, #tpu.memory_space<smem>>
        %mul3A_530 = vector.broadcast %get3A_529 : f32 to vector<16xf32>
        %mul3A_531 = arith.mulf %mul3A_530, %gather3A_467 : vector<16xf32>
        %add3A_532 = arith.addf %add3A_523, %mul3A_531 : vector<16xf32>
        %get3A_533 = arith.constant 4 : i32
        %get3A_534 = arith.index_cast %get3A_533 : i32 to index
        %get3A_535 = arith.index_cast %scan3A_465 : i32 to index
        %get3A_536 = memref.load %arg11[%get3A_534, %get3A_535] : memref<8x128xf32, #tpu.memory_space<smem>>
        %mul3A_537 = vector.broadcast %get3A_536 : f32 to vector<16xf32>
        %mul3A_538 = arith.mulf %mul3A_537, %mul3A_468 : vector<16xf32>
        %add3A_539 = arith.addf %add3A_415, %mul3A_538 : vector<16xf32>
        %add3A_540 = arith.constant 64 : i32
        %add3A_541 = arith.addi %add3A_540, %scan3A_465 : i32
        %get3A_542 = arith.constant 4 : i32
        %get3A_543 = arith.index_cast %get3A_542 : i32 to index
        %get3A_544 = arith.index_cast %add3A_541 : i32 to index
        %get3A_545 = memref.load %arg11[%get3A_543, %get3A_544] : memref<8x128xf32, #tpu.memory_space<smem>>
        %mul3A_546 = vector.broadcast %get3A_545 : f32 to vector<16xf32>
        %mul3A_547 = arith.mulf %mul3A_546, %gather3A_467 : vector<16xf32>
        %add3A_548 = arith.addf %add3A_539, %mul3A_547 : vector<16xf32>
        %get3A_549 = arith.constant 5 : i32
        %get3A_550 = arith.index_cast %get3A_549 : i32 to index
        %get3A_551 = arith.index_cast %scan3A_465 : i32 to index
        %get3A_552 = memref.load %arg11[%get3A_550, %get3A_551] : memref<8x128xf32, #tpu.memory_space<smem>>
        %mul3A_553 = vector.broadcast %get3A_552 : f32 to vector<16xf32>
        %mul3A_554 = arith.mulf %mul3A_553, %mul3A_468 : vector<16xf32>
        %add3A_555 = arith.addf %add3A_431, %mul3A_554 : vector<16xf32>
        %add3A_556 = arith.constant 64 : i32
        %add3A_557 = arith.addi %add3A_556, %scan3A_465 : i32
        %get3A_558 = arith.constant 5 : i32
        %get3A_559 = arith.index_cast %get3A_558 : i32 to index
        %get3A_560 = arith.index_cast %add3A_557 : i32 to index
        %get3A_561 = memref.load %arg11[%get3A_559, %get3A_560] : memref<8x128xf32, #tpu.memory_space<smem>>
        %mul3A_562 = vector.broadcast %get3A_561 : f32 to vector<16xf32>
        %mul3A_563 = arith.mulf %mul3A_562, %gather3A_467 : vector<16xf32>
        %add3A_564 = arith.addf %add3A_555, %mul3A_563 : vector<16xf32>
        %get3A_565 = arith.constant 6 : i32
        %get3A_566 = arith.index_cast %get3A_565 : i32 to index
        %get3A_567 = arith.index_cast %scan3A_465 : i32 to index
        %get3A_568 = memref.load %arg11[%get3A_566, %get3A_567] : memref<8x128xf32, #tpu.memory_space<smem>>
        %mul3A_569 = vector.broadcast %get3A_568 : f32 to vector<16xf32>
        %mul3A_570 = arith.mulf %mul3A_569, %mul3A_468 : vector<16xf32>
        %add3A_571 = arith.addf %add3A_447, %mul3A_570 : vector<16xf32>
        %add3A_572 = arith.constant 64 : i32
        %add3A_573 = arith.addi %add3A_572, %scan3A_465 : i32
        %get3A_574 = arith.constant 6 : i32
        %get3A_575 = arith.index_cast %get3A_574 : i32 to index
        %get3A_576 = arith.index_cast %add3A_573 : i32 to index
        %get3A_577 = memref.load %arg11[%get3A_575, %get3A_576] : memref<8x128xf32, #tpu.memory_space<smem>>
        %mul3A_578 = vector.broadcast %get3A_577 : f32 to vector<16xf32>
        %mul3A_579 = arith.mulf %mul3A_578, %gather3A_467 : vector<16xf32>
        %add3A_580 = arith.addf %add3A_571, %mul3A_579 : vector<16xf32>
        %get3A_581 = arith.constant 7 : i32
        %get3A_582 = arith.index_cast %get3A_581 : i32 to index
        %get3A_583 = arith.index_cast %scan3A_465 : i32 to index
        %get3A_584 = memref.load %arg11[%get3A_582, %get3A_583] : memref<8x128xf32, #tpu.memory_space<smem>>
        %mul3A_585 = vector.broadcast %get3A_584 : f32 to vector<16xf32>
        %mul3A_586 = arith.mulf %mul3A_585, %mul3A_468 : vector<16xf32>
        %add3A_587 = arith.addf %add3A_463, %mul3A_586 : vector<16xf32>
        %add3A_588 = arith.constant 64 : i32
        %add3A_589 = arith.addi %add3A_588, %scan3A_465 : i32
        %get3A_590 = arith.constant 7 : i32
        %get3A_591 = arith.index_cast %get3A_590 : i32 to index
        %get3A_592 = arith.index_cast %add3A_589 : i32 to index
        %get3A_593 = memref.load %arg11[%get3A_591, %get3A_592] : memref<8x128xf32, #tpu.memory_space<smem>>
        %mul3A_594 = vector.broadcast %get3A_593 : f32 to vector<16xf32>
        %mul3A_595 = arith.mulf %mul3A_594, %gather3A_467 : vector<16xf32>
        %add3A_596 = arith.addf %add3A_587, %mul3A_595 : vector<16xf32>
        %scan3A_597 = arith.constant 3 : i32
        %scan3A_598 = arith.addi %scan3A_192, %scan3A_597 : i32
        %broadcast_in_dim3A_599 = vector.broadcast %scan3A_598 : i32 to vector<16xi32>
        %gather3A_600 = tpu.vector_load_idx %arg7[%add3A_48, %broadcast_in_dim3A_599] : memref<256x64xf32, #tpu.memory_space<vmem>>[vector<16xi32>, vector<16xi32>], vector<16xf32>,
        %mul3A_601 = arith.mulf %gather3A_600, %gather3A_600 : vector<16xf32>
        %get3A_602 = arith.constant 0 : i32
        %get3A_603 = arith.index_cast %get3A_602 : i32 to index
        %get3A_604 = arith.index_cast %scan3A_598 : i32 to index
        %get3A_605 = memref.load %arg11[%get3A_603, %get3A_604] : memref<8x128xf32, #tpu.memory_space<smem>>
        %mul3A_606 = vector.broadcast %get3A_605 : f32 to vector<16xf32>
        %mul3A_607 = arith.mulf %mul3A_606, %mul3A_601 : vector<16xf32>
        %add3A_608 = arith.addf %add3A_484, %mul3A_607 : vector<16xf32>
        %add3A_609 = arith.constant 64 : i32
        %add3A_610 = arith.addi %add3A_609, %scan3A_598 : i32
        %get3A_611 = arith.constant 0 : i32
        %get3A_612 = arith.index_cast %get3A_611 : i32 to index
        %get3A_613 = arith.index_cast %add3A_610 : i32 to index
        %get3A_614 = memref.load %arg11[%get3A_612, %get3A_613] : memref<8x128xf32, #tpu.memory_space<smem>>
        %mul3A_615 = vector.broadcast %get3A_614 : f32 to vector<16xf32>
        %mul3A_616 = arith.mulf %mul3A_615, %gather3A_600 : vector<16xf32>
        %add3A_617 = arith.addf %add3A_608, %mul3A_616 : vector<16xf32>
        %get3A_618 = arith.constant 1 : i32
        %get3A_619 = arith.index_cast %get3A_618 : i32 to index
        %get3A_620 = arith.index_cast %scan3A_598 : i32 to index
        %get3A_621 = memref.load %arg11[%get3A_619, %get3A_620] : memref<8x128xf32, #tpu.memory_space<smem>>
        %mul3A_622 = vector.broadcast %get3A_621 : f32 to vector<16xf32>
        %mul3A_623 = arith.mulf %mul3A_622, %mul3A_601 : vector<16xf32>
        %add3A_624 = arith.addf %add3A_500, %mul3A_623 : vector<16xf32>
        %add3A_625 = arith.constant 64 : i32
        %add3A_626 = arith.addi %add3A_625, %scan3A_598 : i32
        %get3A_627 = arith.constant 1 : i32
        %get3A_628 = arith.index_cast %get3A_627 : i32 to index
        %get3A_629 = arith.index_cast %add3A_626 : i32 to index
        %get3A_630 = memref.load %arg11[%get3A_628, %get3A_629] : memref<8x128xf32, #tpu.memory_space<smem>>
        %mul3A_631 = vector.broadcast %get3A_630 : f32 to vector<16xf32>
        %mul3A_632 = arith.mulf %mul3A_631, %gather3A_600 : vector<16xf32>
        %add3A_633 = arith.addf %add3A_624, %mul3A_632 : vector<16xf32>
        %get3A_634 = arith.constant 2 : i32
        %get3A_635 = arith.index_cast %get3A_634 : i32 to index
        %get3A_636 = arith.index_cast %scan3A_598 : i32 to index
        %get3A_637 = memref.load %arg11[%get3A_635, %get3A_636] : memref<8x128xf32, #tpu.memory_space<smem>>
        %mul3A_638 = vector.broadcast %get3A_637 : f32 to vector<16xf32>
        %mul3A_639 = arith.mulf %mul3A_638, %mul3A_601 : vector<16xf32>
        %add3A_640 = arith.addf %add3A_516, %mul3A_639 : vector<16xf32>
        %add3A_641 = arith.constant 64 : i32
        %add3A_642 = arith.addi %add3A_641, %scan3A_598 : i32
        %get3A_643 = arith.constant 2 : i32
        %get3A_644 = arith.index_cast %get3A_643 : i32 to index
        %get3A_645 = arith.index_cast %add3A_642 : i32 to index
        %get3A_646 = memref.load %arg11[%get3A_644, %get3A_645] : memref<8x128xf32, #tpu.memory_space<smem>>
        %mul3A_647 = vector.broadcast %get3A_646 : f32 to vector<16xf32>
        %mul3A_648 = arith.mulf %mul3A_647, %gather3A_600 : vector<16xf32>
        %add3A_649 = arith.addf %add3A_640, %mul3A_648 : vector<16xf32>
        %get3A_650 = arith.constant 3 : i32
        %get3A_651 = arith.index_cast %get3A_650 : i32 to index
        %get3A_652 = arith.index_cast %scan3A_598 : i32 to index
        %get3A_653 = memref.load %arg11[%get3A_651, %get3A_652] : memref<8x128xf32, #tpu.memory_space<smem>>
        %mul3A_654 = vector.broadcast %get3A_653 : f32 to vector<16xf32>
        %mul3A_655 = arith.mulf %mul3A_654, %mul3A_601 : vector<16xf32>
        %add3A_656 = arith.addf %add3A_532, %mul3A_655 : vector<16xf32>
        %add3A_657 = arith.constant 64 : i32
        %add3A_658 = arith.addi %add3A_657, %scan3A_598 : i32
        %get3A_659 = arith.constant 3 : i32
        %get3A_660 = arith.index_cast %get3A_659 : i32 to index
        %get3A_661 = arith.index_cast %add3A_658 : i32 to index
        %get3A_662 = memref.load %arg11[%get3A_660, %get3A_661] : memref<8x128xf32, #tpu.memory_space<smem>>
        %mul3A_663 = vector.broadcast %get3A_662 : f32 to vector<16xf32>
        %mul3A_664 = arith.mulf %mul3A_663, %gather3A_600 : vector<16xf32>
        %add3A_665 = arith.addf %add3A_656, %mul3A_664 : vector<16xf32>
        %get3A_666 = arith.constant 4 : i32
        %get3A_667 = arith.index_cast %get3A_666 : i32 to index
        %get3A_668 = arith.index_cast %scan3A_598 : i32 to index
        %get3A_669 = memref.load %arg11[%get3A_667, %get3A_668] : memref<8x128xf32, #tpu.memory_space<smem>>
        %mul3A_670 = vector.broadcast %get3A_669 : f32 to vector<16xf32>
        %mul3A_671 = arith.mulf %mul3A_670, %mul3A_601 : vector<16xf32>
        %add3A_672 = arith.addf %add3A_548, %mul3A_671 : vector<16xf32>
        %add3A_673 = arith.constant 64 : i32
        %add3A_674 = arith.addi %add3A_673, %scan3A_598 : i32
        %get3A_675 = arith.constant 4 : i32
        %get3A_676 = arith.index_cast %get3A_675 : i32 to index
        %get3A_677 = arith.index_cast %add3A_674 : i32 to index
        %get3A_678 = memref.load %arg11[%get3A_676, %get3A_677] : memref<8x128xf32, #tpu.memory_space<smem>>
        %mul3A_679 = vector.broadcast %get3A_678 : f32 to vector<16xf32>
        %mul3A_680 = arith.mulf %mul3A_679, %gather3A_600 : vector<16xf32>
        %add3A_681 = arith.addf %add3A_672, %mul3A_680 : vector<16xf32>
        %get3A_682 = arith.constant 5 : i32
        %get3A_683 = arith.index_cast %get3A_682 : i32 to index
        %get3A_684 = arith.index_cast %scan3A_598 : i32 to index
        %get3A_685 = memref.load %arg11[%get3A_683, %get3A_684] : memref<8x128xf32, #tpu.memory_space<smem>>
        %mul3A_686 = vector.broadcast %get3A_685 : f32 to vector<16xf32>
        %mul3A_687 = arith.mulf %mul3A_686, %mul3A_601 : vector<16xf32>
        %add3A_688 = arith.addf %add3A_564, %mul3A_687 : vector<16xf32>
        %add3A_689 = arith.constant 64 : i32
        %add3A_690 = arith.addi %add3A_689, %scan3A_598 : i32
        %get3A_691 = arith.constant 5 : i32
        %get3A_692 = arith.index_cast %get3A_691 : i32 to index
        %get3A_693 = arith.index_cast %add3A_690 : i32 to index
        %get3A_694 = memref.load %arg11[%get3A_692, %get3A_693] : memref<8x128xf32, #tpu.memory_space<smem>>
        %mul3A_695 = vector.broadcast %get3A_694 : f32 to vector<16xf32>
        %mul3A_696 = arith.mulf %mul3A_695, %gather3A_600 : vector<16xf32>
        %add3A_697 = arith.addf %add3A_688, %mul3A_696 : vector<16xf32>
        %get3A_698 = arith.constant 6 : i32
        %get3A_699 = arith.index_cast %get3A_698 : i32 to index
        %get3A_700 = arith.index_cast %scan3A_598 : i32 to index
        %get3A_701 = memref.load %arg11[%get3A_699, %get3A_700] : memref<8x128xf32, #tpu.memory_space<smem>>
        %mul3A_702 = vector.broadcast %get3A_701 : f32 to vector<16xf32>
        %mul3A_703 = arith.mulf %mul3A_702, %mul3A_601 : vector<16xf32>
        %add3A_704 = arith.addf %add3A_580, %mul3A_703 : vector<16xf32>
        %add3A_705 = arith.constant 64 : i32
        %add3A_706 = arith.addi %add3A_705, %scan3A_598 : i32
        %get3A_707 = arith.constant 6 : i32
        %get3A_708 = arith.index_cast %get3A_707 : i32 to index
        %get3A_709 = arith.index_cast %add3A_706 : i32 to index
        %get3A_710 = memref.load %arg11[%get3A_708, %get3A_709] : memref<8x128xf32, #tpu.memory_space<smem>>
        %mul3A_711 = vector.broadcast %get3A_710 : f32 to vector<16xf32>
        %mul3A_712 = arith.mulf %mul3A_711, %gather3A_600 : vector<16xf32>
        %add3A_713 = arith.addf %add3A_704, %mul3A_712 : vector<16xf32>
        %get3A_714 = arith.constant 7 : i32
        %get3A_715 = arith.index_cast %get3A_714 : i32 to index
        %get3A_716 = arith.index_cast %scan3A_598 : i32 to index
        %get3A_717 = memref.load %arg11[%get3A_715, %get3A_716] : memref<8x128xf32, #tpu.memory_space<smem>>
        %mul3A_718 = vector.broadcast %get3A_717 : f32 to vector<16xf32>
        %mul3A_719 = arith.mulf %mul3A_718, %mul3A_601 : vector<16xf32>
        %add3A_720 = arith.addf %add3A_596, %mul3A_719 : vector<16xf32>
        %add3A_721 = arith.constant 64 : i32
        %add3A_722 = arith.addi %add3A_721, %scan3A_598 : i32
        %get3A_723 = arith.constant 7 : i32
        %get3A_724 = arith.index_cast %get3A_723 : i32 to index
        %get3A_725 = arith.index_cast %add3A_722 : i32 to index
        %get3A_726 = memref.load %arg11[%get3A_724, %get3A_725] : memref<8x128xf32, #tpu.memory_space<smem>>
        %mul3A_727 = vector.broadcast %get3A_726 : f32 to vector<16xf32>
        %mul3A_728 = arith.mulf %mul3A_727, %gather3A_600 : vector<16xf32>
        %add3A_729 = arith.addf %add3A_720, %mul3A_728 : vector<16xf32>
        %scan3A_730 = arith.constant 4 : i32
        %scan3A_731 = arith.addi %scan3A_192, %scan3A_730 : i32
        %broadcast_in_dim3A_732 = vector.broadcast %scan3A_731 : i32 to vector<16xi32>
        %gather3A_733 = tpu.vector_load_idx %arg7[%add3A_48, %broadcast_in_dim3A_732] : memref<256x64xf32, #tpu.memory_space<vmem>>[vector<16xi32>, vector<16xi32>], vector<16xf32>,
        %mul3A_734 = arith.mulf %gather3A_733, %gather3A_733 : vector<16xf32>
        %get3A_735 = arith.constant 0 : i32
        %get3A_736 = arith.index_cast %get3A_735 : i32 to index
        %get3A_737 = arith.index_cast %scan3A_731 : i32 to index
        %get3A_738 = memref.load %arg11[%get3A_736, %get3A_737] : memref<8x128xf32, #tpu.memory_space<smem>>
        %mul3A_739 = vector.broadcast %get3A_738 : f32 to vector<16xf32>
        %mul3A_740 = arith.mulf %mul3A_739, %mul3A_734 : vector<16xf32>
        %add3A_741 = arith.addf %add3A_617, %mul3A_740 : vector<16xf32>
        %add3A_742 = arith.constant 64 : i32
        %add3A_743 = arith.addi %add3A_742, %scan3A_731 : i32
        %get3A_744 = arith.constant 0 : i32
        %get3A_745 = arith.index_cast %get3A_744 : i32 to index
        %get3A_746 = arith.index_cast %add3A_743 : i32 to index
        %get3A_747 = memref.load %arg11[%get3A_745, %get3A_746] : memref<8x128xf32, #tpu.memory_space<smem>>
        %mul3A_748 = vector.broadcast %get3A_747 : f32 to vector<16xf32>
        %mul3A_749 = arith.mulf %mul3A_748, %gather3A_733 : vector<16xf32>
        %add3A_750 = arith.addf %add3A_741, %mul3A_749 : vector<16xf32>
        %get3A_751 = arith.constant 1 : i32
        %get3A_752 = arith.index_cast %get3A_751 : i32 to index
        %get3A_753 = arith.index_cast %scan3A_731 : i32 to index
        %get3A_754 = memref.load %arg11[%get3A_752, %get3A_753] : memref<8x128xf32, #tpu.memory_space<smem>>
        %mul3A_755 = vector.broadcast %get3A_754 : f32 to vector<16xf32>
        %mul3A_756 = arith.mulf %mul3A_755, %mul3A_734 : vector<16xf32>
        %add3A_757 = arith.addf %add3A_633, %mul3A_756 : vector<16xf32>
        %add3A_758 = arith.constant 64 : i32
        %add3A_759 = arith.addi %add3A_758, %scan3A_731 : i32
        %get3A_760 = arith.constant 1 : i32
        %get3A_761 = arith.index_cast %get3A_760 : i32 to index
        %get3A_762 = arith.index_cast %add3A_759 : i32 to index
        %get3A_763 = memref.load %arg11[%get3A_761, %get3A_762] : memref<8x128xf32, #tpu.memory_space<smem>>
        %mul3A_764 = vector.broadcast %get3A_763 : f32 to vector<16xf32>
        %mul3A_765 = arith.mulf %mul3A_764, %gather3A_733 : vector<16xf32>
        %add3A_766 = arith.addf %add3A_757, %mul3A_765 : vector<16xf32>
        %get3A_767 = arith.constant 2 : i32
        %get3A_768 = arith.index_cast %get3A_767 : i32 to index
        %get3A_769 = arith.index_cast %scan3A_731 : i32 to index
        %get3A_770 = memref.load %arg11[%get3A_768, %get3A_769] : memref<8x128xf32, #tpu.memory_space<smem>>
        %mul3A_771 = vector.broadcast %get3A_770 : f32 to vector<16xf32>
        %mul3A_772 = arith.mulf %mul3A_771, %mul3A_734 : vector<16xf32>
        %add3A_773 = arith.addf %add3A_649, %mul3A_772 : vector<16xf32>
        %add3A_774 = arith.constant 64 : i32
        %add3A_775 = arith.addi %add3A_774, %scan3A_731 : i32
        %get3A_776 = arith.constant 2 : i32
        %get3A_777 = arith.index_cast %get3A_776 : i32 to index
        %get3A_778 = arith.index_cast %add3A_775 : i32 to index
        %get3A_779 = memref.load %arg11[%get3A_777, %get3A_778] : memref<8x128xf32, #tpu.memory_space<smem>>
        %mul3A_780 = vector.broadcast %get3A_779 : f32 to vector<16xf32>
        %mul3A_781 = arith.mulf %mul3A_780, %gather3A_733 : vector<16xf32>
        %add3A_782 = arith.addf %add3A_773, %mul3A_781 : vector<16xf32>
        %get3A_783 = arith.constant 3 : i32
        %get3A_784 = arith.index_cast %get3A_783 : i32 to index
        %get3A_785 = arith.index_cast %scan3A_731 : i32 to index
        %get3A_786 = memref.load %arg11[%get3A_784, %get3A_785] : memref<8x128xf32, #tpu.memory_space<smem>>
        %mul3A_787 = vector.broadcast %get3A_786 : f32 to vector<16xf32>
        %mul3A_788 = arith.mulf %mul3A_787, %mul3A_734 : vector<16xf32>
        %add3A_789 = arith.addf %add3A_665, %mul3A_788 : vector<16xf32>
        %add3A_790 = arith.constant 64 : i32
        %add3A_791 = arith.addi %add3A_790, %scan3A_731 : i32
        %get3A_792 = arith.constant 3 : i32
        %get3A_793 = arith.index_cast %get3A_792 : i32 to index
        %get3A_794 = arith.index_cast %add3A_791 : i32 to index
        %get3A_795 = memref.load %arg11[%get3A_793, %get3A_794] : memref<8x128xf32, #tpu.memory_space<smem>>
        %mul3A_796 = vector.broadcast %get3A_795 : f32 to vector<16xf32>
        %mul3A_797 = arith.mulf %mul3A_796, %gather3A_733 : vector<16xf32>
        %add3A_798 = arith.addf %add3A_789, %mul3A_797 : vector<16xf32>
        %get3A_799 = arith.constant 4 : i32
        %get3A_800 = arith.index_cast %get3A_799 : i32 to index
        %get3A_801 = arith.index_cast %scan3A_731 : i32 to index
        %get3A_802 = memref.load %arg11[%get3A_800, %get3A_801] : memref<8x128xf32, #tpu.memory_space<smem>>
        %mul3A_803 = vector.broadcast %get3A_802 : f32 to vector<16xf32>
        %mul3A_804 = arith.mulf %mul3A_803, %mul3A_734 : vector<16xf32>
        %add3A_805 = arith.addf %add3A_681, %mul3A_804 : vector<16xf32>
        %add3A_806 = arith.constant 64 : i32
        %add3A_807 = arith.addi %add3A_806, %scan3A_731 : i32
        %get3A_808 = arith.constant 4 : i32
        %get3A_809 = arith.index_cast %get3A_808 : i32 to index
        %get3A_810 = arith.index_cast %add3A_807 : i32 to index
        %get3A_811 = memref.load %arg11[%get3A_809, %get3A_810] : memref<8x128xf32, #tpu.memory_space<smem>>
        %mul3A_812 = vector.broadcast %get3A_811 : f32 to vector<16xf32>
        %mul3A_813 = arith.mulf %mul3A_812, %gather3A_733 : vector<16xf32>
        %add3A_814 = arith.addf %add3A_805, %mul3A_813 : vector<16xf32>
        %get3A_815 = arith.constant 5 : i32
        %get3A_816 = arith.index_cast %get3A_815 : i32 to index
        %get3A_817 = arith.index_cast %scan3A_731 : i32 to index
        %get3A_818 = memref.load %arg11[%get3A_816, %get3A_817] : memref<8x128xf32, #tpu.memory_space<smem>>
        %mul3A_819 = vector.broadcast %get3A_818 : f32 to vector<16xf32>
        %mul3A_820 = arith.mulf %mul3A_819, %mul3A_734 : vector<16xf32>
        %add3A_821 = arith.addf %add3A_697, %mul3A_820 : vector<16xf32>
        %add3A_822 = arith.constant 64 : i32
        %add3A_823 = arith.addi %add3A_822, %scan3A_731 : i32
        %get3A_824 = arith.constant 5 : i32
        %get3A_825 = arith.index_cast %get3A_824 : i32 to index
        %get3A_826 = arith.index_cast %add3A_823 : i32 to index
        %get3A_827 = memref.load %arg11[%get3A_825, %get3A_826] : memref<8x128xf32, #tpu.memory_space<smem>>
        %mul3A_828 = vector.broadcast %get3A_827 : f32 to vector<16xf32>
        %mul3A_829 = arith.mulf %mul3A_828, %gather3A_733 : vector<16xf32>
        %add3A_830 = arith.addf %add3A_821, %mul3A_829 : vector<16xf32>
        %get3A_831 = arith.constant 6 : i32
        %get3A_832 = arith.index_cast %get3A_831 : i32 to index
        %get3A_833 = arith.index_cast %scan3A_731 : i32 to index
        %get3A_834 = memref.load %arg11[%get3A_832, %get3A_833] : memref<8x128xf32, #tpu.memory_space<smem>>
        %mul3A_835 = vector.broadcast %get3A_834 : f32 to vector<16xf32>
        %mul3A_836 = arith.mulf %mul3A_835, %mul3A_734 : vector<16xf32>
        %add3A_837 = arith.addf %add3A_713, %mul3A_836 : vector<16xf32>
        %add3A_838 = arith.constant 64 : i32
        %add3A_839 = arith.addi %add3A_838, %scan3A_731 : i32
        %get3A_840 = arith.constant 6 : i32
        %get3A_841 = arith.index_cast %get3A_840 : i32 to index
        %get3A_842 = arith.index_cast %add3A_839 : i32 to index
        %get3A_843 = memref.load %arg11[%get3A_841, %get3A_842] : memref<8x128xf32, #tpu.memory_space<smem>>
        %mul3A_844 = vector.broadcast %get3A_843 : f32 to vector<16xf32>
        %mul3A_845 = arith.mulf %mul3A_844, %gather3A_733 : vector<16xf32>
        %add3A_846 = arith.addf %add3A_837, %mul3A_845 : vector<16xf32>
        %get3A_847 = arith.constant 7 : i32
        %get3A_848 = arith.index_cast %get3A_847 : i32 to index
        %get3A_849 = arith.index_cast %scan3A_731 : i32 to index
        %get3A_850 = memref.load %arg11[%get3A_848, %get3A_849] : memref<8x128xf32, #tpu.memory_space<smem>>
        %mul3A_851 = vector.broadcast %get3A_850 : f32 to vector<16xf32>
        %mul3A_852 = arith.mulf %mul3A_851, %mul3A_734 : vector<16xf32>
        %add3A_853 = arith.addf %add3A_729, %mul3A_852 : vector<16xf32>
        %add3A_854 = arith.constant 64 : i32
        %add3A_855 = arith.addi %add3A_854, %scan3A_731 : i32
        %get3A_856 = arith.constant 7 : i32
        %get3A_857 = arith.index_cast %get3A_856 : i32 to index
        %get3A_858 = arith.index_cast %add3A_855 : i32 to index
        %get3A_859 = memref.load %arg11[%get3A_857, %get3A_858] : memref<8x128xf32, #tpu.memory_space<smem>>
        %mul3A_860 = vector.broadcast %get3A_859 : f32 to vector<16xf32>
        %mul3A_861 = arith.mulf %mul3A_860, %gather3A_733 : vector<16xf32>
        %add3A_862 = arith.addf %add3A_853, %mul3A_861 : vector<16xf32>
        %scan3A_863 = arith.constant 5 : i32
        %scan3A_864 = arith.addi %scan3A_192, %scan3A_863 : i32
        %broadcast_in_dim3A_865 = vector.broadcast %scan3A_864 : i32 to vector<16xi32>
        %gather3A_866 = tpu.vector_load_idx %arg7[%add3A_48, %broadcast_in_dim3A_865] : memref<256x64xf32, #tpu.memory_space<vmem>>[vector<16xi32>, vector<16xi32>], vector<16xf32>,
        %mul3A_867 = arith.mulf %gather3A_866, %gather3A_866 : vector<16xf32>
        %get3A_868 = arith.constant 0 : i32
        %get3A_869 = arith.index_cast %get3A_868 : i32 to index
        %get3A_870 = arith.index_cast %scan3A_864 : i32 to index
        %get3A_871 = memref.load %arg11[%get3A_869, %get3A_870] : memref<8x128xf32, #tpu.memory_space<smem>>
        %mul3A_872 = vector.broadcast %get3A_871 : f32 to vector<16xf32>
        %mul3A_873 = arith.mulf %mul3A_872, %mul3A_867 : vector<16xf32>
        %add3A_874 = arith.addf %add3A_750, %mul3A_873 : vector<16xf32>
        %add3A_875 = arith.constant 64 : i32
        %add3A_876 = arith.addi %add3A_875, %scan3A_864 : i32
        %get3A_877 = arith.constant 0 : i32
        %get3A_878 = arith.index_cast %get3A_877 : i32 to index
        %get3A_879 = arith.index_cast %add3A_876 : i32 to index
        %get3A_880 = memref.load %arg11[%get3A_878, %get3A_879] : memref<8x128xf32, #tpu.memory_space<smem>>
        %mul3A_881 = vector.broadcast %get3A_880 : f32 to vector<16xf32>
        %mul3A_882 = arith.mulf %mul3A_881, %gather3A_866 : vector<16xf32>
        %add3A_883 = arith.addf %add3A_874, %mul3A_882 : vector<16xf32>
        %get3A_884 = arith.constant 1 : i32
        %get3A_885 = arith.index_cast %get3A_884 : i32 to index
        %get3A_886 = arith.index_cast %scan3A_864 : i32 to index
        %get3A_887 = memref.load %arg11[%get3A_885, %get3A_886] : memref<8x128xf32, #tpu.memory_space<smem>>
        %mul3A_888 = vector.broadcast %get3A_887 : f32 to vector<16xf32>
        %mul3A_889 = arith.mulf %mul3A_888, %mul3A_867 : vector<16xf32>
        %add3A_890 = arith.addf %add3A_766, %mul3A_889 : vector<16xf32>
        %add3A_891 = arith.constant 64 : i32
        %add3A_892 = arith.addi %add3A_891, %scan3A_864 : i32
        %get3A_893 = arith.constant 1 : i32
        %get3A_894 = arith.index_cast %get3A_893 : i32 to index
        %get3A_895 = arith.index_cast %add3A_892 : i32 to index
        %get3A_896 = memref.load %arg11[%get3A_894, %get3A_895] : memref<8x128xf32, #tpu.memory_space<smem>>
        %mul3A_897 = vector.broadcast %get3A_896 : f32 to vector<16xf32>
        %mul3A_898 = arith.mulf %mul3A_897, %gather3A_866 : vector<16xf32>
        %add3A_899 = arith.addf %add3A_890, %mul3A_898 : vector<16xf32>
        %get3A_900 = arith.constant 2 : i32
        %get3A_901 = arith.index_cast %get3A_900 : i32 to index
        %get3A_902 = arith.index_cast %scan3A_864 : i32 to index
        %get3A_903 = memref.load %arg11[%get3A_901, %get3A_902] : memref<8x128xf32, #tpu.memory_space<smem>>
        %mul3A_904 = vector.broadcast %get3A_903 : f32 to vector<16xf32>
        %mul3A_905 = arith.mulf %mul3A_904, %mul3A_867 : vector<16xf32>
        %add3A_906 = arith.addf %add3A_782, %mul3A_905 : vector<16xf32>
        %add3A_907 = arith.constant 64 : i32
        %add3A_908 = arith.addi %add3A_907, %scan3A_864 : i32
        %get3A_909 = arith.constant 2 : i32
        %get3A_910 = arith.index_cast %get3A_909 : i32 to index
        %get3A_911 = arith.index_cast %add3A_908 : i32 to index
        %get3A_912 = memref.load %arg11[%get3A_910, %get3A_911] : memref<8x128xf32, #tpu.memory_space<smem>>
        %mul3A_913 = vector.broadcast %get3A_912 : f32 to vector<16xf32>
        %mul3A_914 = arith.mulf %mul3A_913, %gather3A_866 : vector<16xf32>
        %add3A_915 = arith.addf %add3A_906, %mul3A_914 : vector<16xf32>
        %get3A_916 = arith.constant 3 : i32
        %get3A_917 = arith.index_cast %get3A_916 : i32 to index
        %get3A_918 = arith.index_cast %scan3A_864 : i32 to index
        %get3A_919 = memref.load %arg11[%get3A_917, %get3A_918] : memref<8x128xf32, #tpu.memory_space<smem>>
        %mul3A_920 = vector.broadcast %get3A_919 : f32 to vector<16xf32>
        %mul3A_921 = arith.mulf %mul3A_920, %mul3A_867 : vector<16xf32>
        %add3A_922 = arith.addf %add3A_798, %mul3A_921 : vector<16xf32>
        %add3A_923 = arith.constant 64 : i32
        %add3A_924 = arith.addi %add3A_923, %scan3A_864 : i32
        %get3A_925 = arith.constant 3 : i32
        %get3A_926 = arith.index_cast %get3A_925 : i32 to index
        %get3A_927 = arith.index_cast %add3A_924 : i32 to index
        %get3A_928 = memref.load %arg11[%get3A_926, %get3A_927] : memref<8x128xf32, #tpu.memory_space<smem>>
        %mul3A_929 = vector.broadcast %get3A_928 : f32 to vector<16xf32>
        %mul3A_930 = arith.mulf %mul3A_929, %gather3A_866 : vector<16xf32>
        %add3A_931 = arith.addf %add3A_922, %mul3A_930 : vector<16xf32>
        %get3A_932 = arith.constant 4 : i32
        %get3A_933 = arith.index_cast %get3A_932 : i32 to index
        %get3A_934 = arith.index_cast %scan3A_864 : i32 to index
        %get3A_935 = memref.load %arg11[%get3A_933, %get3A_934] : memref<8x128xf32, #tpu.memory_space<smem>>
        %mul3A_936 = vector.broadcast %get3A_935 : f32 to vector<16xf32>
        %mul3A_937 = arith.mulf %mul3A_936, %mul3A_867 : vector<16xf32>
        %add3A_938 = arith.addf %add3A_814, %mul3A_937 : vector<16xf32>
        %add3A_939 = arith.constant 64 : i32
        %add3A_940 = arith.addi %add3A_939, %scan3A_864 : i32
        %get3A_941 = arith.constant 4 : i32
        %get3A_942 = arith.index_cast %get3A_941 : i32 to index
        %get3A_943 = arith.index_cast %add3A_940 : i32 to index
        %get3A_944 = memref.load %arg11[%get3A_942, %get3A_943] : memref<8x128xf32, #tpu.memory_space<smem>>
        %mul3A_945 = vector.broadcast %get3A_944 : f32 to vector<16xf32>
        %mul3A_946 = arith.mulf %mul3A_945, %gather3A_866 : vector<16xf32>
        %add3A_947 = arith.addf %add3A_938, %mul3A_946 : vector<16xf32>
        %get3A_948 = arith.constant 5 : i32
        %get3A_949 = arith.index_cast %get3A_948 : i32 to index
        %get3A_950 = arith.index_cast %scan3A_864 : i32 to index
        %get3A_951 = memref.load %arg11[%get3A_949, %get3A_950] : memref<8x128xf32, #tpu.memory_space<smem>>
        %mul3A_952 = vector.broadcast %get3A_951 : f32 to vector<16xf32>
        %mul3A_953 = arith.mulf %mul3A_952, %mul3A_867 : vector<16xf32>
        %add3A_954 = arith.addf %add3A_830, %mul3A_953 : vector<16xf32>
        %add3A_955 = arith.constant 64 : i32
        %add3A_956 = arith.addi %add3A_955, %scan3A_864 : i32
        %get3A_957 = arith.constant 5 : i32
        %get3A_958 = arith.index_cast %get3A_957 : i32 to index
        %get3A_959 = arith.index_cast %add3A_956 : i32 to index
        %get3A_960 = memref.load %arg11[%get3A_958, %get3A_959] : memref<8x128xf32, #tpu.memory_space<smem>>
        %mul3A_961 = vector.broadcast %get3A_960 : f32 to vector<16xf32>
        %mul3A_962 = arith.mulf %mul3A_961, %gather3A_866 : vector<16xf32>
        %add3A_963 = arith.addf %add3A_954, %mul3A_962 : vector<16xf32>
        %get3A_964 = arith.constant 6 : i32
        %get3A_965 = arith.index_cast %get3A_964 : i32 to index
        %get3A_966 = arith.index_cast %scan3A_864 : i32 to index
        %get3A_967 = memref.load %arg11[%get3A_965, %get3A_966] : memref<8x128xf32, #tpu.memory_space<smem>>
        %mul3A_968 = vector.broadcast %get3A_967 : f32 to vector<16xf32>
        %mul3A_969 = arith.mulf %mul3A_968, %mul3A_867 : vector<16xf32>
        %add3A_970 = arith.addf %add3A_846, %mul3A_969 : vector<16xf32>
        %add3A_971 = arith.constant 64 : i32
        %add3A_972 = arith.addi %add3A_971, %scan3A_864 : i32
        %get3A_973 = arith.constant 6 : i32
        %get3A_974 = arith.index_cast %get3A_973 : i32 to index
        %get3A_975 = arith.index_cast %add3A_972 : i32 to index
        %get3A_976 = memref.load %arg11[%get3A_974, %get3A_975] : memref<8x128xf32, #tpu.memory_space<smem>>
        %mul3A_977 = vector.broadcast %get3A_976 : f32 to vector<16xf32>
        %mul3A_978 = arith.mulf %mul3A_977, %gather3A_866 : vector<16xf32>
        %add3A_979 = arith.addf %add3A_970, %mul3A_978 : vector<16xf32>
        %get3A_980 = arith.constant 7 : i32
        %get3A_981 = arith.index_cast %get3A_980 : i32 to index
        %get3A_982 = arith.index_cast %scan3A_864 : i32 to index
        %get3A_983 = memref.load %arg11[%get3A_981, %get3A_982] : memref<8x128xf32, #tpu.memory_space<smem>>
        %mul3A_984 = vector.broadcast %get3A_983 : f32 to vector<16xf32>
        %mul3A_985 = arith.mulf %mul3A_984, %mul3A_867 : vector<16xf32>
        %add3A_986 = arith.addf %add3A_862, %mul3A_985 : vector<16xf32>
        %add3A_987 = arith.constant 64 : i32
        %add3A_988 = arith.addi %add3A_987, %scan3A_864 : i32
        %get3A_989 = arith.constant 7 : i32
        %get3A_990 = arith.index_cast %get3A_989 : i32 to index
        %get3A_991 = arith.index_cast %add3A_988 : i32 to index
        %get3A_992 = memref.load %arg11[%get3A_990, %get3A_991] : memref<8x128xf32, #tpu.memory_space<smem>>
        %mul3A_993 = vector.broadcast %get3A_992 : f32 to vector<16xf32>
        %mul3A_994 = arith.mulf %mul3A_993, %gather3A_866 : vector<16xf32>
        %add3A_995 = arith.addf %add3A_986, %mul3A_994 : vector<16xf32>
        %scan3A_996 = arith.constant 6 : i32
        %scan3A_997 = arith.addi %scan3A_192, %scan3A_996 : i32
        %broadcast_in_dim3A_998 = vector.broadcast %scan3A_997 : i32 to vector<16xi32>
        %gather3A_999 = tpu.vector_load_idx %arg7[%add3A_48, %broadcast_in_dim3A_998] : memref<256x64xf32, #tpu.memory_space<vmem>>[vector<16xi32>, vector<16xi32>], vector<16xf32>,
        %mul3A_1000 = arith.mulf %gather3A_999, %gather3A_999 : vector<16xf32>
        %get3A_1001 = arith.constant 0 : i32
        %get3A_1002 = arith.index_cast %get3A_1001 : i32 to index
        %get3A_1003 = arith.index_cast %scan3A_997 : i32 to index
        %get3A_1004 = memref.load %arg11[%get3A_1002, %get3A_1003] : memref<8x128xf32, #tpu.memory_space<smem>>
        %mul3A_1005 = vector.broadcast %get3A_1004 : f32 to vector<16xf32>
        %mul3A_1006 = arith.mulf %mul3A_1005, %mul3A_1000 : vector<16xf32>
        %add3A_1007 = arith.addf %add3A_883, %mul3A_1006 : vector<16xf32>
        %add3A_1008 = arith.constant 64 : i32
        %add3A_1009 = arith.addi %add3A_1008, %scan3A_997 : i32
        %get3A_1010 = arith.constant 0 : i32
        %get3A_1011 = arith.index_cast %get3A_1010 : i32 to index
        %get3A_1012 = arith.index_cast %add3A_1009 : i32 to index
        %get3A_1013 = memref.load %arg11[%get3A_1011, %get3A_1012] : memref<8x128xf32, #tpu.memory_space<smem>>
        %mul3A_1014 = vector.broadcast %get3A_1013 : f32 to vector<16xf32>
        %mul3A_1015 = arith.mulf %mul3A_1014, %gather3A_999 : vector<16xf32>
        %add3A_1016 = arith.addf %add3A_1007, %mul3A_1015 : vector<16xf32>
        %get3A_1017 = arith.constant 1 : i32
        %get3A_1018 = arith.index_cast %get3A_1017 : i32 to index
        %get3A_1019 = arith.index_cast %scan3A_997 : i32 to index
        %get3A_1020 = memref.load %arg11[%get3A_1018, %get3A_1019] : memref<8x128xf32, #tpu.memory_space<smem>>
        %mul3A_1021 = vector.broadcast %get3A_1020 : f32 to vector<16xf32>
        %mul3A_1022 = arith.mulf %mul3A_1021, %mul3A_1000 : vector<16xf32>
        %add3A_1023 = arith.addf %add3A_899, %mul3A_1022 : vector<16xf32>
        %add3A_1024 = arith.constant 64 : i32
        %add3A_1025 = arith.addi %add3A_1024, %scan3A_997 : i32
        %get3A_1026 = arith.constant 1 : i32
        %get3A_1027 = arith.index_cast %get3A_1026 : i32 to index
        %get3A_1028 = arith.index_cast %add3A_1025 : i32 to index
        %get3A_1029 = memref.load %arg11[%get3A_1027, %get3A_1028] : memref<8x128xf32, #tpu.memory_space<smem>>
        %mul3A_1030 = vector.broadcast %get3A_1029 : f32 to vector<16xf32>
        %mul3A_1031 = arith.mulf %mul3A_1030, %gather3A_999 : vector<16xf32>
        %add3A_1032 = arith.addf %add3A_1023, %mul3A_1031 : vector<16xf32>
        %get3A_1033 = arith.constant 2 : i32
        %get3A_1034 = arith.index_cast %get3A_1033 : i32 to index
        %get3A_1035 = arith.index_cast %scan3A_997 : i32 to index
        %get3A_1036 = memref.load %arg11[%get3A_1034, %get3A_1035] : memref<8x128xf32, #tpu.memory_space<smem>>
        %mul3A_1037 = vector.broadcast %get3A_1036 : f32 to vector<16xf32>
        %mul3A_1038 = arith.mulf %mul3A_1037, %mul3A_1000 : vector<16xf32>
        %add3A_1039 = arith.addf %add3A_915, %mul3A_1038 : vector<16xf32>
        %add3A_1040 = arith.constant 64 : i32
        %add3A_1041 = arith.addi %add3A_1040, %scan3A_997 : i32
        %get3A_1042 = arith.constant 2 : i32
        %get3A_1043 = arith.index_cast %get3A_1042 : i32 to index
        %get3A_1044 = arith.index_cast %add3A_1041 : i32 to index
        %get3A_1045 = memref.load %arg11[%get3A_1043, %get3A_1044] : memref<8x128xf32, #tpu.memory_space<smem>>
        %mul3A_1046 = vector.broadcast %get3A_1045 : f32 to vector<16xf32>
        %mul3A_1047 = arith.mulf %mul3A_1046, %gather3A_999 : vector<16xf32>
        %add3A_1048 = arith.addf %add3A_1039, %mul3A_1047 : vector<16xf32>
        %get3A_1049 = arith.constant 3 : i32
        %get3A_1050 = arith.index_cast %get3A_1049 : i32 to index
        %get3A_1051 = arith.index_cast %scan3A_997 : i32 to index
        %get3A_1052 = memref.load %arg11[%get3A_1050, %get3A_1051] : memref<8x128xf32, #tpu.memory_space<smem>>
        %mul3A_1053 = vector.broadcast %get3A_1052 : f32 to vector<16xf32>
        %mul3A_1054 = arith.mulf %mul3A_1053, %mul3A_1000 : vector<16xf32>
        %add3A_1055 = arith.addf %add3A_931, %mul3A_1054 : vector<16xf32>
        %add3A_1056 = arith.constant 64 : i32
        %add3A_1057 = arith.addi %add3A_1056, %scan3A_997 : i32
        %get3A_1058 = arith.constant 3 : i32
        %get3A_1059 = arith.index_cast %get3A_1058 : i32 to index
        %get3A_1060 = arith.index_cast %add3A_1057 : i32 to index
        %get3A_1061 = memref.load %arg11[%get3A_1059, %get3A_1060] : memref<8x128xf32, #tpu.memory_space<smem>>
        %mul3A_1062 = vector.broadcast %get3A_1061 : f32 to vector<16xf32>
        %mul3A_1063 = arith.mulf %mul3A_1062, %gather3A_999 : vector<16xf32>
        %add3A_1064 = arith.addf %add3A_1055, %mul3A_1063 : vector<16xf32>
        %get3A_1065 = arith.constant 4 : i32
        %get3A_1066 = arith.index_cast %get3A_1065 : i32 to index
        %get3A_1067 = arith.index_cast %scan3A_997 : i32 to index
        %get3A_1068 = memref.load %arg11[%get3A_1066, %get3A_1067] : memref<8x128xf32, #tpu.memory_space<smem>>
        %mul3A_1069 = vector.broadcast %get3A_1068 : f32 to vector<16xf32>
        %mul3A_1070 = arith.mulf %mul3A_1069, %mul3A_1000 : vector<16xf32>
        %add3A_1071 = arith.addf %add3A_947, %mul3A_1070 : vector<16xf32>
        %add3A_1072 = arith.constant 64 : i32
        %add3A_1073 = arith.addi %add3A_1072, %scan3A_997 : i32
        %get3A_1074 = arith.constant 4 : i32
        %get3A_1075 = arith.index_cast %get3A_1074 : i32 to index
        %get3A_1076 = arith.index_cast %add3A_1073 : i32 to index
        %get3A_1077 = memref.load %arg11[%get3A_1075, %get3A_1076] : memref<8x128xf32, #tpu.memory_space<smem>>
        %mul3A_1078 = vector.broadcast %get3A_1077 : f32 to vector<16xf32>
        %mul3A_1079 = arith.mulf %mul3A_1078, %gather3A_999 : vector<16xf32>
        %add3A_1080 = arith.addf %add3A_1071, %mul3A_1079 : vector<16xf32>
        %get3A_1081 = arith.constant 5 : i32
        %get3A_1082 = arith.index_cast %get3A_1081 : i32 to index
        %get3A_1083 = arith.index_cast %scan3A_997 : i32 to index
        %get3A_1084 = memref.load %arg11[%get3A_1082, %get3A_1083] : memref<8x128xf32, #tpu.memory_space<smem>>
        %mul3A_1085 = vector.broadcast %get3A_1084 : f32 to vector<16xf32>
        %mul3A_1086 = arith.mulf %mul3A_1085, %mul3A_1000 : vector<16xf32>
        %add3A_1087 = arith.addf %add3A_963, %mul3A_1086 : vector<16xf32>
        %add3A_1088 = arith.constant 64 : i32
        %add3A_1089 = arith.addi %add3A_1088, %scan3A_997 : i32
        %get3A_1090 = arith.constant 5 : i32
        %get3A_1091 = arith.index_cast %get3A_1090 : i32 to index
        %get3A_1092 = arith.index_cast %add3A_1089 : i32 to index
        %get3A_1093 = memref.load %arg11[%get3A_1091, %get3A_1092] : memref<8x128xf32, #tpu.memory_space<smem>>
        %mul3A_1094 = vector.broadcast %get3A_1093 : f32 to vector<16xf32>
        %mul3A_1095 = arith.mulf %mul3A_1094, %gather3A_999 : vector<16xf32>
        %add3A_1096 = arith.addf %add3A_1087, %mul3A_1095 : vector<16xf32>
        %get3A_1097 = arith.constant 6 : i32
        %get3A_1098 = arith.index_cast %get3A_1097 : i32 to index
        %get3A_1099 = arith.index_cast %scan3A_997 : i32 to index
        %get3A_1100 = memref.load %arg11[%get3A_1098, %get3A_1099] : memref<8x128xf32, #tpu.memory_space<smem>>
        %mul3A_1101 = vector.broadcast %get3A_1100 : f32 to vector<16xf32>
        %mul3A_1102 = arith.mulf %mul3A_1101, %mul3A_1000 : vector<16xf32>
        %add3A_1103 = arith.addf %add3A_979, %mul3A_1102 : vector<16xf32>
        %add3A_1104 = arith.constant 64 : i32
        %add3A_1105 = arith.addi %add3A_1104, %scan3A_997 : i32
        %get3A_1106 = arith.constant 6 : i32
        %get3A_1107 = arith.index_cast %get3A_1106 : i32 to index
        %get3A_1108 = arith.index_cast %add3A_1105 : i32 to index
        %get3A_1109 = memref.load %arg11[%get3A_1107, %get3A_1108] : memref<8x128xf32, #tpu.memory_space<smem>>
        %mul3A_1110 = vector.broadcast %get3A_1109 : f32 to vector<16xf32>
        %mul3A_1111 = arith.mulf %mul3A_1110, %gather3A_999 : vector<16xf32>
        %add3A_1112 = arith.addf %add3A_1103, %mul3A_1111 : vector<16xf32>
        %get3A_1113 = arith.constant 7 : i32
        %get3A_1114 = arith.index_cast %get3A_1113 : i32 to index
        %get3A_1115 = arith.index_cast %scan3A_997 : i32 to index
        %get3A_1116 = memref.load %arg11[%get3A_1114, %get3A_1115] : memref<8x128xf32, #tpu.memory_space<smem>>
        %mul3A_1117 = vector.broadcast %get3A_1116 : f32 to vector<16xf32>
        %mul3A_1118 = arith.mulf %mul3A_1117, %mul3A_1000 : vector<16xf32>
        %add3A_1119 = arith.addf %add3A_995, %mul3A_1118 : vector<16xf32>
        %add3A_1120 = arith.constant 64 : i32
        %add3A_1121 = arith.addi %add3A_1120, %scan3A_997 : i32
        %get3A_1122 = arith.constant 7 : i32
        %get3A_1123 = arith.index_cast %get3A_1122 : i32 to index
        %get3A_1124 = arith.index_cast %add3A_1121 : i32 to index
        %get3A_1125 = memref.load %arg11[%get3A_1123, %get3A_1124] : memref<8x128xf32, #tpu.memory_space<smem>>
        %mul3A_1126 = vector.broadcast %get3A_1125 : f32 to vector<16xf32>
        %mul3A_1127 = arith.mulf %mul3A_1126, %gather3A_999 : vector<16xf32>
        %add3A_1128 = arith.addf %add3A_1119, %mul3A_1127 : vector<16xf32>
        %scan3A_1129 = arith.constant 7 : i32
        %scan3A_1130 = arith.addi %scan3A_192, %scan3A_1129 : i32
        %broadcast_in_dim3A_1131 = vector.broadcast %scan3A_1130 : i32 to vector<16xi32>
        %gather3A_1132 = tpu.vector_load_idx %arg7[%add3A_48, %broadcast_in_dim3A_1131] : memref<256x64xf32, #tpu.memory_space<vmem>>[vector<16xi32>, vector<16xi32>], vector<16xf32>,
        %mul3A_1133 = arith.mulf %gather3A_1132, %gather3A_1132 : vector<16xf32>
        %get3A_1134 = arith.constant 0 : i32
        %get3A_1135 = arith.index_cast %get3A_1134 : i32 to index
        %get3A_1136 = arith.index_cast %scan3A_1130 : i32 to index
        %get3A_1137 = memref.load %arg11[%get3A_1135, %get3A_1136] : memref<8x128xf32, #tpu.memory_space<smem>>
        %mul3A_1138 = vector.broadcast %get3A_1137 : f32 to vector<16xf32>
        %mul3A_1139 = arith.mulf %mul3A_1138, %mul3A_1133 : vector<16xf32>
        %add3A_1140 = arith.addf %add3A_1016, %mul3A_1139 : vector<16xf32>
        %add3A_1141 = arith.constant 64 : i32
        %add3A_1142 = arith.addi %add3A_1141, %scan3A_1130 : i32
        %get3A_1143 = arith.constant 0 : i32
        %get3A_1144 = arith.index_cast %get3A_1143 : i32 to index
        %get3A_1145 = arith.index_cast %add3A_1142 : i32 to index
        %get3A_1146 = memref.load %arg11[%get3A_1144, %get3A_1145] : memref<8x128xf32, #tpu.memory_space<smem>>
        %mul3A_1147 = vector.broadcast %get3A_1146 : f32 to vector<16xf32>
        %mul3A_1148 = arith.mulf %mul3A_1147, %gather3A_1132 : vector<16xf32>
        %add3A_1149 = arith.addf %add3A_1140, %mul3A_1148 : vector<16xf32>
        %get3A_1150 = arith.constant 1 : i32
        %get3A_1151 = arith.index_cast %get3A_1150 : i32 to index
        %get3A_1152 = arith.index_cast %scan3A_1130 : i32 to index
        %get3A_1153 = memref.load %arg11[%get3A_1151, %get3A_1152] : memref<8x128xf32, #tpu.memory_space<smem>>
        %mul3A_1154 = vector.broadcast %get3A_1153 : f32 to vector<16xf32>
        %mul3A_1155 = arith.mulf %mul3A_1154, %mul3A_1133 : vector<16xf32>
        %add3A_1156 = arith.addf %add3A_1032, %mul3A_1155 : vector<16xf32>
        %add3A_1157 = arith.constant 64 : i32
        %add3A_1158 = arith.addi %add3A_1157, %scan3A_1130 : i32
        %get3A_1159 = arith.constant 1 : i32
        %get3A_1160 = arith.index_cast %get3A_1159 : i32 to index
        %get3A_1161 = arith.index_cast %add3A_1158 : i32 to index
        %get3A_1162 = memref.load %arg11[%get3A_1160, %get3A_1161] : memref<8x128xf32, #tpu.memory_space<smem>>
        %mul3A_1163 = vector.broadcast %get3A_1162 : f32 to vector<16xf32>
        %mul3A_1164 = arith.mulf %mul3A_1163, %gather3A_1132 : vector<16xf32>
        %add3A_1165 = arith.addf %add3A_1156, %mul3A_1164 : vector<16xf32>
        %get3A_1166 = arith.constant 2 : i32
        %get3A_1167 = arith.index_cast %get3A_1166 : i32 to index
        %get3A_1168 = arith.index_cast %scan3A_1130 : i32 to index
        %get3A_1169 = memref.load %arg11[%get3A_1167, %get3A_1168] : memref<8x128xf32, #tpu.memory_space<smem>>
        %mul3A_1170 = vector.broadcast %get3A_1169 : f32 to vector<16xf32>
        %mul3A_1171 = arith.mulf %mul3A_1170, %mul3A_1133 : vector<16xf32>
        %add3A_1172 = arith.addf %add3A_1048, %mul3A_1171 : vector<16xf32>
        %add3A_1173 = arith.constant 64 : i32
        %add3A_1174 = arith.addi %add3A_1173, %scan3A_1130 : i32
        %get3A_1175 = arith.constant 2 : i32
        %get3A_1176 = arith.index_cast %get3A_1175 : i32 to index
        %get3A_1177 = arith.index_cast %add3A_1174 : i32 to index
        %get3A_1178 = memref.load %arg11[%get3A_1176, %get3A_1177] : memref<8x128xf32, #tpu.memory_space<smem>>
        %mul3A_1179 = vector.broadcast %get3A_1178 : f32 to vector<16xf32>
        %mul3A_1180 = arith.mulf %mul3A_1179, %gather3A_1132 : vector<16xf32>
        %add3A_1181 = arith.addf %add3A_1172, %mul3A_1180 : vector<16xf32>
        %get3A_1182 = arith.constant 3 : i32
        %get3A_1183 = arith.index_cast %get3A_1182 : i32 to index
        %get3A_1184 = arith.index_cast %scan3A_1130 : i32 to index
        %get3A_1185 = memref.load %arg11[%get3A_1183, %get3A_1184] : memref<8x128xf32, #tpu.memory_space<smem>>
        %mul3A_1186 = vector.broadcast %get3A_1185 : f32 to vector<16xf32>
        %mul3A_1187 = arith.mulf %mul3A_1186, %mul3A_1133 : vector<16xf32>
        %add3A_1188 = arith.addf %add3A_1064, %mul3A_1187 : vector<16xf32>
        %add3A_1189 = arith.constant 64 : i32
        %add3A_1190 = arith.addi %add3A_1189, %scan3A_1130 : i32
        %get3A_1191 = arith.constant 3 : i32
        %get3A_1192 = arith.index_cast %get3A_1191 : i32 to index
        %get3A_1193 = arith.index_cast %add3A_1190 : i32 to index
        %get3A_1194 = memref.load %arg11[%get3A_1192, %get3A_1193] : memref<8x128xf32, #tpu.memory_space<smem>>
        %mul3A_1195 = vector.broadcast %get3A_1194 : f32 to vector<16xf32>
        %mul3A_1196 = arith.mulf %mul3A_1195, %gather3A_1132 : vector<16xf32>
        %add3A_1197 = arith.addf %add3A_1188, %mul3A_1196 : vector<16xf32>
        %get3A_1198 = arith.constant 4 : i32
        %get3A_1199 = arith.index_cast %get3A_1198 : i32 to index
        %get3A_1200 = arith.index_cast %scan3A_1130 : i32 to index
        %get3A_1201 = memref.load %arg11[%get3A_1199, %get3A_1200] : memref<8x128xf32, #tpu.memory_space<smem>>
        %mul3A_1202 = vector.broadcast %get3A_1201 : f32 to vector<16xf32>
        %mul3A_1203 = arith.mulf %mul3A_1202, %mul3A_1133 : vector<16xf32>
        %add3A_1204 = arith.addf %add3A_1080, %mul3A_1203 : vector<16xf32>
        %add3A_1205 = arith.constant 64 : i32
        %add3A_1206 = arith.addi %add3A_1205, %scan3A_1130 : i32
        %get3A_1207 = arith.constant 4 : i32
        %get3A_1208 = arith.index_cast %get3A_1207 : i32 to index
        %get3A_1209 = arith.index_cast %add3A_1206 : i32 to index
        %get3A_1210 = memref.load %arg11[%get3A_1208, %get3A_1209] : memref<8x128xf32, #tpu.memory_space<smem>>
        %mul3A_1211 = vector.broadcast %get3A_1210 : f32 to vector<16xf32>
        %mul3A_1212 = arith.mulf %mul3A_1211, %gather3A_1132 : vector<16xf32>
        %add3A_1213 = arith.addf %add3A_1204, %mul3A_1212 : vector<16xf32>
        %get3A_1214 = arith.constant 5 : i32
        %get3A_1215 = arith.index_cast %get3A_1214 : i32 to index
        %get3A_1216 = arith.index_cast %scan3A_1130 : i32 to index
        %get3A_1217 = memref.load %arg11[%get3A_1215, %get3A_1216] : memref<8x128xf32, #tpu.memory_space<smem>>
        %mul3A_1218 = vector.broadcast %get3A_1217 : f32 to vector<16xf32>
        %mul3A_1219 = arith.mulf %mul3A_1218, %mul3A_1133 : vector<16xf32>
        %add3A_1220 = arith.addf %add3A_1096, %mul3A_1219 : vector<16xf32>
        %add3A_1221 = arith.constant 64 : i32
        %add3A_1222 = arith.addi %add3A_1221, %scan3A_1130 : i32
        %get3A_1223 = arith.constant 5 : i32
        %get3A_1224 = arith.index_cast %get3A_1223 : i32 to index
        %get3A_1225 = arith.index_cast %add3A_1222 : i32 to index
        %get3A_1226 = memref.load %arg11[%get3A_1224, %get3A_1225] : memref<8x128xf32, #tpu.memory_space<smem>>
        %mul3A_1227 = vector.broadcast %get3A_1226 : f32 to vector<16xf32>
        %mul3A_1228 = arith.mulf %mul3A_1227, %gather3A_1132 : vector<16xf32>
        %add3A_1229 = arith.addf %add3A_1220, %mul3A_1228 : vector<16xf32>
        %get3A_1230 = arith.constant 6 : i32
        %get3A_1231 = arith.index_cast %get3A_1230 : i32 to index
        %get3A_1232 = arith.index_cast %scan3A_1130 : i32 to index
        %get3A_1233 = memref.load %arg11[%get3A_1231, %get3A_1232] : memref<8x128xf32, #tpu.memory_space<smem>>
        %mul3A_1234 = vector.broadcast %get3A_1233 : f32 to vector<16xf32>
        %mul3A_1235 = arith.mulf %mul3A_1234, %mul3A_1133 : vector<16xf32>
        %add3A_1236 = arith.addf %add3A_1112, %mul3A_1235 : vector<16xf32>
        %add3A_1237 = arith.constant 64 : i32
        %add3A_1238 = arith.addi %add3A_1237, %scan3A_1130 : i32
        %get3A_1239 = arith.constant 6 : i32
        %get3A_1240 = arith.index_cast %get3A_1239 : i32 to index
        %get3A_1241 = arith.index_cast %add3A_1238 : i32 to index
        %get3A_1242 = memref.load %arg11[%get3A_1240, %get3A_1241] : memref<8x128xf32, #tpu.memory_space<smem>>
        %mul3A_1243 = vector.broadcast %get3A_1242 : f32 to vector<16xf32>
        %mul3A_1244 = arith.mulf %mul3A_1243, %gather3A_1132 : vector<16xf32>
        %add3A_1245 = arith.addf %add3A_1236, %mul3A_1244 : vector<16xf32>
        %get3A_1246 = arith.constant 7 : i32
        %get3A_1247 = arith.index_cast %get3A_1246 : i32 to index
        %get3A_1248 = arith.index_cast %scan3A_1130 : i32 to index
        %get3A_1249 = memref.load %arg11[%get3A_1247, %get3A_1248] : memref<8x128xf32, #tpu.memory_space<smem>>
        %mul3A_1250 = vector.broadcast %get3A_1249 : f32 to vector<16xf32>
        %mul3A_1251 = arith.mulf %mul3A_1250, %mul3A_1133 : vector<16xf32>
        %add3A_1252 = arith.addf %add3A_1128, %mul3A_1251 : vector<16xf32>
        %add3A_1253 = arith.constant 64 : i32
        %add3A_1254 = arith.addi %add3A_1253, %scan3A_1130 : i32
        %get3A_1255 = arith.constant 7 : i32
        %get3A_1256 = arith.index_cast %get3A_1255 : i32 to index
        %get3A_1257 = arith.index_cast %add3A_1254 : i32 to index
        %get3A_1258 = memref.load %arg11[%get3A_1256, %get3A_1257] : memref<8x128xf32, #tpu.memory_space<smem>>
        %mul3A_1259 = vector.broadcast %get3A_1258 : f32 to vector<16xf32>
        %mul3A_1260 = arith.mulf %mul3A_1259, %gather3A_1132 : vector<16xf32>
        %add3A_1261 = arith.addf %add3A_1252, %mul3A_1260 : vector<16xf32>
        scf.yield %add3A_1149, %add3A_1165, %add3A_1181, %add3A_1197, %add3A_1213, %add3A_1229, %add3A_1245, %add3A_1261 : vector<16xf32>, vector<16xf32>, vector<16xf32>, vector<16xf32>, vector<16xf32>, vector<16xf32>, vector<16xf32>, vector<16xf32>
      }
      %scan3A_100 = arith.constant 64 : i32
      %max3A = arith.maximumf %scan3A_99#0, %scan3A_99#1 : vector<16xf32>
      %max3A_101 = arith.maximumf %scan3A_99#2, %scan3A_99#3 : vector<16xf32>
      %max3A_102 = arith.maximumf %scan3A_99#4, %scan3A_99#5 : vector<16xf32>
      %max3A_103 = arith.maximumf %scan3A_99#6, %scan3A_99#7 : vector<16xf32>
      %max3A_104 = arith.maximumf %max3A, %max3A_101 : vector<16xf32>
      %max3A_105 = arith.maximumf %max3A_102, %max3A_103 : vector<16xf32>
      %max3A_106 = arith.maximumf %max3A_104, %max3A_105 : vector<16xf32>
      %broadcast_in_dim3A_107 = arith.constant 0.000000e+00 : f32
      %broadcast_in_dim3A_108 = vector.broadcast %broadcast_in_dim3A_107 : f32 to vector<16xf32>
      %sub3A = arith.subf %scan3A_99#0, %max3A_106 : vector<16xf32>
      %exp3A = math.exp %sub3A : vector<16xf32>
      %add3A_109 = arith.addf %broadcast_in_dim3A_108, %exp3A : vector<16xf32>
      %sub3A_110 = arith.subf %scan3A_99#1, %max3A_106 : vector<16xf32>
      %exp3A_111 = math.exp %sub3A_110 : vector<16xf32>
      %add3A_112 = arith.addf %add3A_109, %exp3A_111 : vector<16xf32>
      %sub3A_113 = arith.subf %scan3A_99#2, %max3A_106 : vector<16xf32>
      %exp3A_114 = math.exp %sub3A_113 : vector<16xf32>
      %add3A_115 = arith.addf %add3A_112, %exp3A_114 : vector<16xf32>
      %sub3A_116 = arith.subf %scan3A_99#3, %max3A_106 : vector<16xf32>
      %exp3A_117 = math.exp %sub3A_116 : vector<16xf32>
      %add3A_118 = arith.addf %add3A_115, %exp3A_117 : vector<16xf32>
      %sub3A_119 = arith.subf %scan3A_99#4, %max3A_106 : vector<16xf32>
      %exp3A_120 = math.exp %sub3A_119 : vector<16xf32>
      %add3A_121 = arith.addf %add3A_118, %exp3A_120 : vector<16xf32>
      %sub3A_122 = arith.subf %scan3A_99#5, %max3A_106 : vector<16xf32>
      %exp3A_123 = math.exp %sub3A_122 : vector<16xf32>
      %add3A_124 = arith.addf %add3A_121, %exp3A_123 : vector<16xf32>
      %sub3A_125 = arith.subf %scan3A_99#6, %max3A_106 : vector<16xf32>
      %exp3A_126 = math.exp %sub3A_125 : vector<16xf32>
      %add3A_127 = arith.addf %add3A_124, %exp3A_126 : vector<16xf32>
      %sub3A_128 = arith.subf %scan3A_99#7, %max3A_106 : vector<16xf32>
      %exp3A_129 = math.exp %sub3A_128 : vector<16xf32>
      %add3A_130 = arith.addf %add3A_127, %exp3A_129 : vector<16xf32>
      %bitcast_convert_type3A = tpu.bitcast %add3A_130 : vector<16xf32> -> vector<16xi32>
      %shift_right_logical3A = arith.constant 23 : i32
      %shift_right_logical3A_131 = vector.broadcast %shift_right_logical3A : i32 to vector<16xi32>
      %shift_right_logical3A_132 = arith.shrui %bitcast_convert_type3A, %shift_right_logical3A_131 : vector<16xi32>
      %sub3A_133 = arith.constant 127 : i32
      %sub3A_134 = vector.broadcast %sub3A_133 : i32 to vector<16xi32>
      %sub3A_135 = arith.subi %shift_right_logical3A_132, %sub3A_134 : vector<16xi32>
      %and3A = arith.constant 8388607 : i32
      %and3A_136 = vector.broadcast %and3A : i32 to vector<16xi32>
      %and3A_137 = arith.andi %bitcast_convert_type3A, %and3A_136 : vector<16xi32>
      %or3A = arith.constant 1065353216 : i32
      %or3A_138 = vector.broadcast %or3A : i32 to vector<16xi32>
      %or3A_139 = arith.ori %and3A_137, %or3A_138 : vector<16xi32>
      %bitcast_convert_type3A_140 = tpu.bitcast %or3A_139 : vector<16xi32> -> vector<16xf32>
      %gt3A = arith.constant 1.41421354 : f32
      %gt3A_141 = vector.broadcast %gt3A : f32 to vector<16xf32>
      %gt3A_142 = arith.cmpf ogt, %bitcast_convert_type3A_140, %gt3A_141 : vector<16xf32>
      %mul3A_143 = arith.constant 5.000000e-01 : f32
      %mul3A_144 = vector.broadcast %mul3A_143 : f32 to vector<16xf32>
      %mul3A_145 = arith.mulf %bitcast_convert_type3A_140, %mul3A_144 : vector<16xf32>
      %select_n3A = arith.select %gt3A_142, %mul3A_145, %bitcast_convert_type3A_140 : vector<16xi1>, vector<16xf32>
      %add3A_146 = arith.constant 1 : i32
      %add3A_147 = vector.broadcast %add3A_146 : i32 to vector<16xi32>
      %add3A_148 = arith.addi %sub3A_135, %add3A_147 : vector<16xi32>
      %select_n3A_149 = arith.select %gt3A_142, %add3A_148, %sub3A_135 : vector<16xi1>, vector<16xi32>
      %sub3A_150 = arith.constant 1.000000e+00 : f32
      %sub3A_151 = vector.broadcast %sub3A_150 : f32 to vector<16xf32>
      %sub3A_152 = arith.subf %select_n3A, %sub3A_151 : vector<16xf32>
      %broadcast_in_dim3A_153 = arith.constant 0.114484355 : f32
      %broadcast_in_dim3A_154 = vector.broadcast %broadcast_in_dim3A_153 : f32 to vector<16xf32>
      %mul3A_155 = arith.mulf %broadcast_in_dim3A_154, %sub3A_152 : vector<16xf32>
      %add3A_156 = arith.constant -0.186276972 : f32
      %add3A_157 = vector.broadcast %add3A_156 : f32 to vector<16xf32>
      %add3A_158 = arith.addf %mul3A_155, %add3A_157 : vector<16xf32>
      %mul3A_159 = arith.mulf %add3A_158, %sub3A_152 : vector<16xf32>
      %add3A_160 = arith.constant 0.206117854 : f32
      %add3A_161 = vector.broadcast %add3A_160 : f32 to vector<16xf32>
      %add3A_162 = arith.addf %mul3A_159, %add3A_161 : vector<16xf32>
      %mul3A_163 = arith.mulf %add3A_162, %sub3A_152 : vector<16xf32>
      %add3A_164 = arith.constant -0.249112099 : f32
      %add3A_165 = vector.broadcast %add3A_164 : f32 to vector<16xf32>
      %add3A_166 = arith.addf %mul3A_163, %add3A_165 : vector<16xf32>
      %mul3A_167 = arith.mulf %add3A_166, %sub3A_152 : vector<16xf32>
      %add3A_168 = arith.constant 0.333048135 : f32
      %add3A_169 = vector.broadcast %add3A_168 : f32 to vector<16xf32>
      %add3A_170 = arith.addf %mul3A_167, %add3A_169 : vector<16xf32>
      %mul3A_171 = arith.mulf %add3A_170, %sub3A_152 : vector<16xf32>
      %add3A_172 = arith.constant -0.500012934 : f32
      %add3A_173 = vector.broadcast %add3A_172 : f32 to vector<16xf32>
      %add3A_174 = arith.addf %mul3A_171, %add3A_173 : vector<16xf32>
      %mul3A_175 = arith.mulf %add3A_174, %sub3A_152 : vector<16xf32>
      %add3A_176 = arith.constant 1.0000031 : f32
      %add3A_177 = vector.broadcast %add3A_176 : f32 to vector<16xf32>
      %add3A_178 = arith.addf %mul3A_175, %add3A_177 : vector<16xf32>
      %mul3A_179 = arith.mulf %add3A_178, %sub3A_152 : vector<16xf32>
      %add3A_180 = arith.constant 3.34232695E-8 : f32
      %add3A_181 = vector.broadcast %add3A_180 : f32 to vector<16xf32>
      %add3A_182 = arith.addf %mul3A_179, %add3A_181 : vector<16xf32>
      %convert_element_type3A_183 = arith.sitofp %select_n3A_149 : vector<16xi32> to vector<16xf32>
      %mul3A_184 = arith.constant 0.693147182 : f32
      %mul3A_185 = vector.broadcast %mul3A_184 : f32 to vector<16xf32>
      %mul3A_186 = arith.mulf %convert_element_type3A_183, %mul3A_185 : vector<16xf32>
      %add3A_187 = arith.addf %mul3A_186, %add3A_182 : vector<16xf32>
      %add3A_188 = arith.addf %max3A_106, %add3A_187 : vector<16xf32>
      %mul3A_189 = arith.constant 16 : i32
      %mul3A_190 = arith.muli %scan3A_44, %mul3A_189 : i32
      %swap3A = arith.index_cast %mul3A_190 : i32 to index
      %swap3A_191 = tpu.vector_load %arg8[%swap3A] {strides = array<i32>} : memref<256xf32, #tpu.memory_space<vmem>>, vector<16xf32>,
      tpu.vector_store %arg8[%swap3A], %add3A_188 {strides = array<i32>} : memref<256xf32, #tpu.memory_space<vmem>>, vector<16xf32>,
    }
    %scan3A_39 = arith.constant 16 : i32
    %mul3A_40 = arith.constant 512 : i32
    %mul3A_41 = arith.muli %add3A, %mul3A_40 : i32
    %add3A_42 = arith.constant 256 : i32
    %add3A_43 = arith.addi %mul3A_41, %add3A_42 : i32
    "tpu.region"() ({
      %run_scoped3A = tpu.sem_alloc : memref<!tpu.dma_semaphore, #tpu.memory_space<semaphore_mem>>
      %dma_start3A_44 = tpu.memref_slice %arg5[%add3A_43] : memref<16384xf32, #tpu.memory_space<hbm>> -> memref<256xf32, #tpu.memory_space<hbm>>
      %dma_start3A_45 = tpu.memref_slice %arg5[%add3A_43] : memref<16384xf32, #tpu.memory_space<hbm>> -> memref<256xf32, #tpu.memory_space<hbm>>
      tpu.enqueue_dma source(%arg8 : memref<256xf32, #tpu.memory_space<vmem>>) target(%dma_start3A_45 : memref<256xf32, #tpu.memory_space<hbm>>) target_semaphore(%run_scoped3A : memref<!tpu.dma_semaphore, #tpu.memory_space<semaphore_mem>>)
      %dma_wait3A_46 = tpu.memref_slice %arg5[%add3A_43] : memref<16384xf32, #tpu.memory_space<hbm>> -> memref<256xf32, #tpu.memory_space<hbm>>
      %dma_wait3A_47 = tpu.memref_slice %arg5[%add3A_43] : memref<16384xf32, #tpu.memory_space<hbm>> -> memref<256xf32, #tpu.memory_space<hbm>>
      tpu.wait_dma2 semaphore(%run_scoped3A : memref<!tpu.dma_semaphore, #tpu.memory_space<semaphore_mem>>) src(%arg8 : memref<256xf32, #tpu.memory_space<vmem>>) dst(%dma_wait3A_47 : memref<256xf32, #tpu.memory_space<hbm>>)
      tpu.yield
    }) : () -> ()
    return
  }
}

module attributes {stable_mosaic.version = 14 : i64} {
  func.func @_prep_body(%arg0: memref<8x64xf32, #tpu.memory_space<vmem>>, %arg1: memref<8x64xf32, #tpu.memory_space<vmem>>, %arg2: memref<1x8xf32, #tpu.memory_space<vmem>>, %arg3: memref<8x128xf32, #tpu.memory_space<vmem>>, %arg4: memref<1x16xf32, #tpu.memory_space<vmem>>) attributes {dimension_semantics = [], scalar_prefetch = 0 : i64, scratch_operands = 0 : i64, tpu.core_type = #tpu.core_type<tc>} {
    %get3A = arith.constant 0 : index
    %get3A_0 = arith.constant 0 : index
    %get3A_1 = vector.load %arg0[%get3A, %get3A_0] : memref<8x64xf32, #tpu.memory_space<vmem>>, vector<8x64xf32>
    %get3A_2 = arith.constant 0 : index
    %get3A_3 = arith.constant 0 : index
    %get3A_4 = vector.load %arg1[%get3A_2, %get3A_3] : memref<8x64xf32, #tpu.memory_space<vmem>>, vector<8x64xf32>
    %get3A_5 = arith.constant 0 : index
    %get3A_6 = arith.constant 0 : index
    %get3A_7 = vector.load %arg2[%get3A_5, %get3A_6] : memref<1x8xf32, #tpu.memory_space<vmem>>, vector<1x8xf32>
    %exp3A = math.exp %get3A_4 : vector<8x64xf32>
    %add3A = arith.constant 1.000000e-10 : f32
    %add3A_8 = vector.broadcast %add3A : f32 to vector<8x64xf32>
    %add3A_9 = arith.addf %exp3A, %add3A_8 : vector<8x64xf32>
    %mul3A = arith.mulf %add3A_9, %add3A_9 : vector<8x64xf32>
    %div3A = arith.constant 1.000000e+00 : f32
    %div3A_10 = vector.broadcast %div3A : f32 to vector<8x64xf32>
    %div3A_11 = arith.divf %div3A_10, %mul3A : vector<8x64xf32>
    %mul3A_12 = arith.constant -5.000000e-01 : f32
    %mul3A_13 = vector.broadcast %mul3A_12 : f32 to vector<8x64xf32>
    %mul3A_14 = arith.mulf %mul3A_13, %div3A_11 : vector<8x64xf32>
    %mul3A_15 = arith.mulf %get3A_1, %div3A_11 : vector<8x64xf32>
    %concatenate3A = tpu.concatenate %mul3A_14, %mul3A_15 in 1 : vector<8x64xf32>, vector<8x64xf32> -> vector<8x128xf32>
    %swap3A = arith.constant 0 : index
    %swap3A_16 = arith.constant 0 : index
    %swap3A_17 = vector.load %arg3[%swap3A, %swap3A_16] : memref<8x128xf32, #tpu.memory_space<vmem>>, vector<8x128xf32>
    tpu.vector_store %arg3[%swap3A, %swap3A_16], %concatenate3A {strides = array<i32>} : memref<8x128xf32, #tpu.memory_space<vmem>>, vector<8x128xf32>,
    %squeeze3A = vector.shape_cast %get3A_7 : vector<1x8xf32> to vector<8xf32>
    %squeeze3A_18 = vector.shape_cast %get3A_7 : vector<1x8xf32> to vector<8xf32>
    %reduce_max3A = vector.shape_cast %squeeze3A_18 : vector<8xf32> to vector<1x8xf32>
    %reduce_max3A_19 = arith.constant dense<0xFF800000> : vector<1xf32>
    %reduce_max3A_20 = vector.multi_reduction <maximumf>, %reduce_max3A, %reduce_max3A_19 [1] : vector<1x8xf32> to vector<1xf32>
    %reduce_max3A_21 = vector.shape_cast %reduce_max3A_20 : vector<1xf32> to vector<1x1xf32>
    %reduce_max3A_22 = vector.extract %reduce_max3A_21[0, 0] : f32 from vector<1x1xf32>
    %max3A = arith.constant 0xFF800000 : f32
    %max3A_23 = arith.maximumf %max3A, %reduce_max3A_22 : f32
    %is_finite3A = tpu.weird %max3A_23 : f32 -> i1
    %is_finite3A_24 = arith.constant true
    %is_finite3A_25 = arith.xori %is_finite3A, %is_finite3A_24 : i1
    %select_n3A = arith.constant 0.000000e+00 : f32
    %select_n3A_26 = arith.select %is_finite3A_25, %max3A_23, %select_n3A : f32
    %broadcast_in_dim3A = vector.broadcast %select_n3A_26 : f32 to vector<1xf32>
    %sub3A = vector.broadcast %broadcast_in_dim3A : vector<1xf32> to vector<8xf32>
    %sub3A_27 = arith.subf %squeeze3A_18, %sub3A : vector<8xf32>
    %exp3A_28 = math.exp %sub3A_27 : vector<8xf32>
    %reduce_sum3A = vector.shape_cast %exp3A_28 : vector<8xf32> to vector<1x8xf32>
    %reduce_sum3A_29 = arith.constant dense<0.000000e+00> : vector<1xf32>
    %reduce_sum3A_30 = vector.multi_reduction <add>, %reduce_sum3A, %reduce_sum3A_29 [1] : vector<1x8xf32> to vector<1xf32>
    %reduce_sum3A_31 = vector.shape_cast %reduce_sum3A_30 : vector<1xf32> to vector<1x1xf32>
    %reduce_sum3A_32 = vector.extract %reduce_sum3A_31[0, 0] : f32 from vector<1x1xf32>
    %abs3A = math.absf %reduce_sum3A_32 : f32
    %log3A = math.log %abs3A : f32
    %add3A_33 = arith.addf %log3A, %select_n3A_26 : f32
    %sub3A_34 = vector.broadcast %add3A_33 : f32 to vector<8xf32>
    %sub3A_35 = arith.subf %squeeze3A, %sub3A_34 : vector<8xf32>
    %log3A_36 = math.log %add3A_9 : vector<8x64xf32>
    %reduce_sum3A_37 = arith.constant dense<0.000000e+00> : vector<8xf32>
    %reduce_sum3A_38 = vector.multi_reduction <add>, %log3A_36, %reduce_sum3A_37 [1] : vector<8x64xf32> to vector<8xf32>
    %sub3A_39 = arith.subf %sub3A_35, %reduce_sum3A_38 : vector<8xf32>
    %sub3A_40 = arith.constant 58.8120651 : f32
    %sub3A_41 = vector.broadcast %sub3A_40 : f32 to vector<8xf32>
    %sub3A_42 = arith.subf %sub3A_39, %sub3A_41 : vector<8xf32>
    %mul3A_43 = arith.mulf %get3A_1, %get3A_1 : vector<8x64xf32>
    %mul3A_44 = arith.mulf %mul3A_43, %div3A_11 : vector<8x64xf32>
    %reduce_sum3A_45 = arith.constant dense<0.000000e+00> : vector<8xf32>
    %reduce_sum3A_46 = vector.multi_reduction <add>, %mul3A_44, %reduce_sum3A_45 [1] : vector<8x64xf32> to vector<8xf32>
    %mul3A_47 = arith.constant 5.000000e-01 : f32
    %mul3A_48 = vector.broadcast %mul3A_47 : f32 to vector<8xf32>
    %mul3A_49 = arith.mulf %mul3A_48, %reduce_sum3A_46 : vector<8xf32>
    %sub3A_50 = arith.subf %sub3A_42, %mul3A_49 : vector<8xf32>
    %broadcast_in_dim3A_51 = arith.constant 0.000000e+00 : f32
    %broadcast_in_dim3A_52 = vector.broadcast %broadcast_in_dim3A_51 : f32 to vector<8xf32>
    %concatenate3A_53 = tpu.concatenate %sub3A_50, %broadcast_in_dim3A_52 in 0 : vector<8xf32>, vector<8xf32> -> vector<16xf32>
    %broadcast_in_dim3A_54 = vector.shape_cast %concatenate3A_53 : vector<16xf32> to vector<1x16xf32>
    %swap3A_55 = arith.constant 0 : index
    %swap3A_56 = arith.constant 0 : index
    %swap3A_57 = vector.load %arg4[%swap3A_55, %swap3A_56] : memref<1x16xf32, #tpu.memory_space<vmem>>, vector<1x16xf32>
    tpu.vector_store %arg4[%swap3A_55, %swap3A_56], %broadcast_in_dim3A_54 {strides = array<i32>} : memref<1x16xf32, #tpu.memory_space<vmem>>, vector<1x16xf32>,
    return
  }
}

module attributes {stable_mosaic.version = 14 : i64} {
  func.func @_tc_manual_body(%arg0: i32, %arg1: memref<262144x64xf32, #tpu.memory_space<hbm>>, %arg2: memref<8x64xf32, #tpu.memory_space<vmem>>, %arg3: memref<8x64xf32, #tpu.memory_space<vmem>>, %arg4: memref<1x8xf32, #tpu.memory_space<vmem>>, %arg5: memref<1x1x24576xf32, #tpu.memory_space<vmem>>, %arg6: memref<2x24576x64xf32, #tpu.memory_space<vmem>>, %arg7: memref<2x!tpu.dma_semaphore, #tpu.memory_space<semaphore_mem>>) attributes {dimension_semantics = [#tpu.dimension_semantics<arbitrary>], iteration_bounds = array<i64: 10>, scalar_prefetch = 0 : i64, scratch_operands = 2 : i64, tpu.core_type = #tpu.core_type<tc>, window_params = [{}, {pipeline_mode = #tpu.pipeline_mode<synchronous>, transform_indices = @transform_1, window_bounds = array<i64: 8, 64>}, {pipeline_mode = #tpu.pipeline_mode<synchronous>, transform_indices = @transform_2, window_bounds = array<i64: 8, 64>}, {pipeline_mode = #tpu.pipeline_mode<synchronous>, transform_indices = @transform_3, window_bounds = array<i64: 1, 8>}, {transform_indices = @transform_4, window_bounds = array<i64: 1, 1, 24576>}]} {
    %eq3A = arith.constant 0 : i32
    %eq3A_0 = arith.cmpi eq, %arg0, %eq3A : i32
    %convert_element_type3A = arith.extui %eq3A_0 : i1 to i32
    %cond3A = arith.constant 0 : i32
    %cond3A_1 = arith.cmpi ne, %convert_element_type3A, %cond3A : i32
    scf.if %cond3A_1 {
      %dma_start3A = arith.constant 0 : i32
      %dma_start3A_105 = arith.constant 0 : i32
      %dma_start3A_106 = tpu.memref_slice %arg7[%dma_start3A_105] : memref<2x!tpu.dma_semaphore, #tpu.memory_space<semaphore_mem>> -> memref<1x!tpu.dma_semaphore, #tpu.memory_space<semaphore_mem>>
      %dma_start3A_107 = tpu.memref_squeeze %dma_start3A_106 : memref<1x!tpu.dma_semaphore, #tpu.memory_space<semaphore_mem>> -> memref<!tpu.dma_semaphore, #tpu.memory_space<semaphore_mem>>
      %dma_start3A_108 = arith.constant 0 : i32
      %dma_start3A_109 = arith.constant 0 : i32
      %dma_start3A_110 = tpu.memref_slice %arg6[%dma_start3A, %dma_start3A_108, %dma_start3A_109] : memref<2x24576x64xf32, #tpu.memory_space<vmem>> -> memref<1x24576x64xf32, #tpu.memory_space<vmem>>
      %dma_start3A_111 = tpu.memref_squeeze %dma_start3A_110 : memref<1x24576x64xf32, #tpu.memory_space<vmem>> -> memref<24576x64xf32, #tpu.memory_space<vmem>>
      %dma_start3A_112 = arith.constant 0 : i32
      %dma_start3A_113 = arith.constant 0 : i32
      %dma_start3A_114 = tpu.memref_slice %arg1[%dma_start3A_112, %dma_start3A_113] : memref<262144x64xf32, #tpu.memory_space<hbm>> -> memref<24576x64xf32, #tpu.memory_space<hbm>>
      tpu.enqueue_dma source(%dma_start3A_114 : memref<24576x64xf32, #tpu.memory_space<hbm>>) target(%dma_start3A_111 : memref<24576x64xf32, #tpu.memory_space<vmem>>) target_semaphore(%dma_start3A_107 : memref<!tpu.dma_semaphore, #tpu.memory_space<semaphore_mem>>)
    } else {
    }
    %add3A = arith.constant 1 : i32
    %add3A_2 = arith.addi %arg0, %add3A : i32
    %lt3A = arith.constant 10 : i32
    %lt3A_3 = arith.cmpi slt, %add3A_2, %lt3A : i32
    %convert_element_type3A_4 = arith.extui %lt3A_3 : i1 to i32
    %cond3A_5 = arith.constant 0 : i32
    %cond3A_6 = arith.cmpi ne, %convert_element_type3A_4, %cond3A_5 : i32
    scf.if %cond3A_6 {
      %add3A_105 = arith.constant 1 : i32
      %add3A_106 = arith.addi %arg0, %add3A_105 : i32
      %add3A_107 = arith.constant 1 : i32
      %add3A_108 = arith.addi %arg0, %add3A_107 : i32
      %jit3A_109 = arith.constant 2 : i32
      %eq3A_110 = arith.constant 0 : i32
      %eq3A_111 = arith.cmpi eq, %jit3A_109, %eq3A_110 : i32
      %jit3A_112 = arith.constant 1 : i32
      %select_n3A_113 = arith.select %eq3A_111, %jit3A_112, %jit3A_109 : i32
      %rem3A_114 = arith.remsi %add3A_108, %select_n3A_113 : i32
      %ne3A_115 = arith.constant 0 : i32
      %ne3A_116 = arith.cmpi ne, %rem3A_114, %ne3A_115 : i32
      %lt3A_117 = arith.constant 0 : i32
      %lt3A_118 = arith.cmpi slt, %rem3A_114, %lt3A_117 : i32
      %lt3A_119 = arith.constant 0 : i32
      %lt3A_120 = arith.cmpi slt, %select_n3A_113, %lt3A_119 : i32
      %ne3A_121 = arith.xori %lt3A_118, %lt3A_120 : i1
      %and3A_122 = arith.andi %ne3A_121, %ne3A_116 : i1
      %add3A_123 = arith.addi %rem3A_114, %select_n3A_113 : i32
      %select_n3A_124 = arith.select %and3A_122, %add3A_123, %rem3A_114 : i32
      %mul3A_125 = arith.constant 24576 : i32
      %mul3A_126 = arith.muli %add3A_106, %mul3A_125 : i32
      %dma_start3A = tpu.memref_slice %arg7[%select_n3A_124] : memref<2x!tpu.dma_semaphore, #tpu.memory_space<semaphore_mem>> -> memref<1x!tpu.dma_semaphore, #tpu.memory_space<semaphore_mem>>
      %dma_start3A_127 = tpu.memref_squeeze %dma_start3A : memref<1x!tpu.dma_semaphore, #tpu.memory_space<semaphore_mem>> -> memref<!tpu.dma_semaphore, #tpu.memory_space<semaphore_mem>>
      %dma_start3A_128 = arith.constant 0 : i32
      %dma_start3A_129 = arith.constant 0 : i32
      %dma_start3A_130 = tpu.memref_slice %arg6[%select_n3A_124, %dma_start3A_128, %dma_start3A_129] : memref<2x24576x64xf32, #tpu.memory_space<vmem>> -> memref<1x24576x64xf32, #tpu.memory_space<vmem>>
      %dma_start3A_131 = tpu.memref_squeeze %dma_start3A_130 : memref<1x24576x64xf32, #tpu.memory_space<vmem>> -> memref<24576x64xf32, #tpu.memory_space<vmem>>
      %dma_start3A_132 = arith.constant 0 : i32
      %dma_start3A_133 = tpu.memref_slice %arg1[%mul3A_126, %dma_start3A_132] : memref<262144x64xf32, #tpu.memory_space<hbm>> -> memref<24576x64xf32, #tpu.memory_space<hbm>>
      tpu.enqueue_dma source(%dma_start3A_133 : memref<24576x64xf32, #tpu.memory_space<hbm>>) target(%dma_start3A_131 : memref<24576x64xf32, #tpu.memory_space<vmem>>) target_semaphore(%dma_start3A_127 : memref<!tpu.dma_semaphore, #tpu.memory_space<semaphore_mem>>)
    } else {
    }
    %jit3A = arith.constant 2 : i32
    %eq3A_7 = arith.constant 0 : i32
    %eq3A_8 = arith.cmpi eq, %jit3A, %eq3A_7 : i32
    %jit3A_9 = arith.constant 1 : i32
    %select_n3A = arith.select %eq3A_8, %jit3A_9, %jit3A : i32
    %rem3A = arith.remsi %arg0, %select_n3A : i32
    %ne3A = arith.constant 0 : i32
    %ne3A_10 = arith.cmpi ne, %rem3A, %ne3A : i32
    %lt3A_11 = arith.constant 0 : i32
    %lt3A_12 = arith.cmpi slt, %rem3A, %lt3A_11 : i32
    %lt3A_13 = arith.constant 0 : i32
    %lt3A_14 = arith.cmpi slt, %select_n3A, %lt3A_13 : i32
    %ne3A_15 = arith.xori %lt3A_12, %lt3A_14 : i1
    %and3A = arith.andi %ne3A_15, %ne3A_10 : i1
    %add3A_16 = arith.addi %rem3A, %select_n3A : i32
    %select_n3A_17 = arith.select %and3A, %add3A_16, %rem3A : i32
    %mul3A = arith.constant 24576 : i32
    %mul3A_18 = arith.muli %arg0, %mul3A : i32
    %dma_wait3A = tpu.memref_slice %arg7[%select_n3A_17] : memref<2x!tpu.dma_semaphore, #tpu.memory_space<semaphore_mem>> -> memref<1x!tpu.dma_semaphore, #tpu.memory_space<semaphore_mem>>
    %dma_wait3A_19 = tpu.memref_squeeze %dma_wait3A : memref<1x!tpu.dma_semaphore, #tpu.memory_space<semaphore_mem>> -> memref<!tpu.dma_semaphore, #tpu.memory_space<semaphore_mem>>
    %dma_wait3A_20 = arith.constant 0 : i32
    %dma_wait3A_21 = arith.constant 0 : i32
    %dma_wait3A_22 = tpu.memref_slice %arg6[%select_n3A_17, %dma_wait3A_20, %dma_wait3A_21] : memref<2x24576x64xf32, #tpu.memory_space<vmem>> -> memref<1x24576x64xf32, #tpu.memory_space<vmem>>
    %dma_wait3A_23 = tpu.memref_squeeze %dma_wait3A_22 : memref<1x24576x64xf32, #tpu.memory_space<vmem>> -> memref<24576x64xf32, #tpu.memory_space<vmem>>
    %dma_wait3A_24 = arith.constant 0 : i32
    %dma_wait3A_25 = tpu.memref_slice %arg1[%mul3A_18, %dma_wait3A_24] : memref<262144x64xf32, #tpu.memory_space<hbm>> -> memref<24576x64xf32, #tpu.memory_space<hbm>>
    tpu.wait_dma2 semaphore(%dma_wait3A_19 : memref<!tpu.dma_semaphore, #tpu.memory_space<semaphore_mem>>) src(%dma_wait3A_25 : memref<24576x64xf32, #tpu.memory_space<hbm>>) dst(%dma_wait3A_23 : memref<24576x64xf32, #tpu.memory_space<vmem>>)
    %get3A = arith.constant 0 : index
    %get3A_26 = arith.constant 0 : index
    %get3A_27 = vector.load %arg2[%get3A, %get3A_26] : memref<8x64xf32, #tpu.memory_space<vmem>>, vector<8x64xf32>
    %get3A_28 = arith.constant 0 : index
    %get3A_29 = arith.constant 0 : index
    %get3A_30 = vector.load %arg3[%get3A_28, %get3A_29] : memref<8x64xf32, #tpu.memory_space<vmem>>, vector<8x64xf32>
    %get3A_31 = arith.constant 0 : index
    %get3A_32 = arith.constant 0 : index
    %get3A_33 = vector.load %arg4[%get3A_31, %get3A_32] : memref<1x8xf32, #tpu.memory_space<vmem>>, vector<1x8xf32>
    %exp3A = math.exp %get3A_30 : vector<8x64xf32>
    %add3A_34 = arith.constant 1.000000e-10 : f32
    %add3A_35 = vector.broadcast %add3A_34 : f32 to vector<8x64xf32>
    %add3A_36 = arith.addf %exp3A, %add3A_35 : vector<8x64xf32>
    %mul3A_37 = arith.mulf %add3A_36, %add3A_36 : vector<8x64xf32>
    %div3A = arith.constant 1.000000e+00 : f32
    %div3A_38 = vector.broadcast %div3A : f32 to vector<8x64xf32>
    %div3A_39 = arith.divf %div3A_38, %mul3A_37 : vector<8x64xf32>
    %mul3A_40 = arith.constant -5.000000e-01 : f32
    %mul3A_41 = vector.broadcast %mul3A_40 : f32 to vector<8x64xf32>
    %mul3A_42 = arith.mulf %mul3A_41, %div3A_39 : vector<8x64xf32>
    %mul3A_43 = arith.mulf %get3A_27, %div3A_39 : vector<8x64xf32>
    %squeeze3A = vector.shape_cast %get3A_33 : vector<1x8xf32> to vector<8xf32>
    %squeeze3A_44 = vector.shape_cast %get3A_33 : vector<1x8xf32> to vector<8xf32>
    %reduce_max3A = vector.shape_cast %squeeze3A_44 : vector<8xf32> to vector<1x8xf32>
    %reduce_max3A_45 = arith.constant dense<0xFF800000> : vector<1xf32>
    %reduce_max3A_46 = vector.multi_reduction <maximumf>, %reduce_max3A, %reduce_max3A_45 [1] : vector<1x8xf32> to vector<1xf32>
    %reduce_max3A_47 = vector.shape_cast %reduce_max3A_46 : vector<1xf32> to vector<1x1xf32>
    %reduce_max3A_48 = vector.extract %reduce_max3A_47[0, 0] : f32 from vector<1x1xf32>
    %max3A = arith.constant 0xFF800000 : f32
    %max3A_49 = arith.maximumf %max3A, %reduce_max3A_48 : f32
    %is_finite3A = tpu.weird %max3A_49 : f32 -> i1
    %is_finite3A_50 = arith.constant true
    %is_finite3A_51 = arith.xori %is_finite3A, %is_finite3A_50 : i1
    %select_n3A_52 = arith.constant 0.000000e+00 : f32
    %select_n3A_53 = arith.select %is_finite3A_51, %max3A_49, %select_n3A_52 : f32
    %broadcast_in_dim3A = vector.broadcast %select_n3A_53 : f32 to vector<1xf32>
    %sub3A = vector.broadcast %broadcast_in_dim3A : vector<1xf32> to vector<8xf32>
    %sub3A_54 = arith.subf %squeeze3A_44, %sub3A : vector<8xf32>
    %exp3A_55 = math.exp %sub3A_54 : vector<8xf32>
    %reduce_sum3A = vector.shape_cast %exp3A_55 : vector<8xf32> to vector<1x8xf32>
    %reduce_sum3A_56 = arith.constant dense<0.000000e+00> : vector<1xf32>
    %reduce_sum3A_57 = vector.multi_reduction <add>, %reduce_sum3A, %reduce_sum3A_56 [1] : vector<1x8xf32> to vector<1xf32>
    %reduce_sum3A_58 = vector.shape_cast %reduce_sum3A_57 : vector<1xf32> to vector<1x1xf32>
    %reduce_sum3A_59 = vector.extract %reduce_sum3A_58[0, 0] : f32 from vector<1x1xf32>
    %abs3A = math.absf %reduce_sum3A_59 : f32
    %log3A = math.log %abs3A : f32
    %add3A_60 = arith.addf %log3A, %select_n3A_53 : f32
    %sub3A_61 = vector.broadcast %add3A_60 : f32 to vector<8xf32>
    %sub3A_62 = arith.subf %squeeze3A, %sub3A_61 : vector<8xf32>
    %log3A_63 = math.log %add3A_36 : vector<8x64xf32>
    %reduce_sum3A_64 = arith.constant dense<0.000000e+00> : vector<8xf32>
    %reduce_sum3A_65 = vector.multi_reduction <add>, %log3A_63, %reduce_sum3A_64 [1] : vector<8x64xf32> to vector<8xf32>
    %sub3A_66 = arith.subf %sub3A_62, %reduce_sum3A_65 : vector<8xf32>
    %sub3A_67 = arith.constant 58.8120651 : f32
    %sub3A_68 = vector.broadcast %sub3A_67 : f32 to vector<8xf32>
    %sub3A_69 = arith.subf %sub3A_66, %sub3A_68 : vector<8xf32>
    %mul3A_70 = arith.mulf %get3A_27, %get3A_27 : vector<8x64xf32>
    %mul3A_71 = arith.mulf %mul3A_70, %div3A_39 : vector<8x64xf32>
    %reduce_sum3A_72 = arith.constant dense<0.000000e+00> : vector<8xf32>
    %reduce_sum3A_73 = vector.multi_reduction <add>, %mul3A_71, %reduce_sum3A_72 [1] : vector<8x64xf32> to vector<8xf32>
    %mul3A_74 = arith.constant 5.000000e-01 : f32
    %mul3A_75 = vector.broadcast %mul3A_74 : f32 to vector<8xf32>
    %mul3A_76 = arith.mulf %mul3A_75, %reduce_sum3A_73 : vector<8xf32>
    %sub3A_77 = arith.subf %sub3A_69, %mul3A_76 : vector<8xf32>
    %get3A_78 = arith.index_cast %select_n3A_17 : i32 to index
    %get3A_79 = arith.constant 0 : index
    %get3A_80 = arith.constant 0 : index
    %get3A_81 = vector.load %arg6[%get3A_78, %get3A_79, %get3A_80] : memref<2x24576x64xf32, #tpu.memory_space<vmem>>, vector<1x24576x64xf32>
    %get3A_82 = vector.shape_cast %get3A_81 : vector<1x24576x64xf32> to vector<24576x64xf32>
    %dot_general3A = arith.constant dense<0.000000e+00> : vector<8x24576xf32>
    %dot_general3A_83 = tpu.matmul %mul3A_43, %get3A_82, %dot_general3A {dimension_numbers = #tpu.dot_dimension_numbers<[1], [1], [0], [0], [0, 0, 1, 0], [], []>, transpose_lhs_hint = false} : vector<8x64xf32>, vector<24576x64xf32>, vector<8x24576xf32> -> vector<8x24576xf32>
    %mul3A_84 = arith.mulf %get3A_82, %get3A_82 : vector<24576x64xf32>
    %dot_general3A_85 = arith.constant dense<0.000000e+00> : vector<8x24576xf32>
    %dot_general3A_86 = tpu.matmul %mul3A_42, %mul3A_84, %dot_general3A_85 {dimension_numbers = #tpu.dot_dimension_numbers<[1], [1], [0], [0], [0, 0, 1, 0], [], []>, transpose_lhs_hint = false} : vector<8x64xf32>, vector<24576x64xf32>, vector<8x24576xf32> -> vector<8x24576xf32>
    %add3A_87 = arith.addf %dot_general3A_83, %dot_general3A_86 : vector<8x24576xf32>
    %broadcast_in_dim3A_88 = vector.shape_cast %sub3A_77 : vector<8xf32> to vector<8x1xf32>
    %add3A_89 = vector.broadcast %broadcast_in_dim3A_88 : vector<8x1xf32> to vector<8x24576xf32>
    %add3A_90 = arith.addf %add3A_87, %add3A_89 : vector<8x24576xf32>
    %reduce_max3A_91 = arith.constant dense<0xFF800000> : vector<24576xf32>
    %reduce_max3A_92 = vector.multi_reduction <maximumf>, %add3A_90, %reduce_max3A_91 [0] : vector<8x24576xf32> to vector<24576xf32>
    %broadcast_in_dim3A_93 = vector.shape_cast %reduce_max3A_92 : vector<24576xf32> to vector<1x24576xf32>
    %sub3A_94 = vector.broadcast %broadcast_in_dim3A_93 : vector<1x24576xf32> to vector<8x24576xf32>
    %sub3A_95 = arith.subf %add3A_90, %sub3A_94 : vector<8x24576xf32>
    %exp3A_96 = math.exp %sub3A_95 : vector<8x24576xf32>
    %reduce_sum3A_97 = arith.constant dense<0.000000e+00> : vector<24576xf32>
    %reduce_sum3A_98 = vector.multi_reduction <add>, %exp3A_96, %reduce_sum3A_97 [0] : vector<8x24576xf32> to vector<24576xf32>
    %log3A_99 = math.log %reduce_sum3A_98 : vector<24576xf32>
    %add3A_100 = arith.addf %reduce_max3A_92, %log3A_99 : vector<24576xf32>
    %broadcast_in_dim3A_101 = vector.shape_cast %add3A_100 : vector<24576xf32> to vector<1x1x24576xf32>
    %swap3A = arith.constant 0 : index
    %swap3A_102 = arith.constant 0 : index
    %swap3A_103 = arith.constant 0 : index
    %swap3A_104 = vector.load %arg5[%swap3A, %swap3A_102, %swap3A_103] : memref<1x1x24576xf32, #tpu.memory_space<vmem>>, vector<1x1x24576xf32>
    tpu.vector_store %arg5[%swap3A, %swap3A_102, %swap3A_103], %broadcast_in_dim3A_101 {strides = array<i32>} : memref<1x1x24576xf32, #tpu.memory_space<vmem>>, vector<1x1x24576xf32>,
    return
  }
  func.func @transform_1(%arg0: i32) -> (i32, i32) {
    %c0_i32 = arith.constant 0 : i32
    %c0_i32_0 = arith.constant 0 : i32
    %c0_i32_1 = arith.constant 0 : i32
    return %c0_i32, %c0_i32_0 : i32, i32
  }
  func.func @transform_2(%arg0: i32) -> (i32, i32) {
    %c0_i32 = arith.constant 0 : i32
    %c0_i32_0 = arith.constant 0 : i32
    %c0_i32_1 = arith.constant 0 : i32
    return %c0_i32, %c0_i32_0 : i32, i32
  }
  func.func @transform_3(%arg0: i32) -> (i32, i32) {
    %c0_i32 = arith.constant 0 : i32
    %c0_i32_0 = arith.constant 0 : i32
    %c0_i32_1 = arith.constant 0 : i32
    return %c0_i32, %c0_i32_0 : i32, i32
  }
  func.func @transform_4(%arg0: i32) -> (i32, i32, i32) {
    %c0_i32 = arith.constant 0 : i32
    %c0_i32_0 = arith.constant 0 : i32
    %c0_i32_1 = arith.constant 0 : i32
    return %arg0, %c0_i32, %c0_i32_0 : i32, i32, i32
  }
}

</mosaic_0001>

<sc_bundles>
// kernel: kernel.5.cloned.1.call-start
scs
__scs_entry_jumppad:
0x0: {  	(pc) =	sbr.rel $0x88, $3  }
0x1: {  	(tag) =	ssettag $0x0;
	lr =	simm.s32 $0x1  }
0x2: {  	[smem:$0x3F9D] =	sst lr;
	_ =	strace $0xD0000000  }
0x3: {  	_ = 	snop  }
0x4: {  	_ = 	snop  }
0x5: {  	_ = 	snop  }
0x6: {  	_ = 	snop  }
0x7: {  	_ = 	snop  }
__scs_overlays_trampoline_lowered:
0x8: {  	[smem:$0x3FAC] =	sst s0  }
0x9: {  	[smem:$0x3FAD] =	sst s1  }
0xa: {  	[smem:$0x3FAE] =	sst s2  }
0xb: {  	[smem:$0x3FAF] =	sst s3  }
0xc: {  	[smem:$0x3FB0] =	sst s4  }
0xd: {  	[smem:$0x3FB1] =	sst s5  }
0xe: {  	[smem:$0x3FB2] =	sst s6  }
0xf: {  	[smem:$0x3FB3] =	sst s7  }
0x10: {  	[smem:$0x3FB4] =	sst s8  }
0x11: {  	[smem:$0x3FB5] =	sst s9;
	s0 =	simm.s32 @!p0 $0x0  }
0x12: {  	s1 =	sld [smem:$0x3F9B];
	s0 =	simm.s32 @p0 $0x1  }
0x13: {  	[smem:$0x3FB6] =	sst s0;
	s0 =	simm.s32 @!p1 $0x0  }
0x14: {  	s2 =	sld [smem:$0x3F9A];
	s0 =	simm.s32 @p1 $0x1  }
0x15: {  	[smem:$0x3FB7] =	sst s0;
	s0 =	simm.s32 @!p2 $0x0  }
0x16: {  	s3 =	sld [smem:$0x3FDB];
	s0 =	simm.s32 @p2 $0x1  }
0x17: {  	s4 =	simm.s32 $0x1BF5;
	[smem:$0x3FB9] =	sst s0  }
0x18: {  	s0 =	sld [smem:$0x3F9C];
	_ =	swait.ge [sflag:s4], $0x0  }
0x19: {  	s7 =	sld [smem:$0x3F9D]  }
0x1a: {  	s8 =	sadd.s32 $0xFFFFE003, lr  }
0x1b: {  	s9 =	sadd.s32 $0xFFFFFEF7, lr;
	s5 =	simm.s32 $0xFFFFFFFF;
	p2 =	slt.u32 s8, $0xFFFFF086  }
0x1c: {  	p1 =	slt.u32 s9, $0xF7A;
	s5 =	simm.s32 @!p2 $0x0  }
0x1d: {  	s5 =	simm.s32 @p1 $0x1;
	p0 =	seq.s32 s7, s2  }
0x1e: {  	s7 =	smul.u32 @!p0 $0xF7A, s2;
	p2 =	seq.s32 @!p0 s5, $0x0  }
0x1f: {  	s9 =	smul.u32 $0xF7A, s1;
	s8 =	simm.s32 @!p0 $0x1BF5;
	p2 =	por !p2, p0  }
0x20: {  	[sflag:s8] =	ssyncset.s32 @!p0 $0xFFFFF086;
	s6 =	sadd.s32 @!p0 s3, s7;
	s7 =	simm.s32 @!p0 $0x108  }
0x21: {  	s3 =	sadd.s32 s3, s9;
	s6 =	sadd.s32 @!p0 $0x88, s6;
	s7 =	simm.s32 @p2 $0x1082  }
0x22: {  	[simem:s7], [sflag:s8] =	dma.local @!p0 [hbm:s6], $0xF7A  }
0x23: {  	s9 =	sor.u32 $0xD0000000, s2;
	s6 =	simm.s32 $0x108;
	_ =	swait.ge @!p0 [sflag:s8], $0x0  }
0x24: {  	s3 =	sadd.s32 $0x88, s3;
	s6 =	simm.s32 @!p1 $0x1082;
	[sflag:s4] =	ssyncset.s32 $0xFFFFF086  }
0x25: {  	[simem:s6], [sflag:s4] =	dma.local [hbm:s3], $0xF7A  }
0x26: {  	[smem:$0x3F9D] =	sst s1;
	(tag) =	ssettag s2;
	_ =	strace s9  }
0x27: {  	s1 =	sld [smem:$0x3FAD]  }
0x28: {  	s2 =	sld [smem:$0x3FAE]  }
0x29: {  	s4 =	sld [smem:$0x3FB0]  }
0x2a: {  	p0 =	seq.s32 s5, $0x0;
	s5 =	sld [smem:$0x3FB1]  }
0x2b: {  	s6 =	sld [smem:$0x3FB2]  }
0x2c: {  	s7 =	sld [smem:$0x3FB3]  }
0x2d: {  	s3 =	simm.s32 $0x108;
	s8 =	sld [smem:$0x3FB4]  }
0x2e: {  	s3 =	simm.s32 @!p0 $0x1082;
	s9 =	sld [smem:$0x3FB5]  }
0x2f: {  	lr =	sadd.s32 s0, s3;
	s0 =	sld [smem:$0x3FAC]  }
0x30: {  	s3 =	sld [smem:$0x3FAF]  }
0x31: {  	[smem:$0x3FB8] =	sst s10  }
0x32: {  	s10 =	sld [smem:$0x3FB6];
	_ =	sdelay $0x3  }
0x33: {  	p0 =	seq.s32 s10, $0x1;
	s10 =	sld [smem:$0x3FB8];
	_ =	sdelay $0x3  }
0x34: {  	[smem:$0x3FB8] =	sst s10  }
0x35: {  	s10 =	sld [smem:$0x3FB7];
	_ =	sdelay $0x3  }
0x36: {  	p1 =	seq.s32 s10, $0x1;
	s10 =	sld [smem:$0x3FB8];
	_ =	sdelay $0x3  }
0x37: {  	[smem:$0x3FB8] =	sst s10  }
0x38: {  	s10 =	sld [smem:$0x3FB9]  }
0x39: {  	_ = 	snop;
	(pc) =	sbr.ind lr, $3  }
0x3a: {  	_ = 	snop  }
0x3b: {  	_ = 	snop  }
0x3c: {  	p2 =	seq.s32 s10, $0x1;
	s10 =	sld [smem:$0x3FB8]  }
0x3d: {  	_ =	shalt  }
0x3e: {  	_ =	shalt  }
0x3f: {  	_ =	shalt  }
0x40: {  	_ =	shalt  }
0x41: {  	_ =	shalt  }
0x42: {  	_ =	shalt  }
0x43: {  	_ =	shalt  }
0x44: {  	_ =	shalt  }
0x45: {  	_ =	shalt  }
0x46: {  	_ =	shalt  }
0x47: {  	_ =	shalt  }
0x48: {  	_ =	shalt  }
0x49: {  	_ =	shalt  }
0x4a: {  	_ =	shalt  }
0x4b: {  	_ =	shalt  }
0x4c: {  	_ =	shalt  }
0x4d: {  	_ =	shalt  }
0x4e: {  	_ =	shalt  }
0x4f: {  	_ =	shalt  }
0x50: {  	_ =	shalt  }
0x51: {  	_ =	shalt  }
0x52: {  	_ =	shalt  }
0x53: {  	_ =	shalt  }
0x54: {  	_ =	shalt  }
0x55: {  	_ =	shalt  }
0x56: {  	_ =	shalt  }
0x57: {  	_ =	shalt  }
0x58: {  	_ =	shalt  }
0x59: {  	_ =	shalt  }
0x5a: {  	_ =	shalt  }
0x5b: {  	_ =	shalt  }
0x5c: {  	_ =	shalt  }
0x5d: {  	_ =	shalt  }
0x5e: {  	_ =	shalt  }
0x5f: {  	_ =	shalt  }
0x60: {  	_ =	shalt  }
0x61: {  	_ =	shalt  }
0x62: {  	_ =	shalt  }
0x63: {  	_ =	shalt  }
0x64: {  	_ =	shalt  }
0x65: {  	_ =	shalt  }
0x66: {  	_ =	shalt  }
0x67: {  	_ =	shalt  }
0x68: {  	_ =	shalt  }
0x69: {  	_ =	shalt  }
0x6a: {  	_ =	shalt  }
0x6b: {  	_ =	shalt  }
0x6c: {  	_ =	shalt  }
0x6d: {  	_ =	shalt  }
0x6e: {  	_ =	shalt  }
0x6f: {  	_ =	shalt  }
0x70: {  	_ =	shalt  }
0x71: {  	_ =	shalt  }
0x72: {  	_ =	shalt  }
0x73: {  	_ =	shalt  }
0x74: {  	_ =	shalt  }
0x75: {  	_ =	shalt  }
0x76: {  	_ =	shalt  }
0x77: {  	_ =	shalt  }
0x78: {  	_ =	shalt  }
0x79: {  	_ =	shalt  }
0x7a: {  	_ =	shalt  }
0x7b: {  	_ =	shalt  }
0x7c: {  	_ =	shalt  }
0x7d: {  	_ =	shalt  }
0x7e: {  	_ =	shalt  }
0x7f: {  	_ =	shalt  }
0x80: {  	_ =	shalt  }
0x81: {  	_ =	shalt  }
0x82: {  	_ =	shalt  }
0x83: {  	_ =	shalt  }
0x84: {  	_ =	shalt  }
0x85: {  	_ =	shalt  }
0x86: {  	_ =	shalt  }
0x87: {  	_ =	shalt  }
.Lfunc_end0:
.L_simem_size_0:
called_computation_lowered:
.L_overlay_start_0:
0x88: {  	s2 =	sld [smem:$0x3FD9]  }
0x89: {  	s3 =	sld [smem:$0x3FFE];
	_ =	sdelay $0x1  }
0x8a: {  	s1 =	srdreg.scid  }
0x8b: {  	s0 =	sand.u32 $0x1, s1  }
0x8c: {  	s17 =	sshll.u32 s0, $0xA;
	s2 =	sadd.s32 s3, s2  }
0x8d: {  	s2 =	sadd.s32 s2, s17  }
0x8e: {  	[smem:$0x3FC4] =	sst s2  }
0x8f: {  	_ = 	snop  }
0x90: {  	s2 =	sld [smem:$0x3FD0];
	(tm) =	ssettm $0x1  }
0x91: {  	s18 =	sld [smem:$0x3FFB];
	_ =	sdelay $0x3  }
0x92: {  	_ =	strace s18  }
0x93: {  	s3 =	sld [smem:$0x3FFC];
	_ =	sdelay $0x3  }
0x94: {  	_ =	strace s3  }
0x95: {  	s3 =	sld [smem:$0x3FFD];
	_ =	sdelay $0x3  }
0x96: {  	_ =	strace s3  }
0x97: {  	_ =	strace $0x8FFFFFFF  }
0x98: {  	s19 =	sld [smem:$0x3FDB];
	_ =	sdelay $0x1  }
0x99: {  	s4 =	simm.s32 $_scs_section_size  }
0x9a: {  	s5 =	simm.s32 $_size__tile_overlayer_lowered;
	s6 =	simm.s32 $_tile_overlayer_lowered  }
0x9b: {  	s22 =	simm.s32 $0x1BFF;
	s21 =	sshll.u32 s6, $0x1;
	s3 =	sadd.s32 s4, s19  }
0x9c: {  	s7 =	simm.s32 $0x0;
	s20 =	sshll.u32 s5, $0x1;
	s5 =	sadd.s32 s21, s3  }
0x9d: {  	[timem:s7], [sflag:s22] =	dma.local [hbm:s5], s20  }
0x9e: {  	_ =	swait.ge [sflag:s22], s20  }
0x9f: {  	s4 =	ssub.s32 $0x0, s20;
	[sflag:s22] =	ssyncset.done $0x0  }
0xa0: {  	[sflag:s22] =	ssyncadd.s32 s4;
	_ =	sdelay $0x1  }
0xa1: {  	s23 =	simm.s32 $0x1B8B  }
0xa2: {  	_ =	swait.ge [sflag:s23], $0x1  }
0xa3: {  	[sflag:s23] =	ssyncset.done $0x0  }
0xa4: {  	s25 =	simm.s32 $0x1B8E;
	s24 =	sld [smem:$0x3FFE];
	[sflag:s23] =	ssyncadd.s32 $0xFFFFFFFF  }
0xa5: {  	s26 =	simm.s32 $execute0_lowered;
	[smem:$0x3FD2] =	sst s25  }
0xa6: {  	s5 =	sshll.u32 s26, $0x1;
	_ =	strace $0x80000046;
	[dreg:$0x1] =	wrdreg $0xFFFFFFFF  }
0xa7: {  	s28 =	simm.s32 $_size_execute0_lowered;
	s3 =	sadd.s32 s3, s5;
	[dreg:$0x0] =	wrdreg $0x0  }
0xa8: {  	s5 =	sshll.u32 s28, $0x1;
	[dreg:$0x2] =	wrdreg s3  }
0xa9: {  	[dreg:$0x3] =	wrdreg s5  }
0xaa: {  	[dreg:$0x4] =	wrdreg $0xC0  }
0xab: {  	_ =	task [dreg:s7], $0x5FFFF  }
0xac: {  	[dreg:$0x1] =	wrdreg $0xFFFFFFFF  }
0xad: {  	[dreg:$0x0] =	wrdreg $0x60  }
0xae: {  	[dreg:$0x2] =	wrdreg s24  }
0xaf: {  	[dreg:$0x3] =	wrdreg s2  }
0xb0: {  	[dreg:$0x4] =	wrdreg $0x101000  }
0xb1: {  	[dreg:$0x5] =	wrdreg $0x101400  }
0xb2: {  	[dreg:$0x6] =	wrdreg $0x9  }
0xb3: {  	_ =	task.clear_ibuf [dreg:s7], $0x7FFFF;
	_ =	strace $0x90000046  }
0xb4: {  	s29 =	simm.s32 $0x9;
	_ =	strace $0x80000048  }
0xb5: {  	_ =	swait.ge [sflag:s29], $0x1  }
0xb6: {  	[sflag:s29] =	ssyncadd.s32 $0xFFFFFFFF  }
0xb7: {  	_ =	strace $0x90000048  }
0xb8: {  	_ =	sfence  }
0xb9: {  	s30 =	sld [smem:$0x0];
	_ =	sdelay $0x2  }
0xba: {  	s31 =	sshll.u32 s1, $0xD;
	s1 =	sshrl.u32 s1, $0x2  }
0xbb: {  	s3 =	sand.u32 $0x4000, s31;
	s1 =	sadd.s32 s1, s30  }
0xbc: {  	s0 =	sor.u32 s3, s0;
	s1 =	sshll.u32 s1, $0x11  }
0xbd: {  	s0 =	sor.u32 s1, s0  }
0xbe: {  	s0 =	sadd.s32 $0x8F2B, s0  }
0xbf: {  	[sflag:s0] =	ssyncadd.remote.s32 $0x1  }
0xc0: {  	_ =	sfence.sel $0xFFFF  }
0xc1: {  	[dreg:$0x0] =	wrdreg $0xFFFFFFFF;
	(pc) =	sbr.abs _section_cstart, $3  }
0xc2: {  	[dreg:$0x1] =	wrdreg $0xFFFFFFFF  }
0xc3: {  	_ =	task.clear_ibuf [dreg:s7], $0x2FFFF;
	_ =	strace $0x9FFFFFFF  }
0xc4: {  	(tm) =	ssettm $0x7FFFFFFF  }
0xc5: {  	_ =	shalt  }
tec
execute0_lowered:
.L_overlay_start_1:
0x0: {  	(tag) =	ssettag $0x1  }
0x1: {  	s0 =	rddreg [dreg:$0x0]  }
0x2: {  	s6 =	rddreg [dreg:$0x2]  }
0x3: {  	s7 =	rddreg [dreg:$0x3]  }
0x4: {  	s1 =	srdreg.scid;
	s2 =	stileid.u32  }
0x5: {  	s8 =	simm.s32 $0x0;
	s1 =	sand.u32 $0x1, s1;
	s3 =	sshll.u32 s2, $0xA  }
0x6: {  	[smem:$0x7FF] =	sst s8;
	s4 =	sshll.u32 s1, $0x9;
	s1 =	ssub.s32 $0x2, s1  }
0x7: {  	s9 =	sadd.s32 $0x401000, s0;
	s3 =	sor.u32 s4, s3;
	s5 =	sshrl.u32 s1, $0x1  }
0x8: {  	_ =	strace $0x80000047;
	s4 =	sshll.u32 s3, $0x4;
	s1 =	ssub.s32 s1, s5  }
0x9: {  	[dreg:$0x13] =	wrdreg s9;
	s4 =	sadd.s32 s4, s0;
	s31 =	smax.u32 s1, $0x1  }
0xa: {  	s3 =	sshrl.u32 s3, $0x3;
	s28 =	sadd.s32 $0x3C1000, s4;
	[dreg:$0x18] =	wrdreg s31  }
0xb: {  	s0 =	sadd.s32 s3, s0;
	s29 =	sadd.s32 $0x3C2000, s4;
	[dreg:$0x14] =	wrdreg s28  }
0xc: {  	s30 =	sadd.s32 $0x401200, s0;
	[dreg:$0x15] =	wrdreg s29  }
0xd: {  	v0 =	vlaneseq.u32;
	p0 =	sne.s32 s2, $0x0;
	s0 =	sadd.s32 $0x401220, s0;
	[dreg:$0x16] =	wrdreg s30  }
0xe: {  	v0 =	vmul.u32 $0x80, v0;
	[dreg:$0x17] =	wrdreg s0;
	s0 =	sshrl.u32 @!p0 s6, $0x3  }
0xf: {  	s9 =	simm.s32 $0x8000;
	[dreg:$0x19] =	wrdreg s0;
	s0 =	sshrl.u32 @!p0 s7, $0x3  }
0x10: {  	[tilespmem:$0x1FFF0] =	vst v0;
	s1 =	simm.s32 $0x0;
	s4 =	simm.s32 $0x3;
	[dreg:$0x1a] =	wrdreg s0  }
.LBB2_1:
0x11: {  	[dreg:$0x1b] =	wrdreg s1  }
0x12: {  	s1 =	rddreg [dreg:$0x1]  }
0x13: {  	s0 =	simm.s32 @!p0 $0x1C03;
	s2 =	rddreg [dreg:$0x19]  }
0x14: {  	[spmem:s2], [sflag:s0] =	dma.local @!p0 [hbm:s1], $0x80  }
0x15: {  	s1 =	simm.s32 @!p0 $0x3  }
0x16: {  	_ =	swait.ge @!p0 [sflag:s1], $0x80  }
0x17: {  	[sflag:s1] =	ssyncset.done @!p0 $0x0;
	s2 =	rddreg [dreg:$0x13]  }
0x18: {  	s3 =	rddreg [dreg:$0x1a];
	[sflag:s1] =	ssyncadd.s32 @!p0 $0xFFFFFF80  }
0x19: {  	[spmem:s3], [sflag:s0] =	dma.local @!p0 [hbm:s2], $0x10  }
0x1a: {  	_ =	swait.ge @!p0 [sflag:s1], $0x10  }
0x1b: {  	[sflag:s1] =	ssyncset.done @!p0 $0x0  }
0x1c: {  	[sflag:s1] =	ssyncadd.s32 @!p0 $0xFFFFFFF0  }
0x1d: {  	[bflag:$0x0] =	sbarrier.arrive $0xFFFF  }
0x1e: {  	s21 =	rddreg [dreg:$0x2]  }
0x1f: {  	[smem:s8], [sflag:$0x3] =	stream.linear.gather [spmem:s21], $0x400, $0x38;
	[tilespmem:$0x10148] =	vst v63  }
0x20: {  	_ =	swait.ge [sflag:s4], $0x400  }
0x21: {  	[sflag:s4] =	ssyncset.done $0x0  }
0x22: {  	[sflag:s4] =	ssyncadd.s32 $0xFFFFFC00  }
0x23: {  	s23 =	simm.s32 $0x400;
	s22 =	rddreg [dreg:$0x3]  }
0x24: {  	[smem:s23], [sflag:$0x3] =	stream.linear.gather [spmem:s22], $0x80, $0x38;
	[tilespmem:$0x10148] =	vst v63  }
0x25: {  	_ =	swait.ge [sflag:s4], $0x80  }
0x26: {  	[sflag:s4] =	ssyncset.done $0x0  }
0x27: {  	s25 =	simm.s32 $0x1;
	s24 =	rddreg [dreg:$0x14];
	[sflag:s4] =	ssyncadd.s32 $0xFFFFFF80  }
0x28: {  	[tilespmem:s8], [sflag:$0x1] =	stream.linear.gather [hbm4b:s24+s8], $0x8000, $0x38;
	[tilespmem:$0x10148] =	vst v63  }
0x29: {  	_ =	swait.ge [sflag:s25], $0x8000  }
0x2a: {  	[sflag:s25] =	ssyncset.done $0x0  }
0x2b: {  	s31 =	rddreg [dreg:$0x15];
	[sflag:s25] =	ssyncadd.s32 $0xFFFF8000  }
0x2c: {  	s0 =	sld [smem:$0x400]  }
0x2d: {  	s26 =	sld [smem:$0x401]  }
0x2e: {  	s28 =	sld [smem:$0x402]  }
0x2f: {  	s29 =	sld [smem:$0x403]  }
0x30: {  	[tilespmem:s9], [sflag:$0x2] =	stream.linear.gather [hbm4b:s31+s8], $0x8000, $0x38;
	v0 =	vmov s0;
	[tilespmem:$0x10148] =	vst v63  }
0x31: {  	s30 =	sld [smem:$0x404];
	v57 =	vmov s26;
	[tilespmem:$0x1FF70] =	vst v0  }
0x32: {  	s5 =	sld [smem:$0x405];
	v58 =	vmov s28;
	[tilespmem:$0x1FF80] =	vst v57  }
0x33: {  	s6 =	sld [smem:$0x406];
	v59 =	vmov s29;
	[tilespmem:$0x1FF90] =	vst v58  }
0x34: {  	s7 =	sld [smem:$0x407];
	v60 =	vmov s30;
	[tilespmem:$0x1FFA0] =	vst v59  }
0x35: {  	v61 =	vmov s5;
	[tilespmem:$0x1FFB0] =	vst v60  }
0x36: {  	v62 =	vmov s6;
	[tilespmem:$0x1FFC0] =	vst v61  }
0x37: {  	v63 =	vmov s7;
	[tilespmem:$0x1FFD0] =	vst v62  }
0x38: {  	s0 =	simm.s32 $0x0;
	[tilespmem:$0x1FFE0] =	vst v63  }
.LBB2_2:
0x39: {  	s17 =	sld [smem:$0x47]  }
0x3a: {  	s14 =	sld [smem:$0xC7]  }
0x3b: {  	s15 =	sld [smem:$0x147]  }
0x3c: {  	s12 =	sld [smem:$0x1C7]  }
0x3d: {  	s13 =	sld [smem:$0x247]  }
0x3e: {  	s1 =	sld [smem:$0x2C7];
	_ =	sdelay $0x2  }
0x3f: {  	[smem:$0x7F4] =	sst s1  }
0x40: {  	s1 =	sld [smem:$0x46];
	_ =	sdelay $0x2  }
0x41: {  	[smem:$0x7F5] =	sst s1  }
0x42: {  	s1 =	sld [smem:$0xC6];
	_ =	sdelay $0x2  }
0x43: {  	[smem:$0x7F6] =	sst s1  }
0x44: {  	s1 =	sld [smem:$0x146];
	_ =	sdelay $0x2  }
0x45: {  	[smem:$0x7F7] =	sst s1  }
0x46: {  	s1 =	sld [smem:$0x1C6];
	_ =	sdelay $0x2  }
0x47: {  	[smem:$0x7F8] =	sst s1  }
0x48: {  	s1 =	sld [smem:$0x246];
	_ =	sdelay $0x2  }
0x49: {  	[smem:$0x7F9] =	sst s1  }
0x4a: {  	s1 =	sld [smem:$0x2C6];
	_ =	sdelay $0x2  }
0x4b: {  	[smem:$0x7FA] =	sst s1  }
0x4c: {  	s1 =	sld [smem:$0x346];
	_ =	sdelay $0x2  }
0x4d: {  	[smem:$0x7FB] =	sst s1  }
0x4e: {  	s1 =	sld [smem:$0x3C6];
	_ =	sdelay $0x1  }
0x4f: {  	[dreg:$0x1c] =	wrdreg s0  }
0x50: {  	[smem:$0x7FC] =	sst s1  }
0x51: {  	s1 =	sld [smem:$0x45]  }
0x52: {  	s31 =	sshll.u32 s0, $0x4  }
0x53: {  	[dreg:$0x1e] =	wrdreg s31  }
0x54: {  	[smem:$0x7FD] =	sst s1  }
0x55: {  	s11 =	sld [smem:$0xC5]  }
0x56: {  	s18 =	sld [smem:$0x145];
	v2 =	vld [tilespmem:$0x1FFF0]  }
0x57: {  	s4 =	simm.s32 $0x0  }
0x58: {  	v0 =	vmov s4  }
0x59: {  	v1 =	vmov s31;
	v0 =	vand.u32 $0x78, v0  }
0x5a: {  	s2 =	simm.s32 $0x7;
	v1 =	vshll.u32 v1, $0x7;
	v0 =	vbroadcast v0, $0x0  }
0x5b: {  	v6 =	vor.u32 v2, v1;
	v1 =	vmov s2  }
0x5c: {  	s19 =	sld [smem:$0x1C5];
	v1 =	vand.u32 $0x7F, v1;
	v0 =	vor.u32 v6, v0  }
0x5d: {  	s3 =	simm.s32 $0x6;
	s20 =	sld [smem:$0x245];
	v1 =	vbroadcast v1, $0x0  }
0x5e: {  	s21 =	simm.s32 $0x5;
	s10 =	sld [smem:$0x2C5];
	v2 =	vmov s3  }
0x5f: {  	s22 =	simm.s32 $0x4;
	v3 =	vmov s21;
	s16 =	sld [smem:$0x345];
	v2 =	vand.u32 $0x7E, v2;
	v1 =	vor.u32 v6, v1  }
0x60: {  	s23 =	simm.s32 $0x3;
	v4 =	vmov s22;
	v3 =	vand.u32 $0x7D, v3;
	s21 =	sld [smem:$0x3C5];
	s3 =	simm.s32 $0x0;
	v2 =	vbroadcast v2, $0x0  }
0x61: {  	v4 =	vand.u32 $0x7C, v4;
	v3 =	vbroadcast v3, $0x0;
	s22 =	sld [smem:$0x44];
	v13 =	vld.idx.msk [tilespmem:v0+s3+$0x0], $0xffff;
	v0 =	vmov s23  }
0x62: {  	v4 =	vbroadcast v4, $0x0;
	v2 =	vor.u32 v6, v2;
	v0 =	vand.u32 $0x7B, v0  }
0x63: {  	s25 =	simm.s32 $0x2;
	v5 =	vor.u32 v6, v3;
	s23 =	sld [smem:$0xC4];
	v0 =	vbroadcast v0, $0x0  }
0x64: {  	v4 =	vor.u32 v6, v4;
	s24 =	sld [smem:$0x144];
	v10 =	vld.idx.msk [tilespmem:v1+s3+$0x0], $0xffff;
	v1 =	vmov s25  }
0x65: {  	v1 =	vand.u32 $0x7A, v1;
	v0 =	vor.u32 v6, v0  }
0x66: {  	v1 =	vbroadcast v1, $0x0  }
0x67: {  	s28 =	simm.s32 $0x1;
	s25 =	sld [smem:$0x1C4];
	v3 =	vld.idx.msk [tilespmem:v2+s3+$0x0], $0xffff  }
0x68: {  	v2 =	vmov s28;
	s26 =	sld [smem:$0x244];
	v5 =	vld.idx.msk [tilespmem:v5+s3+$0x0], $0xffff;
	v1 =	vor.u32 v6, v1  }
0x69: {  	v4 =	vld.idx.msk [tilespmem:v4+s3+$0x0], $0xffff;
	v2 =	vand.u32 $0x79, v2  }
0x6a: {  	s28 =	sld [smem:$0x2C4];
	v12 =	vld.idx.msk [tilespmem:v0+s3+$0x0], $0xffff;
	v0 =	vbroadcast v2, $0x0  }
0x6b: {  	s29 =	sld [smem:$0x344]  }
0x6c: {  	s30 =	sld [smem:$0x40];
	[tilespmem:$0x1FEF0] =	vst v6;
	v0 =	vor.u32 v6, v0  }
0x6d: {  	v2 =	vld.idx.msk [tilespmem:v1+s3+$0x0], $0xffff;
	s31 =	sld [smem:$0xC0]  }
0x6e: {  	s0 =	sld [smem:$0x140]  }
0x6f: {  	s1 =	sld [smem:$0x1C0]  }
0x70: {  	s2 =	sld [smem:$0x240]  }
0x71: {  	v21 =	vld.idx.msk [tilespmem:v0+s3+$0x0], $0xffff;
	s3 =	sld [smem:$0x2C0]  }
0x72: {  	s4 =	sld [smem:$0x340]  }
0x73: {  	s5 =	sld [smem:$0x3C0]  }
0x74: {  	s6 =	sld [smem:$0x3C4]  }
0x75: {  	s7 =	sld [smem:$0x43]  }
0x76: {  	s8 =	sld [smem:$0xC3]  }
0x77: {  	s9 =	sld [smem:$0x143]  }
0x78: {  	v14 =	vmul.f32 s30, v13;
	s30 =	sld [smem:$0x1C3]  }
0x79: {  	v15 =	vmul.f32 s31, v13;
	s31 =	sld [smem:$0x243]  }
0x7a: {  	v16 =	vmul.f32 s0, v13;
	s0 =	sld [smem:$0x2C3]  }
0x7b: {  	v23 =	vmul.f32 s1, v13;
	s1 =	sld [smem:$0x343]  }
0x7c: {  	v59 =	vmul.f32 s17, v10;
	s17 =	sld [smem:$0x3C3]  }
0x7d: {  	v53 =	vmul.f32 s15, v10;
	s15 =	sld [smem:$0x42]  }
0x7e: {  	v38 =	vmul.f32 s2, v13;
	s2 =	sld [smem:$0xC2]  }
0x7f: {  	v44 =	vmul.f32 s5, v13;
	s5 =	sld [smem:$0x7F4]  }
0x80: {  	v52 =	vmul.f32 s12, v10;
	s12 =	sld [smem:$0x7F5]  }
0x81: {  	v37 =	vmul.f32 s4, v13;
	s4 =	sld [smem:$0x142]  }
0x82: {  	v18 =	vmul.f32 s13, v10;
	s13 =	sld [smem:$0x7F6]  }
0x83: {  	v58 =	vmul.f32 s14, v10;
	s14 =	sld [smem:$0x7F7]  }
0x84: {  	v63 =	vmul.f32 s12, v3;
	s12 =	sld [smem:$0x1C2]  }
0x85: {  	v62 =	vmul.f32 s13, v3;
	s13 =	sld [smem:$0x7F9]  }
0x86: {  	v19 =	vmul.f32 s5, v10;
	s5 =	sld [smem:$0x7F8]  }
0x87: {  	v45 =	vmul.f32 s3, v13;
	s3 =	sld [smem:$0x242]  }
0x88: {  	v26 =	vmul.f32 s13, v3;
	s13 =	sld [smem:$0x7FB]  }
0x89: {  	v61 =	vmul.f32 s14, v3;
	s14 =	sld [smem:$0x7FA];
	_ =	sdelay $0x1  }
0x8a: {  	v22 =	vmul.f32 s13, v3;
	s13 =	sld [smem:$0x2C2]  }
0x8b: {  	v25 =	vmul.f32 s14, v3;
	s14 =	sld [smem:$0x7FC];
	_ =	sdelay $0x2  }
0x8c: {  	v20 =	vmul.f32 s14, v3;
	s14 =	sld [smem:$0x7FD];
	_ =	sdelay $0x2  }
0x8d: {  	v0 =	vmul.f32 s14, v5;
	_ =	sdelay $0x1  }
0x8e: {  	[tilespmem:$0x1FF00] =	vst v0;
	v0 =	vmul.f32 s11, v5;
	_ =	sdelay $0x1  }
0x8f: {  	s14 =	sld [smem:$0x342];
	[tilespmem:$0x1FF10] =	vst v0;
	v0 =	vmul.f32 s18, v5;
	_ =	sdelay $0x1  }
0x90: {  	[tilespmem:$0x1FF20] =	vst v0;
	v0 =	vmul.f32 s19, v5;
	_ =	sdelay $0x1  }
0x91: {  	v60 =	vmul.f32 s5, v3;
	s5 =	sld [smem:$0x3C2];
	[tilespmem:$0x1FF30] =	vst v0  }
0x92: {  	s19 =	sld [smem:$0x41]  }
0x93: {  	v29 =	vmul.f32 s20, v5;
	s20 =	sld [smem:$0xC1]  }
0x94: {  	v8 =	vmul.f32 s22, v4;
	s22 =	sld [smem:$0x141]  }
0x95: {  	v7 =	vmul.f32 s24, v4;
	s24 =	sld [smem:$0x1C1]  }
0x96: {  	v30 =	vmul.f32 s10, v5;
	s10 =	sld [smem:$0x241]  }
0x97: {  	s11 =	sld [smem:$0x2C1]  }
0x98: {  	v40 =	vmul.f32 s7, v12;
	s7 =	sld [smem:$0x341]  }
0x99: {  	v31 =	vmul.f32 s6, v4;
	s6 =	sld [smem:$0x3C1]  }
0x9a: {  	v36 =	vmul.f32 s28, v4;
	s28 =	sld [smem:$0x0]  }
0x9b: {  	v33 =	vmul.f32 s29, v4;
	s29 =	sld [smem:$0x80]  }
0x9c: {  	v55 =	vmul.f32 s30, v12;
	s30 =	sld [smem:$0x100]  }
0x9d: {  	v50 =	vmul.f32 s31, v12;
	s31 =	sld [smem:$0x180]  }
0x9e: {  	v41 =	vmul.f32 s8, v12;
	s8 =	sld [smem:$0x1]  }
0x9f: {  	v54 =	vmul.f32 s9, v12;
	s9 =	sld [smem:$0x81];
	v17 =	vld [tilespmem:$0x1FF70]  }
0xa0: {  	v48 =	vmul.f32 v13, v13;
	_ =	sdelay $0x1  }
0xa1: {  	v34 =	vmul.f32 s28, v48;
	_ =	sdelay $0x1  }
0xa2: {  	v13 =	vmul.f32 s15, v2;
	s15 =	sld [smem:$0x101];
	v34 =	vadd.f32 v34, v17;
	v17 =	vld [tilespmem:$0x1FF80];
	_ =	sdelay $0x2  }
0xa3: {  	v39 =	vmul.f32 s29, v48;
	_ =	sdelay $0x1  }
0xa4: {  	v39 =	vadd.f32 v39, v17;
	v17 =	vld [tilespmem:$0x1FF90];
	_ =	sdelay $0x2  }
0xa5: {  	v42 =	vmul.f32 s30, v48;
	_ =	sdelay $0x1  }
0xa6: {  	v47 =	vmul.f32 s17, v12;
	s17 =	sld [smem:$0x181];
	v42 =	vadd.f32 v42, v17;
	v17 =	vld [tilespmem:$0x1FFA0]  }
0xa7: {  	v28 =	vmul.f32 s16, v5;
	v27 =	vmul.f32 s21, v5  }
0xa8: {  	v9 =	vmul.f32 s23, v4;
	v35 =	vmul.f32 s26, v4  }
0xa9: {  	v49 =	vmul.f32 v21, v21;
	v43 =	vmul.f32 s31, v48  }
0xaa: {  	v1 =	vmul.f32 s25, v4;
	v0 =	vmul.f32 s13, v2  }
0xab: {  	v56 =	vmul.f32 s19, v21;
	v57 =	vmul.f32 s8, v49;
	v43 =	vadd.f32 v43, v17  }
0xac: {  	v14 =	vadd.f32 v14, v34;
	v15 =	vadd.f32 v15, v39;
	v39 =	vmul.f32 s9, v49  }
0xad: {  	s18 =	sld [smem:$0x2];
	v16 =	vadd.f32 v16, v42;
	v23 =	vadd.f32 v23, v43;
	v43 =	vmul.f32 s15, v49  }
0xae: {  	v14 =	vadd.f32 v57, v14;
	v15 =	vadd.f32 v39, v15;
	v39 =	vmul.f32 v2, v2;
	s21 =	sld [smem:$0x82]  }
0xaf: {  	v42 =	vmul.f32 s20, v21;
	v16 =	vadd.f32 v43, v16;
	v43 =	vmul.f32 s22, v21;
	s22 =	sld [smem:$0x102]  }
0xb0: {  	v51 =	vmul.f32 s0, v12;
	v34 =	vmul.f32 s24, v21;
	v14 =	vadd.f32 v56, v14;
	s23 =	sld [smem:$0x182]  }
0xb1: {  	v15 =	vadd.f32 v42, v15;
	v42 =	vmul.f32 s18, v39;
	s24 =	sld [smem:$0x3];
	[tilespmem:$0x1FF40] =	vst v0;
	v0 =	vmul.f32 s14, v2  }
0xb2: {  	v46 =	vmul.f32 s1, v12;
	v57 =	vmul.f32 s17, v49  }
0xb3: {  	v24 =	vmul.f32 s2, v2;
	v14 =	vadd.f32 v42, v14;
	s25 =	sld [smem:$0x83];
	[tilespmem:$0x1FF50] =	vst v0;
	v0 =	vmul.f32 s5, v2  }
0xb4: {  	v32 =	vmul.f32 s4, v2;
	v56 =	vmul.f32 s12, v2;
	v23 =	vadd.f32 v57, v23  }
0xb5: {  	v13 =	vadd.f32 v13, v14;
	v16 =	vadd.f32 v43, v16;
	v43 =	vmul.f32 s21, v39;
	[tilespmem:$0x1FF60] =	vst v0  }
0xb6: {  	v23 =	vadd.f32 v34, v23;
	v34 =	vmul.f32 v12, v12;
	v57 =	vmul.f32 s22, v39;
	s26 =	sld [smem:$0x103]  }
0xb7: {  	v42 =	vmul.f32 s23, v39;
	v12 =	vadd.f32 v43, v15;
	v43 =	vmul.f32 s3, v2;
	s28 =	sld [smem:$0x183]  }
0xb8: {  	v2 =	vmul.f32 s10, v21;
	v15 =	vadd.f32 v57, v16;
	v14 =	vmul.f32 s24, v34;
	s29 =	sld [smem:$0x4]  }
0xb9: {  	v16 =	vadd.f32 v42, v23;
	v12 =	vadd.f32 v24, v12;
	v57 =	vmul.f32 s25, v34;
	s30 =	sld [smem:$0x84]  }
0xba: {  	v24 =	vmul.f32 v5, v5;
	v23 =	vmul.f32 v3, v3;
	v13 =	vadd.f32 v14, v13;
	s31 =	sld [smem:$0x104]  }
0xbb: {  	v16 =	vadd.f32 v56, v16;
	v42 =	vadd.f32 v57, v12;
	v14 =	vmul.f32 s28, v34;
	s1 =	sld [smem:$0x184]  }
0xbc: {  	v5 =	vmul.f32 s7, v21;
	v15 =	vadd.f32 v32, v15;
	v3 =	vmul.f32 s26, v34;
	s0 =	sld [smem:$0x5]  }
0xbd: {  	v32 =	vmul.f32 v4, v4;
	v14 =	vadd.f32 v14, v16;
	v16 =	vadd.f32 v41, v42;
	s2 =	sld [smem:$0x85];
	v41 =	vld [tilespmem:$0x1FFB0]  }
0xbe: {  	v4 =	vmul.f32 s11, v21;
	v56 =	vadd.f32 v3, v15;
	v3 =	vmul.f32 s6, v21;
	v42 =	vld [tilespmem:$0x1FFC0]  }
0xbf: {  	v12 =	vmul.f32 s29, v32;
	v21 =	vmul.f32 v10, v10;
	v17 =	vld [tilespmem:$0x1FFD0]  }
0xc0: {  	s22 =	simm.s32 $0x200;
	s26 =	simm.s32 $0x8;
	v15 =	vadd.f32 v40, v13;
	v13 =	vmul.f32 s30, v32;
	v57 =	vmul.f32 s31, v32;
	v40 =	vld [tilespmem:$0x1FFE0]  }
.LBB2_3:
0xc1: {  	s17 =	sld [smem:s22+$0xFFFFFF05]  }
0xc2: {  	s18 =	sld [smem:s22+$0xFFFFFF85]  }
0xc3: {  	s19 =	sld [smem:s22+$0xFFFFFE06]  }
0xc4: {  	s20 =	sld [smem:s22+$0xFFFFFE86]  }
0xc5: {  	s21 =	sld [smem:s22+$0xFFFFFF06]  }
0xc6: {  	s23 =	sld [smem:s22+$0xFFFFFF86]  }
0xc7: {  	s24 =	sld [smem:s22+$0xFFFFFE07]  }
0xc8: {  	s25 =	sld [smem:s22+$0xFFFFFE87];
	v14 =	vadd.f32 v55, v14;
	v55 =	vmul.f32 s1, v32  }
0xc9: {  	s28 =	sld [smem:s22+$0xFFFFFF07]  }
0xca: {  	s29 =	sld [smem:s22+$0xFFFFFF87];
	v14 =	vadd.f32 v55, v14  }
0xcb: {  	s3 =	sld [smem:s22+$0x0];
	v54 =	vadd.f32 v54, v56;
	v13 =	vadd.f32 v13, v16  }
0xcc: {  	s30 =	sld [smem:s22+$0x80];
	v6 =	vadd.f32 v1, v14;
	v1 =	vld [tilespmem:$0x1FF10]  }
0xcd: {  	s31 =	sld [smem:s22+$0x100];
	v16 =	vadd.f32 v57, v54;
	v57 =	vmul.f32 s2, v24;
	v9 =	vadd.f32 v9, v13  }
0xce: {  	s4 =	sld [smem:s22+$0x1]  }
0xcf: {  	s5 =	sld [smem:s22+$0x81];
	v9 =	vadd.f32 v57, v9  }
0xd0: {  	v0 =	vld [tilespmem:$0x1FF00];
	s6 =	sld [smem:s22+$0x101];
	v12 =	vadd.f32 v12, v15  }
0xd1: {  	s7 =	sld [smem:s22+$0x181];
	v15 =	vmul.f32 s0, v24;
	v1 =	vadd.f32 v1, v9;
	v9 =	vld [tilespmem:$0x1FF20]  }
0xd2: {  	s8 =	sld [smem:s22+$0x2];
	v8 =	vadd.f32 v8, v12;
	v12 =	vmul.f32 s17, v24;
	v7 =	vadd.f32 v7, v16  }
0xd3: {  	s9 =	sld [smem:s22+$0x82]  }
0xd4: {  	s10 =	sld [smem:s22+$0x102];
	v8 =	vadd.f32 v15, v8;
	v7 =	vadd.f32 v12, v7  }
0xd5: {  	s11 =	sld [smem:s22+$0x182]  }
0xd6: {  	s12 =	sld [smem:s22+$0x3];
	v14 =	vmul.f32 s19, v23;
	v0 =	vadd.f32 v0, v8;
	v7 =	vadd.f32 v9, v7;
	v9 =	vld [tilespmem:$0x1FF30]  }
0xd7: {  	s13 =	sld [smem:s22+$0x83];
	v13 =	vmul.f32 s18, v24  }
0xd8: {  	s14 =	sld [smem:s22+$0x103];
	v12 =	vmul.f32 s20, v23;
	v0 =	vadd.f32 v14, v0  }
0xd9: {  	s15 =	sld [smem:s22+$0x183];
	v8 =	vmul.f32 s21, v23;
	v6 =	vadd.f32 v13, v6  }
0xda: {  	s16 =	sld [smem:s22+$0x4];
	v0 =	vadd.f32 v63, v0;
	v1 =	vadd.f32 v12, v1;
	v12 =	vmul.f32 s24, v21  }
0xdb: {  	s17 =	sld [smem:s22+$0x84];
	v7 =	vadd.f32 v8, v7;
	v6 =	vadd.f32 v9, v6;
	v9 =	vmul.f32 s23, v23  }
0xdc: {  	s18 =	sld [smem:s22+$0x104];
	v1 =	vadd.f32 v62, v1;
	v0 =	vadd.f32 v12, v0;
	v8 =	vmul.f32 s25, v21  }
0xdd: {  	s19 =	sld [smem:s22+$0x184];
	v7 =	vadd.f32 v61, v7;
	v6 =	vadd.f32 v9, v6;
	v9 =	vmul.f32 s28, v21  }
0xde: {  	s20 =	sld [smem:s22+$0x5];
	v0 =	vadd.f32 v59, v0;
	v1 =	vadd.f32 v8, v1  }
0xdf: {  	s21 =	sld [smem:s22+$0x85];
	v13 =	vmul.f32 s29, v21;
	v6 =	vadd.f32 v60, v6;
	v7 =	vadd.f32 v9, v7  }
0xe0: {  	s29 =	sld [smem:s22+$0x106];
	[tilespmem:$0x1FE10] =	vst v0;
	v0 =	vadd.f32 v58, v1  }
0xe1: {  	v14 =	vmul.f32 s3, v48;
	s3 =	sld [smem:s22+$0x180];
	v6 =	vadd.f32 v13, v6;
	v1 =	vadd.f32 v53, v7  }
0xe2: {  	s24 =	sld [smem:s22+$0x185];
	v8 =	vmul.f32 s30, v48;
	v9 =	vmul.f32 s31, v48  }
0xe3: {  	v12 =	vmul.f32 s6, v49;
	s6 =	sld [smem:s22+$0x147];
	[tilespmem:$0x1FE30] =	vst v1;
	v1 =	vadd.f32 v52, v6  }
0xe4: {  	s25 =	sld [smem:s22+$0x6];
	v6 =	vadd.f32 v8, v42;
	v8 =	vadd.f32 v9, v17  }
0xe5: {  	s30 =	sld [smem:s22+$0x186];
	[tilespmem:$0x1FE40] =	vst v1;
	v1 =	vadd.f32 v14, v41  }
0xe6: {  	s23 =	sld [smem:s22+$0x105];
	[tilespmem:$0x1FE20] =	vst v0;
	v0 =	vmul.f32 s3, v48;
	v7 =	vmul.f32 s4, v49;
	v8 =	vadd.f32 v37, v8  }
0xe7: {  	s28 =	sld [smem:s22+$0x86];
	v9 =	vmul.f32 s5, v49;
	v6 =	vadd.f32 v45, v6;
	v1 =	vadd.f32 v38, v1  }
0xe8: {  	s3 =	sld [smem:s22+$0x87];
	v0 =	vadd.f32 v0, v40;
	v8 =	vadd.f32 v12, v8  }
0xe9: {  	s31 =	sld [smem:s22+$0x7];
	v6 =	vadd.f32 v9, v6;
	v1 =	vadd.f32 v7, v1  }
0xea: {  	v13 =	vmul.f32 s7, v49;
	s4 =	sld [smem:s22+$0x107];
	v0 =	vadd.f32 v44, v0;
	v5 =	vadd.f32 v5, v8  }
0xeb: {  	s7 =	sld [smem:s22+$0x1C7];
	v1 =	vadd.f32 v2, v1;
	v2 =	vadd.f32 v4, v6;
	v4 =	vmul.f32 s10, v39  }
0xec: {  	s5 =	sld [smem:s22+$0x187];
	s22 =	sadd.s32 $0x8, s22;
	v7 =	vmul.f32 s8, v39  }
0xed: {  	v0 =	vadd.f32 v13, v0;
	s1 =	sld [smem:s22+$0xFFFFFE40];
	v4 =	vadd.f32 v4, v5;
	v5 =	vld [tilespmem:$0x1FF40]  }
0xee: {  	s2 =	sld [smem:s22+$0xFFFFFEC0];
	v1 =	vadd.f32 v7, v1;
	v7 =	vld [tilespmem:$0x1FF50]  }
0xef: {  	s0 =	sld [smem:s22+$0x140];
	v0 =	vadd.f32 v3, v0;
	v9 =	vmul.f32 s9, v39  }
0xf0: {  	v3 =	vmul.f32 s11, v39;
	s11 =	sld [smem:s22+$0xFFFFFFC7];
	v6 =	vmul.f32 s12, v34;
	v1 =	vadd.f32 v43, v1  }
0xf1: {  	s9 =	sld [smem:s22+$0xFFFFFEC7];
	v2 =	vadd.f32 v9, v2  }
0xf2: {  	v0 =	vadd.f32 v3, v0;
	v3 =	vmul.f32 s13, v34;
	s13 =	sld [smem:s22+$0x46];
	v1 =	vadd.f32 v6, v1  }
0xf3: {  	s8 =	sld [smem:s22+$0xFFFFFE47];
	v2 =	vadd.f32 v5, v2;
	v4 =	vadd.f32 v7, v4;
	v7 =	vld [tilespmem:$0x1FF60]  }
0xf4: {  	[dreg:$0xb] =	wrdreg s11;
	v5 =	vmul.f32 s14, v34  }
0xf5: {  	s11 =	sld [smem:s22+$0xC5];
	v1 =	vadd.f32 v50, v1;
	v2 =	vadd.f32 v3, v2;
	v3 =	vmul.f32 s16, v32  }
0xf6: {  	[dreg:$0x7] =	wrdreg s9;
	v6 =	vmul.f32 s18, v32;
	v4 =	vadd.f32 v5, v4  }
0xf7: {  	s9 =	sld [smem:s22+$0xFFFFFFC5];
	v5 =	vmul.f32 s17, v32;
	v2 =	vadd.f32 v51, v2;
	v1 =	vadd.f32 v3, v1  }
0xf8: {  	s10 =	sld [smem:s22+$0xFFFFFF47];
	v4 =	vadd.f32 v46, v4;
	v0 =	vadd.f32 v7, v0;
	v7 =	vmul.f32 s15, v34  }
0xf9: {  	s12 =	sld [smem:s22+$0x47];
	v3 =	vmul.f32 s20, v24;
	v2 =	vadd.f32 v5, v2;
	v1 =	vadd.f32 v35, v1  }
0xfa: {  	[dreg:$0xf] =	wrdreg s13;
	v4 =	vadd.f32 v6, v4;
	v5 =	vmul.f32 s21, v24;
	v0 =	vadd.f32 v7, v0  }
0xfb: {  	s13 =	sld [smem:s22+$0xFFFFFEC4];
	v6 =	vmul.f32 s23, v24;
	v2 =	vadd.f32 v36, v2;
	v1 =	vadd.f32 v3, v1  }
0xfc: {  	[dreg:$0x5] =	wrdreg s8;
	v7 =	vmul.f32 s19, v32;
	v4 =	vadd.f32 v33, v4;
	v0 =	vadd.f32 v47, v0  }
0xfd: {  	s8 =	sld [smem:s22+$0xFFFFFF45];
	v3 =	vmul.f32 s25, v23;
	v2 =	vadd.f32 v5, v2;
	v1 =	vadd.f32 v29, v1  }
0xfe: {  	[dreg:$0x9] =	wrdreg s10;
	v4 =	vadd.f32 v6, v4;
	v5 =	vmul.f32 s28, v23;
	v0 =	vadd.f32 v7, v0  }
0xff: {  	[dreg:$0xd] =	wrdreg s12;
	v6 =	vmul.f32 s29, v23;
	v2 =	vadd.f32 v30, v2;
	v1 =	vadd.f32 v3, v1  }
0x100: {  	s10 =	sld [smem:s22+$0x45];
	v7 =	vmul.f32 s24, v24;
	v4 =	vadd.f32 v28, v4;
	v0 =	vadd.f32 v31, v0  }
0x101: {  	s12 =	sld [smem:s22+$0x145];
	v3 =	vmul.f32 s31, v21;
	v2 =	vadd.f32 v5, v2;
	v1 =	vadd.f32 v26, v1  }
0x102: {  	s14 =	sld [smem:s22+$0xFFFFFEC6];
	v4 =	vadd.f32 v6, v4;
	v0 =	vadd.f32 v7, v0  }
0x103: {  	s15 =	sld [smem:s22+$0x146];
	v5 =	vmul.f32 s3, v21;
	v2 =	vadd.f32 v25, v2;
	v1 =	vadd.f32 v3, v1  }
0x104: {  	s17 =	sld [smem:s22+$0xC7];
	v6 =	vmul.f32 s4, v21;
	v4 =	vadd.f32 v22, v4;
	v0 =	vadd.f32 v27, v0  }
0x105: {  	s25 =	sld [smem:s22+$0xC6];
	v7 =	vmul.f32 s30, v23;
	v2 =	vadd.f32 v5, v2;
	v1 =	vadd.f32 v18, v1  }
0x106: {  	[dreg:$0x10] =	wrdreg s15;
	v4 =	vadd.f32 v6, v4  }
0x107: {  	s15 =	sld [smem:s22+$0x1C5];
	v3 =	vmul.f32 s6, v10;
	v0 =	vadd.f32 v7, v0;
	[tilespmem:$0x1FE60] =	vst v1;
	v1 =	vadd.f32 v19, v2  }
0x108: {  	v8 =	vld [tilespmem:$0x1FEF0];
	s20 =	sadd.s32 $0x5, s26;
	s24 =	sld [smem:s22+$0xFFFFFFC6];
	v7 =	vmul.f32 s5, v21  }
0x109: {  	s18 =	sadd.s32 $0x7, s26;
	s31 =	sld [smem:s22+$0xFFFFFF46];
	v0 =	vadd.f32 v20, v0;
	[tilespmem:$0x1FE50] =	vst v1;
	v1 =	vadd.f32 v3, v4;
	v4 =	vmov s20  }
0x10a: {  	s4 =	sld [smem:s22+$0xC4];
	v5 =	vmul.f32 s7, v10;
	v2 =	vmov s18;
	v4 =	vand.u32 $0x7D, v4  }
0x10b: {  	s19 =	sadd.s32 $0x4, s26;
	s3 =	sld [smem:s22+$0xFFFFFFC0];
	v2 =	vand.u32 $0x7F, v2;
	v0 =	vadd.f32 v7, v0;
	v4 =	vbroadcast v4, $0x0  }
0x10c: {  	s30 =	sld [smem:s22+$0xFFFFFE46];
	v3 =	vmov s19;
	v2 =	vbroadcast v2, $0x0  }
0x10d: {  	s16 =	sadd.s32 $0x6, s26;
	s23 =	sadd.s32 $0x2, s26;
	s6 =	sld [smem:s22+$0xFFFFFE45];
	v3 =	vand.u32 $0x7C, v3;
	v0 =	vadd.f32 v5, v0;
	v4 =	vor.u32 v8, v4  }
0x10e: {  	s7 =	sld [smem:s22+$0xFFFFFEC5];
	v6 =	vmov s23;
	[tilespmem:$0x1FE90] =	vst v1;
	v1 =	vmov s16;
	v3 =	vbroadcast v3, $0x0  }
0x10f: {  	s23 =	sld [smem:s22+$0x40];
	v2 =	vor.u32 v8, v2;
	v1 =	vand.u32 $0x7E, v1;
	[tilespmem:$0x1FE80] =	vst v0;
	v0 =	vmov s26  }
0x110: {  	s5 =	sld [smem:s22+$0x1C6];
	v1 =	vbroadcast v1, $0x0;
	v3 =	vor.u32 v8, v3;
	v0 =	vand.u32 $0x78, v0  }
0x111: {  	s29 =	simm.s32 $0x0;
	s18 =	sld [smem:s22+$0xFFFFFE44];
	v0 =	vbroadcast v0, $0x0  }
0x112: {  	s21 =	sadd.s32 $0x3, s26;
	s19 =	sld [smem:s22+$0xFFFFFF44];
	v1 =	vor.u32 v8, v1;
	v4 =	vld.idx.msk [tilespmem:v4+s29+$0x0], $0xffff  }
0x113: {  	s28 =	sadd.s32 $0x1, s26;
	v6 =	vand.u32 $0x7A, v6;
	s20 =	sld [smem:s22+$0x44];
	v5 =	vmov s21;
	v0 =	vor.u32 v8, v0  }
0x114: {  	v6 =	vbroadcast v6, $0x0;
	v7 =	vmov s28;
	s28 =	sld [smem:s22+$0xFFFFFF40];
	v5 =	vand.u32 $0x7B, v5;
	v10 =	vld.idx.msk [tilespmem:v2+s29+$0x0], $0xffff  }
0x115: {  	s16 =	sld [smem:s22+$0x144];
	v5 =	vbroadcast v5, $0x0;
	v2 =	vand.u32 $0x79, v7;
	v14 =	vld.idx.msk [tilespmem:v3+s29+$0x0], $0xffff  }
0x116: {  	v6 =	vor.u32 v8, v6;
	s21 =	sld [smem:s22+$0xFFFFFFC4];
	v2 =	vbroadcast v2, $0x0  }
0x117: {  	v5 =	vor.u32 v8, v5;
	v1 =	vld.idx.msk [tilespmem:v1+s29+$0x0], $0xffff;
	v45 =	vmul.f32 s11, v4;
	s11 =	sld [smem:s22+$0x42]  }
0x118: {  	v3 =	vor.u32 v8, v2;
	v0 =	vld.idx.msk [tilespmem:v0+s29+$0x0], $0xffff;
	v42 =	vmul.f32 s12, v4;
	s12 =	sld [smem:s22+$0xC2]  }
0x119: {  	v44 =	vmul.f32 s15, v4;
	s15 =	sld [smem:s22+$0x142]  }
0x11a: {  	v8 =	vmul.f32 s18, v14;
	s18 =	sld [smem:s22+$0x1C2]  }
0x11b: {  	v2 =	vld.idx.msk [tilespmem:v6+s29+$0x0], $0xffff;
	v9 =	vmul.f32 s13, v14;
	v7 =	vmul.f32 s19, v14;
	s19 =	sld [smem:s22+$0xFFFFFE41]  }
0x11c: {  	v5 =	vld.idx.msk [tilespmem:v5+s29+$0x0], $0xffff;
	v35 =	vmul.f32 s20, v14;
	v59 =	vmul.f32 s16, v14;
	s20 =	sld [smem:s22+$0xFFFFFEC1]  }
0x11d: {  	v3 =	vld.idx.msk [tilespmem:v3+s29+$0x0], $0xffff;
	s29 =	sld [smem:s22+$0xC0];
	v62 =	vmul.f32 s14, v1;
	v48 =	vmul.f32 v0, v0  }
0x11e: {  	v12 =	vmul.f32 s1, v0;
	v56 =	vmul.f32 s28, v0;
	s28 =	sld [smem:s22+$0x1C0]  }
0x11f: {  	s13 =	sld [smem:s22+$0xFFFFFF80];
	v13 =	vmul.f32 s2, v0;
	v6 =	vmul.f32 s23, v0  }
0x120: {  	s16 =	sld [smem:s22+$0xFFFFFF01];
	v57 =	vmul.f32 s3, v0;
	v11 =	vmul.f32 s29, v0  }
0x121: {  	s14 =	sld [smem:s22+$0x143];
	[tilespmem:$0x1FEE0] =	vst v6;
	v6 =	vmul.f32 s0, v0;
	v0 =	vmul.f32 s28, v0  }
0x122: {  	s28 =	rddreg [dreg:$0x5]  }
0x123: {  	[tilespmem:$0x1FE70] =	vst v0;
	v0 =	vmul.f32 s28, v10;
	s28 =	rddreg [dreg:$0x9]  }
0x124: {  	v53 =	vmul.f32 s28, v10;
	s28 =	rddreg [dreg:$0xb]  }
0x125: {  	v23 =	vmul.f32 v1, v1;
	v37 =	vmul.f32 s28, v10;
	s28 =	rddreg [dreg:$0xd]  }
0x126: {  	v60 =	vmul.f32 s24, v1;
	s24 =	sld [smem:s22+$0x1C3];
	[tilespmem:$0x1FEC0] =	vst v6;
	v6 =	vmul.f32 s28, v10  }
0x127: {  	v63 =	vmul.f32 s30, v1;
	v61 =	vmul.f32 s31, v1;
	s31 =	rddreg [dreg:$0xf]  }
0x128: {  	v40 =	vmul.f32 s25, v1;
	s25 =	sld [smem:s22+$0xFFFFFE42];
	[tilespmem:$0x1FEB0] =	vst v6;
	v6 =	vmul.f32 s17, v10  }
0x129: {  	s30 =	rddreg [dreg:$0x10];
	v38 =	vmul.f32 s5, v1;
	v41 =	vmul.f32 s31, v1  }
0x12a: {  	s31 =	sld [smem:s22+$0xFFFFFEC2];
	[tilespmem:$0x1FEA0] =	vst v6;
	v6 =	vmul.f32 s30, v1;
	v1 =	vmul.f32 s6, v4  }
0x12b: {  	v43 =	vmul.f32 s11, v2;
	s11 =	sld [smem:s22+$0xFFFFFF00]  }
0x12c: {  	s3 =	sld [smem:s22+$0x1C4];
	[tilespmem:$0x1FF00] =	vst v1;
	v1 =	vmul.f32 s7, v4  }
0x12d: {  	v24 =	vmul.f32 v4, v4;
	s2 =	sld [smem:s22+$0xFFFFFE43]  }
0x12e: {  	v32 =	vmul.f32 v14, v14;
	s1 =	sld [smem:s22+$0xFFFFFF43];
	[tilespmem:$0x1FF10] =	vst v1;
	v1 =	vmul.f32 s8, v4  }
0x12f: {  	v36 =	vmul.f32 s4, v14;
	v39 =	vmul.f32 v2, v2;
	s29 =	rddreg [dreg:$0x7]  }
0x130: {  	v34 =	vmul.f32 v5, v5;
	[tilespmem:$0x1FF20] =	vst v1;
	v1 =	vmul.f32 s9, v4;
	s9 =	sld [smem:s22+$0xFFFFFFC2]  }
0x131: {  	s23 =	sld [smem:s22+$0xFFFFFFC3];
	v46 =	vmul.f32 s14, v5;
	v47 =	vmul.f32 s24, v5  }
0x132: {  	v33 =	vld [tilespmem:$0x1FE30];
	s14 =	sld [smem:s22+$0xFFFFFE01];
	v49 =	vmul.f32 v3, v3;
	v58 =	vmul.f32 s29, v10  }
0x133: {  	v31 =	vld [tilespmem:$0x1FE10];
	v17 =	vmul.f32 s31, v2;
	v19 =	vmul.f32 s9, v2;
	s9 =	sld [smem:s22+$0xFFFFFE00]  }
0x134: {  	s24 =	sld [smem:s22+$0xFFFFFE83];
	v20 =	vmul.f32 s19, v3;
	v22 =	vmul.f32 s20, v3  }
0x135: {  	s29 =	sld [smem:s22+$0x43];
	v29 =	vmul.f32 s11, v48;
	v30 =	vmul.f32 s13, v48  }
0x136: {  	v52 =	vmul.f32 s3, v14;
	s28 =	sld [smem:s22+$0xFFFFFFC1];
	v27 =	vmul.f32 s9, v48  }
0x137: {  	v15 =	vmul.f32 s2, v5;
	v54 =	vmul.f32 s1, v5;
	v29 =	vadd.f32 v29, v33;
	v33 =	vld [tilespmem:$0x1FE40];
	s17 =	sld [smem:s22+$0xC3]  }
0x138: {  	v55 =	vmul.f32 s23, v5;
	[tilespmem:$0x1FED0] =	vst v6;
	v6 =	vmul.f32 s10, v4;
	s10 =	sld [smem:s22+$0xFFFFFE80];
	v27 =	vadd.f32 v27, v31;
	v31 =	vld [tilespmem:$0x1FE20]  }
0x139: {  	v50 =	vmul.f32 s29, v5;
	v26 =	vmul.f32 s28, v3;
	s7 =	sld [smem:s22+$0xFFFFFF42]  }
0x13a: {  	s31 =	sld [smem:s22+$0x141];
	v51 =	vmul.f32 s17, v5;
	v4 =	vmul.f32 s12, v2  }
0x13b: {  	v28 =	vmul.f32 s10, v48;
	[tilespmem:$0x1FF30] =	vst v1;
	v1 =	vmul.f32 s21, v14;
	s21 =	sld [smem:s22+$0xFFFFFF41]  }
0x13c: {  	v30 =	vadd.f32 v30, v33;
	v18 =	vmul.f32 s7, v2;
	[tilespmem:$0x1FF40] =	vst v4;
	v4 =	vmul.f32 s15, v2;
	s15 =	sld [smem:s22+$0xFFFFFE81]  }
0x13d: {  	s17 =	sld [smem:s22+$0xFFFFFF81];
	v14 =	vmul.f32 s25, v2;
	v2 =	vmul.f32 s18, v2;
	v28 =	vadd.f32 v28, v31  }
0x13e: {  	s18 =	sld [smem:s22+$0xFFFFFE02];
	v25 =	vmul.f32 s21, v3;
	v12 =	vadd.f32 v12, v27;
	v31 =	vmul.f32 s14, v49  }
0x13f: {  	s19 =	sld [smem:s22+$0xFFFFFE82];
	v33 =	vmul.f32 s15, v49;
	v13 =	vadd.f32 v13, v28;
	v28 =	vadd.f32 v56, v29  }
0x140: {  	s20 =	sld [smem:s22+$0xFFFFFF02];
	v27 =	vmul.f32 s16, v49;
	v29 =	vadd.f32 v57, v30;
	v12 =	vadd.f32 v31, v12  }
0x141: {  	s23 =	sld [smem:s22+$0xFFFFFE03];
	v56 =	vmul.f32 s17, v49;
	v31 =	vmul.f32 s18, v39;
	v13 =	vadd.f32 v33, v13  }
0x142: {  	s21 =	sld [smem:s22+$0xFFFFFF82];
	v30 =	vmovc v45;
	v45 =	vmovc v11;
	v11 =	vmul.f32 s19, v39;
	v27 =	vadd.f32 v27, v28;
	v12 =	vadd.f32 v20, v12  }
0x143: {  	s0 =	sld [smem:s22+$0xFFFFFEC3];
	v33 =	vmovc v59;
	v59 =	vmovc v0;
	v0 =	vadd.f32 v56, v29;
	v20 =	vmul.f32 s20, v39;
	v13 =	vadd.f32 v22, v13  }
0x144: {  	s29 =	sld [smem:s22+$0x41];
	v22 =	vadd.f32 v25, v27;
	v12 =	vadd.f32 v31, v12;
	v27 =	vmul.f32 s23, v34  }
0x145: {  	s25 =	sld [smem:s22+$0xFFFFFF03];
	v25 =	vadd.f32 v26, v0;
	v28 =	vmovc v42;
	v42 =	vld [tilespmem:$0x1FE50];
	v0 =	vmul.f32 s21, v39;
	v13 =	vadd.f32 v11, v13  }
0x146: {  	v16 =	vmul.f32 s0, v5;
	s28 =	sld [smem:s22+$0xFFFFFF83];
	v26 =	vmovc v41;
	v41 =	vld [tilespmem:$0x1FE60];
	v20 =	vadd.f32 v20, v22;
	v12 =	vadd.f32 v14, v12  }
0x147: {  	s30 =	sld [smem:s22+$0xC1];
	v5 =	vmul.f32 s31, v3;
	v31 =	vmovc v52;
	v52 =	vmovc v37;
	v37 =	vld [tilespmem:$0x1FEC0];
	v22 =	vadd.f32 v0, v25;
	v13 =	vadd.f32 v17, v13  }
0x148: {  	s31 =	sld [smem:s22+$0xFFFFFF04];
	v29 =	vmovc v6;
	v14 =	vmul.f32 s25, v34;
	v17 =	vadd.f32 v18, v20;
	v6 =	vadd.f32 v27, v12;
	v27 =	vmovc v44;
	v44 =	vld [tilespmem:$0x1FE70]  }
0x149: {  	p1 =	slt.u32 s26, $0x38;
	s7 =	sld [smem:s22+$0x1C1];
	v18 =	vadd.f32 v19, v22;
	v19 =	vmul.f32 s28, v34;
	v25 =	vmov v40;
	v40 =	vld [tilespmem:$0x1FE80]  }
.Ltmp0:
0x14a: {  	[tilespmem:$0x1FF60] =	vst v2;
	v2 =	vmul.f32 s29, v3;
	s29 =	sld [smem:s22+$0xFFFFFE04];
	v0 =	vmul.f32 s24, v34;
	v56 =	vadd.f32 v14, v17;
	v17 =	vld [tilespmem:$0x1FE90];
	(pc) =	sbr.rel @p1 .LBB2_3-.Ltmp0, $4  }
0x14b: {  	[tilespmem:$0x1FF50] =	vst v4;
	v4 =	vmul.f32 s30, v3;
	s30 =	sld [smem:s22+$0xFFFFFE84];
	v14 =	vadd.f32 v19, v18;
	v19 =	vld [tilespmem:$0x1FEA0]  }
0x14c: {  	v21 =	vmul.f32 v10, v10;
	s1 =	sld [smem:s22+$0xFFFFFF84];
	v3 =	vmul.f32 s7, v3;
	v22 =	vadd.f32 v0, v13;
	v18 =	vld [tilespmem:$0x1FEB0]  }
0x14d: {  	s2 =	sld [smem:s22+$0xFFFFFE85];
	v57 =	vmul.f32 s31, v32;
	v12 =	vmul.f32 s29, v32;
	v20 =	vmov v38;
	v38 =	vld [tilespmem:$0x1FEE0]  }
0x14e: {  	s26 =	sadd.s32 $0x8, s26;
	s0 =	sld [smem:s22+$0xFFFFFE05];
	v13 =	vmul.f32 s30, v32;
	v15 =	vadd.f32 v15, v6;
	v16 =	vadd.f32 v16, v22;
	v22 =	vld [tilespmem:$0x1FED0]  }
0x14f: {  	v11 =	vadd.f32 v54, v56  }
0x150: {  	s3 =	sld [smem:s22+$0xFFFFFF05];
	v13 =	vadd.f32 v13, v16  }
0x151: {  	v14 =	vadd.f32 v55, v14;
	v55 =	vmul.f32 s1, v32;
	v11 =	vadd.f32 v57, v11  }
0x152: {  	s13 =	sld [smem:s22+$0xFFFFFF85];
	v16 =	vld [tilespmem:$0x1FF10];
	v57 =	vmul.f32 s2, v24;
	v9 =	vadd.f32 v9, v13  }
0x153: {  	s15 =	sld [smem:s22+$0xFFFFFE86];
	v14 =	vadd.f32 v55, v14;
	v55 =	vld [tilespmem:$0x1FF20];
	v0 =	vmul.f32 s3, v24;
	v7 =	vadd.f32 v7, v11  }
0x154: {  	s17 =	sld [smem:s22+$0xFFFFFF86];
	v12 =	vadd.f32 v12, v15;
	v9 =	vadd.f32 v57, v9;
	v57 =	vld [tilespmem:$0x1FF30]  }
0x155: {  	s16 =	sld [smem:s22+$0xFFFFFF06];
	v6 =	vadd.f32 v1, v14;
	v1 =	vmul.f32 s13, v24;
	v7 =	vadd.f32 v0, v7;
	v0 =	vld [tilespmem:$0x1FF00]  }
0x156: {  	s19 =	sld [smem:s22+$0xFFFFFE87];
	v56 =	vmul.f32 s0, v24;
	v8 =	vadd.f32 v8, v12;
	v54 =	vmul.f32 s15, v23  }
0x157: {  	s14 =	sld [smem:s22+$0xFFFFFE06];
	v15 =	vmul.f32 s17, v23;
	v6 =	vadd.f32 v1, v6;
	v1 =	vadd.f32 v16, v9  }
0x158: {  	s24 =	sld [smem:s22+$0x80];
	v8 =	vadd.f32 v56, v8;
	v56 =	vmul.f32 s16, v23;
	v7 =	vadd.f32 v55, v7  }
0x159: {  	s20 =	sld [smem:s22+$0xFFFFFF07];
	v1 =	vadd.f32 v54, v1;
	v54 =	vmul.f32 s19, v21;
	v6 =	vadd.f32 v57, v6  }
0x15a: {  	s23 =	sld [smem:s22+$0x0];
	v7 =	vadd.f32 v56, v7;
	v0 =	vadd.f32 v0, v8;
	v8 =	vmul.f32 s14, v23  }
0x15b: {  	s21 =	sld [smem:s22+$0xFFFFFF87];
	v1 =	vadd.f32 v62, v1;
	v62 =	vmul.f32 s24, v48;
	v6 =	vadd.f32 v15, v6  }
0x15c: {  	s18 =	sld [smem:s22+$0xFFFFFE07];
	v55 =	vmul.f32 s20, v21;
	v7 =	vadd.f32 v61, v7;
	v0 =	vadd.f32 v8, v0  }
0x15d: {  	s25 =	sld [smem:s22+$0x100];
	v61 =	vmul.f32 s23, v48;
	v1 =	vadd.f32 v54, v1;
	v8 =	vadd.f32 v62, v42  }
0x15e: {  	s26 =	sld [smem:s22+$0x180];
	v56 =	vmul.f32 s21, v21;
	v6 =	vadd.f32 v60, v6;
	v57 =	vadd.f32 v55, v7  }
0x15f: {  	s28 =	sld [smem:s22+$0x1];
	v11 =	vadd.f32 v61, v41;
	v0 =	vadd.f32 v63, v0  }
0x160: {  	v16 =	vmul.f32 s18, v21;
	v8 =	vadd.f32 v45, v8;
	v60 =	vadd.f32 v56, v6  }
0x161: {  	s30 =	sld [smem:s22+$0x101];
	v63 =	vmul.f32 s25, v48;
	v6 =	vadd.f32 v58, v1;
	v11 =	vadd.f32 v38, v11  }
0x162: {  	s29 =	sld [smem:s22+$0x81];
	v38 =	vmul.f32 s28, v49;
	v0 =	vadd.f32 v16, v0;
	v16 =	vmul.f32 s26, v48  }
0x163: {  	s31 =	sld [smem:s22+$0x181];
	v9 =	vadd.f32 v63, v17;
	v1 =	vadd.f32 v52, v60  }
0x164: {  	s2 =	sld [smem:s22+$0x82];
	v41 =	vmul.f32 s30, v49;
	v11 =	vadd.f32 v38, v11;
	v12 =	vadd.f32 v16, v40  }
0x165: {  	s1 =	sld [smem:s22+$0x2];
	v7 =	vadd.f32 v59, v0;
	v9 =	vadd.f32 v37, v9;
	v40 =	vmul.f32 s29, v49  }
0x166: {  	s4 =	sld [smem:s22+$0x102];
	v42 =	vmul.f32 s31, v49;
	v0 =	vadd.f32 v53, v57;
	v12 =	vadd.f32 v44, v12  }
0x167: {  	s5 =	sld [smem:s22+$0x182];
	v54 =	vld [tilespmem:$0x1FF50];
	v45 =	vmul.f32 s2, v39;
	v8 =	vadd.f32 v40, v8;
	v9 =	vadd.f32 v41, v9  }
0x168: {  	s7 =	sld [smem:s22+$0x83];
	v52 =	vld [tilespmem:$0x1FF40];
	v2 =	vadd.f32 v2, v11;
	v44 =	vmul.f32 s1, v39;
	v12 =	vadd.f32 v42, v12  }
0x169: {  	s6 =	sld [smem:s22+$0x3];
	v56 =	vld [tilespmem:$0x1FF60];
	v48 =	vmul.f32 s4, v39;
	v4 =	vadd.f32 v4, v8;
	v5 =	vadd.f32 v5, v9  }
0x16a: {  	s8 =	sld [smem:s22+$0x103];
	v49 =	vmul.f32 s5, v39;
	v2 =	vadd.f32 v44, v2;
	v3 =	vadd.f32 v3, v12  }
0x16b: {  	s9 =	sld [smem:s22+$0x183];
	v55 =	vmul.f32 s7, v34;
	v4 =	vadd.f32 v45, v4;
	v5 =	vadd.f32 v48, v5  }
0x16c: {  	s12 =	sld [smem:s22+$0x104];
	v53 =	vmul.f32 s6, v34;
	v2 =	vadd.f32 v43, v2;
	v3 =	vadd.f32 v49, v3  }
0x16d: {  	s10 =	sld [smem:s22+$0x4];
	v57 =	vmul.f32 s8, v34;
	v4 =	vadd.f32 v52, v4;
	v5 =	vadd.f32 v54, v5  }
0x16e: {  	s11 =	sld [smem:s22+$0x84];
	v58 =	vmul.f32 s9, v34;
	v2 =	vadd.f32 v53, v2;
	v3 =	vadd.f32 v56, v3  }
0x16f: {  	s13 =	sld [smem:s22+$0x184];
	v61 =	vmul.f32 s12, v32;
	v4 =	vadd.f32 v55, v4;
	v5 =	vadd.f32 v57, v5  }
0x170: {  	s14 =	sld [smem:s22+$0x5];
	v59 =	vmul.f32 s10, v32;
	v2 =	vadd.f32 v50, v2;
	v3 =	vadd.f32 v58, v3  }
0x171: {  	s16 =	sld [smem:s22+$0x105];
	v60 =	vmul.f32 s11, v32;
	v4 =	vadd.f32 v51, v4;
	v5 =	vadd.f32 v46, v5  }
0x172: {  	s15 =	sld [smem:s22+$0x85];
	v62 =	vmul.f32 s13, v32;
	v2 =	vadd.f32 v59, v2;
	v3 =	vadd.f32 v47, v3  }
0x173: {  	s17 =	sld [smem:s22+$0x185];
	v63 =	vmul.f32 s14, v24;
	v4 =	vadd.f32 v60, v4;
	v5 =	vadd.f32 v61, v5  }
0x174: {  	s18 =	sld [smem:s22+$0x6];
	v17 =	vmul.f32 s16, v24;
	v2 =	vadd.f32 v35, v2;
	v3 =	vadd.f32 v62, v3  }
0x175: {  	s20 =	sld [smem:s22+$0x106];
	v16 =	vmul.f32 s15, v24;
	v4 =	vadd.f32 v36, v4;
	v5 =	vadd.f32 v33, v5  }
0x176: {  	s19 =	sld [smem:s22+$0x86];
	v24 =	vmul.f32 s17, v24;
	v2 =	vadd.f32 v63, v2;
	v3 =	vadd.f32 v31, v3  }
0x177: {  	s21 =	sld [smem:s22+$0x186];
	v4 =	vadd.f32 v16, v4;
	v5 =	vadd.f32 v17, v5  }
0x178: {  	s23 =	sld [smem:s22+$0x7];
	v32 =	vmul.f32 s20, v23;
	v2 =	vadd.f32 v29, v2;
	v3 =	vadd.f32 v24, v3  }
0x179: {  	s26 =	sld [smem:s22+$0x187];
	v31 =	vmul.f32 s19, v23;
	v4 =	vadd.f32 v30, v4;
	v30 =	vmul.f32 s18, v23  }
0x17a: {  	s24 =	sld [smem:s22+$0x87];
	v33 =	vmul.f32 s21, v23;
	v5 =	vadd.f32 v28, v5;
	v3 =	vadd.f32 v27, v3  }
0x17b: {  	s25 =	sld [smem:s22+$0x107];
	v34 =	vmul.f32 s23, v21;
	v2 =	vadd.f32 v30, v2;
	v4 =	vadd.f32 v31, v4  }
0x17c: {  	s28 =	sld [smem:s22+$0x147];
	v37 =	vmul.f32 s26, v21;
	v5 =	vadd.f32 v32, v5;
	v3 =	vadd.f32 v33, v3  }
0x17d: {  	s29 =	sld [smem:s22+$0x1C7];
	v35 =	vmul.f32 s24, v21;
	v2 =	vadd.f32 v26, v2;
	v4 =	vadd.f32 v25, v4  }
0x17e: {  	v36 =	vmul.f32 s25, v21;
	v5 =	vadd.f32 v22, v5;
	v3 =	vadd.f32 v20, v3  }
0x17f: {  	v38 =	vmul.f32 s28, v10;
	v2 =	vadd.f32 v34, v2;
	v4 =	vadd.f32 v35, v4  }
0x180: {  	v39 =	vmul.f32 s29, v10;
	v5 =	vadd.f32 v36, v5;
	v3 =	vadd.f32 v37, v3  }
0x181: {  	v2 =	vadd.f32 v18, v2;
	v4 =	vadd.f32 v19, v4  }
0x182: {  	v5 =	vadd.f32 v38, v5;
	v3 =	vadd.f32 v39, v3  }
0x183: {  	v40 =	vmax.f32 v7, v6  }
0x184: {  	v41 =	vmax.f32 v0, v1;
	v42 =	vmax.f32 v2, v4;
	v43 =	vmax.f32 v5, v3  }
0x185: {  	v8 =	vmax.f32 v40, v41;
	v44 =	vmax.f32 v42, v43  }
0x186: {  	v8 =	vmax.f32 v8, v44  }
0x187: {  	v7 =	vsub.f32 v7, v8;
	_ =	sdelay $0x1  }
0x188: {  	v6 =	vsub.f32 v6, v8;
	v7 =	vmul.f32 $1.442695020e+00, v7;
	_ =	sdelay $0x1  }
0x189: {  	v0 =	vsub.f32 v0, v8;
	v6 =	vmul.f32 $1.442695020e+00, v6;
	(erf) = vpow2.f32 v7;
	_ =	sdelay $0x1  }
0x18a: {  	v1 =	vsub.f32 v1, v8;
	v0 =	vmul.f32 $1.442695020e+00, v0;
	(erf) = vpow2.f32 v6;
	_ =	sdelay $0x1  }
0x18b: {  	v46 =	vsub.f32 v2, v8;
	v45 =	vmul.f32 $1.442695020e+00, v1;
	(erf) = vpow2.f32 v0;
	_ =	sdelay $0x1  }
0x18c: {  	v48 =	vsub.f32 v4, v8;
	v47 =	vmul.f32 $1.442695020e+00, v46;
	(erf) = vpow2.f32 v45;
	_ =	sdelay $0x1  }
0x18d: {  	v50 =	vsub.f32 v5, v8;
	v1 =	vmul.f32 $1.442695020e+00, v48;
	(erf) = vpow2.f32 v47  }
0x18e: {  	v52 =	vsub.f32 v3, v8;
	v49 =	vpop (erf)  }
0x18f: {  	v51 =	vmul.f32 $1.442695020e+00, v50;
	(erf) = vpow2.f32 v1;
	v0 =	vadd.f32 $0.0e+00, v49  }
0x190: {  	v53 =	vpop (erf)  }
0x191: {  	v54 =	vmul.f32 $1.442695020e+00, v52;
	(erf) = vpow2.f32 v51;
	v0 =	vadd.f32 v0, v53  }
0x192: {  	v55 =	vpop (erf)  }
0x193: {  	(erf) = vpow2.f32 v54;
	v0 =	vadd.f32 v0, v55  }
0x194: {  	v56 =	vpop (erf)  }
0x195: {  	v0 =	vadd.f32 v0, v56  }
0x196: {  	v57 =	vpop (erf)  }
0x197: {  	v0 =	vadd.f32 v0, v57  }
0x198: {  	v58 =	vpop (erf)  }
0x199: {  	v0 =	vadd.f32 v0, v58  }
0x19a: {  	v59 =	vpop (erf)  }
0x19b: {  	v0 =	vadd.f32 v0, v59  }
0x19c: {  	v60 =	vpop (erf)  }
0x19d: {  	v0 =	vadd.f32 v0, v60;
	_ =	sdelay $0x1  }
0x19e: {  	v1 =	vand.u32 $0x7FFFFF, v0  }
0x19f: {  	v1 =	vor.u32 $0x3F800000, v1  }
0x1a0: {  	v61 =	vmul.f32 $5.000000000e-01, v1  }
0x1a1: {  	vm0 =	vgt.f32 v1, $1.414213540e+00  }
0x1a2: {  	v1 =	vsel vm0, v61, v1  }
0x1a3: {  	v1 =	vadd.f32 $-1.000000000e+00, v1;
	_ =	sdelay $0x1  }
0x1a4: {  	v62 =	vmul.f32 $1.144843550e-01, v1;
	_ =	sdelay $0x1  }
0x1a5: {  	v2 =	vadd.f32 $-1.862769720e-01, v62;
	_ =	sdelay $0x1  }
0x1a6: {  	v2 =	vmul.f32 v2, v1;
	_ =	sdelay $0x1  }
0x1a7: {  	v2 =	vadd.f32 $2.061178540e-01, v2;
	_ =	sdelay $0x1  }
0x1a8: {  	v2 =	vmul.f32 v2, v1;
	_ =	sdelay $0x1  }
0x1a9: {  	v2 =	vadd.f32 $-2.491120990e-01, v2;
	_ =	sdelay $0x1  }
0x1aa: {  	v2 =	vmul.f32 v2, v1;
	_ =	sdelay $0x1  }
0x1ab: {  	v2 =	vadd.f32 $3.330481350e-01, v2;
	_ =	sdelay $0x1  }
0x1ac: {  	v2 =	vmul.f32 v2, v1;
	_ =	sdelay $0x1  }
0x1ad: {  	v2 =	vadd.f32 $-5.000129340e-01, v2;
	_ =	sdelay $0x1  }
0x1ae: {  	v2 =	vmul.f32 v2, v1  }
0x1af: {  	v63 =	vimm.s32 $0xFFFFFF81  }
0x1b0: {  	v0 =	vshrl.u32 v0, $0x17;
	v3 =	vsel vm0, $0xFFFFFF82, v63;
	v2 =	vadd.f32 $1.000003100e+00, v2  }
0x1b1: {  	v0 =	vadd.s32 v0, v3  }
0x1b2: {  	v0 =	vcvt.s32.f32 v0;
	v1 =	vmul.f32 v2, v1  }
0x1b3: {  	s30 =	rddreg [dreg:$0x1c]  }
0x1b4: {  	s0 =	sadd.s32 $0x1, s30;
	v0 =	vmul.f32 $6.931471820e-01, v0;
	v1 =	vadd.f32 $3.342326950e-08, v1  }
0x1b5: {  	p1 =	sne.s32 s0, $0x10  }
.Ltmp1:
0x1b6: {  	v0 =	vadd.f32 v1, v0;
	(pc) =	sbr.rel @p1 .LBB2_2-.Ltmp1, $4  }
0x1b7: {  	_ = 	snop  }
0x1b8: {  	v0 =	vadd.f32 v0, v8  }
0x1b9: {  	s31 =	rddreg [dreg:$0x1e]  }
0x1ba: {  	[tilespmem:s31+$0x10000] =	vst v0  }
0x1bb: {  	s2 =	simm.s32 $0x0  }
0x1bc: {  	s0 =	rddreg [dreg:$0x16];
	s1 =	simm.s32 $0x10000;
	s28 =	simm.s32 $0x3  }
0x1bd: {  	[hbm4b:s0+s2] =	stream.linear.scatter [tilespmem:s1], [sflag:$0x3], $0x100, $0x38;
	[tilespmem:$0x10148] =	vst v63  }
0x1be: {  	_ =	swait.ge [sflag:s28], $0x100  }
0x1bf: {  	[sflag:s28] =	ssyncset.done $0x0  }
0x1c0: {  	s29 =	simm.s32 $0x2;
	[sflag:s28] =	ssyncadd.s32 $0xFFFFFF00  }
0x1c1: {  	_ =	swait.ge [sflag:s29], $0x8000  }
0x1c2: {  	[sflag:s29] =	ssyncset.done $0x0  }
0x1c3: {  	[sflag:s29] =	ssyncadd.s32 $0xFFFF8000  }
0x1c4: {  	s0 =	sld [smem:$0x400]  }
0x1c5: {  	s30 =	sld [smem:$0x401]  }
0x1c6: {  	s31 =	sld [smem:$0x402]  }
0x1c7: {  	s3 =	sld [smem:$0x403];
	v0 =	vmov s0  }
0x1c8: {  	s4 =	sld [smem:$0x404];
	v57 =	vmov s30;
	[tilespmem:$0x1FD90] =	vst v0  }
0x1c9: {  	s5 =	sld [smem:$0x405];
	v58 =	vmov s31;
	[tilespmem:$0x1FDA0] =	vst v57  }
0x1ca: {  	s6 =	sld [smem:$0x406];
	v59 =	vmov s3;
	[tilespmem:$0x1FDB0] =	vst v58  }
0x1cb: {  	s7 =	sld [smem:$0x407];
	v60 =	vmov s4;
	[tilespmem:$0x1FDC0] =	vst v59  }
0x1cc: {  	v61 =	vmov s5;
	[tilespmem:$0x1FDD0] =	vst v60  }
0x1cd: {  	v62 =	vmov s6;
	[tilespmem:$0x1FDE0] =	vst v61  }
0x1ce: {  	v63 =	vmov s7;
	[tilespmem:$0x1FDF0] =	vst v62  }
0x1cf: {  	s0 =	simm.s32 $0x0;
	[tilespmem:$0x1FE00] =	vst v63  }
.LBB2_6:
0x1d0: {  	s18 =	sld [smem:$0x47]  }
0x1d1: {  	s14 =	sld [smem:$0xC7]  }
0x1d2: {  	s15 =	sld [smem:$0x147]  }
0x1d3: {  	s12 =	sld [smem:$0x1C7]  }
0x1d4: {  	s13 =	sld [smem:$0x247]  }
0x1d5: {  	s10 =	sld [smem:$0x2C7]  }
0x1d6: {  	s1 =	sld [smem:$0x46];
	_ =	sdelay $0x2  }
0x1d7: {  	[smem:$0x7EA] =	sst s1  }
0x1d8: {  	s1 =	sld [smem:$0xC6];
	_ =	sdelay $0x2  }
0x1d9: {  	[smem:$0x7EB] =	sst s1  }
0x1da: {  	s1 =	sld [smem:$0x146];
	_ =	sdelay $0x2  }
0x1db: {  	[smem:$0x7EC] =	sst s1  }
0x1dc: {  	s1 =	sld [smem:$0x1C6];
	_ =	sdelay $0x2  }
0x1dd: {  	[smem:$0x7ED] =	sst s1  }
0x1de: {  	s1 =	sld [smem:$0x246];
	_ =	sdelay $0x2  }
0x1df: {  	[smem:$0x7EE] =	sst s1  }
0x1e0: {  	s1 =	sld [smem:$0x2C6];
	_ =	sdelay $0x2  }
0x1e1: {  	[smem:$0x7EF] =	sst s1  }
0x1e2: {  	s1 =	sld [smem:$0x346];
	_ =	sdelay $0x2  }
0x1e3: {  	[smem:$0x7F0] =	sst s1  }
0x1e4: {  	s1 =	sld [smem:$0x3C6];
	_ =	sdelay $0x1  }
0x1e5: {  	[dreg:$0x1d] =	wrdreg s0  }
0x1e6: {  	[smem:$0x7F1] =	sst s1  }
0x1e7: {  	s8 =	sld [smem:$0x45]  }
0x1e8: {  	s6 =	sshll.u32 s0, $0x4  }
0x1e9: {  	[dreg:$0x1f] =	wrdreg s6  }
0x1ea: {  	[smem:$0x7F2] =	sst s8  }
0x1eb: {  	s0 =	sld [smem:$0xC5];
	_ =	sdelay $0x2  }
0x1ec: {  	[smem:$0x7F3] =	sst s0  }
0x1ed: {  	s17 =	sld [smem:$0x145];
	v2 =	vld [tilespmem:$0x1FFF0]  }
0x1ee: {  	s7 =	simm.s32 $0x0  }
0x1ef: {  	v0 =	vmov s7  }
0x1f0: {  	v1 =	vmov s6;
	v0 =	vand.u32 $0x78, v0  }
0x1f1: {  	s4 =	simm.s32 $0x7;
	v1 =	vshll.u32 v1, $0x7;
	v0 =	vbroadcast v0, $0x0  }
0x1f2: {  	v6 =	vor.u32 v2, v1;
	v1 =	vmov s4  }
0x1f3: {  	s19 =	sld [smem:$0x1C5];
	v1 =	vand.u32 $0x7F, v1;
	v0 =	vor.u32 v6, v0  }
0x1f4: {  	s9 =	simm.s32 $0x6;
	s20 =	sld [smem:$0x245];
	v1 =	vbroadcast v1, $0x0  }
0x1f5: {  	s21 =	simm.s32 $0x5;
	s11 =	sld [smem:$0x2C5];
	v2 =	vmov s9  }
0x1f6: {  	s22 =	simm.s32 $0x4;
	v3 =	vmov s21;
	s16 =	sld [smem:$0x345];
	v2 =	vand.u32 $0x7E, v2;
	v1 =	vor.u32 v6, v1  }
0x1f7: {  	s23 =	simm.s32 $0x3;
	s3 =	simm.s32 $0x8000;
	v4 =	vmov s22;
	v3 =	vand.u32 $0x7D, v3;
	s21 =	sld [smem:$0x3C5];
	v2 =	vbroadcast v2, $0x0  }
0x1f8: {  	v4 =	vand.u32 $0x7C, v4;
	v3 =	vbroadcast v3, $0x0;
	s22 =	sld [smem:$0x44];
	v13 =	vld.idx.msk [tilespmem:v0+s3+$0x0], $0xffff;
	v0 =	vmov s23  }
0x1f9: {  	v4 =	vbroadcast v4, $0x0;
	v2 =	vor.u32 v6, v2;
	v0 =	vand.u32 $0x7B, v0  }
0x1fa: {  	s25 =	simm.s32 $0x2;
	v5 =	vor.u32 v6, v3;
	s23 =	sld [smem:$0xC4];
	v0 =	vbroadcast v0, $0x0  }
0x1fb: {  	v4 =	vor.u32 v6, v4;
	s24 =	sld [smem:$0x144];
	v10 =	vld.idx.msk [tilespmem:v1+s3+$0x0], $0xffff;
	v1 =	vmov s25  }
0x1fc: {  	v1 =	vand.u32 $0x7A, v1;
	v0 =	vor.u32 v6, v0  }
0x1fd: {  	v1 =	vbroadcast v1, $0x0  }
0x1fe: {  	s28 =	simm.s32 $0x1;
	s25 =	sld [smem:$0x1C4];
	v3 =	vld.idx.msk [tilespmem:v2+s3+$0x0], $0xffff  }
0x1ff: {  	v2 =	vmov s28;
	s26 =	sld [smem:$0x244];
	v5 =	vld.idx.msk [tilespmem:v5+s3+$0x0], $0xffff;
	v1 =	vor.u32 v6, v1  }
0x200: {  	v4 =	vld.idx.msk [tilespmem:v4+s3+$0x0], $0xffff;
	v2 =	vand.u32 $0x79, v2  }
0x201: {  	s28 =	sld [smem:$0x2C4];
	v12 =	vld.idx.msk [tilespmem:v0+s3+$0x0], $0xffff;
	v0 =	vbroadcast v2, $0x0  }
0x202: {  	s29 =	sld [smem:$0x344]  }
0x203: {  	s30 =	sld [smem:$0x40];
	[tilespmem:$0x1FD10] =	vst v6;
	v0 =	vor.u32 v6, v0  }
0x204: {  	v2 =	vld.idx.msk [tilespmem:v1+s3+$0x0], $0xffff;
	s31 =	sld [smem:$0xC0]  }
0x205: {  	s0 =	sld [smem:$0x140]  }
0x206: {  	s1 =	sld [smem:$0x1C0]  }
0x207: {  	s2 =	sld [smem:$0x240]  }
0x208: {  	v21 =	vld.idx.msk [tilespmem:v0+s3+$0x0], $0xffff;
	s3 =	sld [smem:$0x2C0]  }
0x209: {  	s4 =	sld [smem:$0x340]  }
0x20a: {  	s5 =	sld [smem:$0x3C0]  }
0x20b: {  	s6 =	sld [smem:$0x3C4]  }
0x20c: {  	s7 =	sld [smem:$0x43]  }
0x20d: {  	s8 =	sld [smem:$0xC3]  }
0x20e: {  	s9 =	sld [smem:$0x143]  }
0x20f: {  	v14 =	vmul.f32 s30, v13;
	s30 =	sld [smem:$0x1C3]  }
0x210: {  	v15 =	vmul.f32 s31, v13;
	s31 =	sld [smem:$0x243]  }
0x211: {  	v16 =	vmul.f32 s0, v13;
	s0 =	sld [smem:$0x2C3]  }
0x212: {  	v23 =	vmul.f32 s1, v13;
	s1 =	sld [smem:$0x343]  }
0x213: {  	v59 =	vmul.f32 s18, v10;
	s18 =	sld [smem:$0x3C3]  }
0x214: {  	v58 =	vmul.f32 s14, v10;
	s14 =	sld [smem:$0x42]  }
0x215: {  	v53 =	vmul.f32 s15, v10;
	s15 =	sld [smem:$0xC2]  }
0x216: {  	v19 =	vmul.f32 s10, v10;
	s10 =	sld [smem:$0x7EA]  }
0x217: {  	v38 =	vmul.f32 s2, v13;
	s2 =	sld [smem:$0x142]  }
0x218: {  	v52 =	vmul.f32 s12, v10;
	s12 =	sld [smem:$0x7EB]  }
0x219: {  	v18 =	vmul.f32 s13, v10;
	s13 =	sld [smem:$0x7EC]  }
0x21a: {  	v63 =	vmul.f32 s10, v3;
	s10 =	sld [smem:$0x1C2]  }
0x21b: {  	v37 =	vmul.f32 s4, v13;
	s4 =	sld [smem:$0x7ED]  }
0x21c: {  	v44 =	vmul.f32 s5, v13;
	s5 =	sld [smem:$0x7EE]  }
0x21d: {  	v45 =	vmul.f32 s3, v13;
	s3 =	sld [smem:$0x242]  }
0x21e: {  	v61 =	vmul.f32 s13, v3;
	s13 =	sld [smem:$0x7F0]  }
0x21f: {  	v62 =	vmul.f32 s12, v3;
	s12 =	sld [smem:$0x7EF];
	_ =	sdelay $0x1  }
0x220: {  	v22 =	vmul.f32 s13, v3;
	s13 =	sld [smem:$0x2C2]  }
0x221: {  	v25 =	vmul.f32 s12, v3;
	s12 =	sld [smem:$0x7F2];
	_ =	sdelay $0x2  }
0x222: {  	v0 =	vmul.f32 s12, v5  }
0x223: {  	v26 =	vmul.f32 s5, v3;
	s5 =	sld [smem:$0x7F1]  }
0x224: {  	[tilespmem:$0x1FD20] =	vst v0  }
0x225: {  	s12 =	sld [smem:$0x342]  }
0x226: {  	v20 =	vmul.f32 s5, v3;
	s5 =	sld [smem:$0x7F3];
	_ =	sdelay $0x2  }
0x227: {  	v0 =	vmul.f32 s5, v5;
	_ =	sdelay $0x1  }
0x228: {  	[tilespmem:$0x1FD30] =	vst v0;
	v0 =	vmul.f32 s17, v5;
	_ =	sdelay $0x1  }
0x229: {  	[tilespmem:$0x1FD40] =	vst v0;
	v0 =	vmul.f32 s19, v5;
	_ =	sdelay $0x1  }
0x22a: {  	s5 =	sld [smem:$0x3C2];
	[tilespmem:$0x1FD50] =	vst v0  }
0x22b: {  	s19 =	sld [smem:$0x41]  }
0x22c: {  	v29 =	vmul.f32 s20, v5;
	s20 =	sld [smem:$0xC1]  }
0x22d: {  	v8 =	vmul.f32 s22, v4;
	s22 =	sld [smem:$0x141]  }
0x22e: {  	v7 =	vmul.f32 s24, v4;
	s24 =	sld [smem:$0x1C1]  }
0x22f: {  	v30 =	vmul.f32 s11, v5;
	s11 =	sld [smem:$0x241]  }
0x230: {  	v28 =	vmul.f32 s16, v5;
	s16 =	sld [smem:$0x2C1]  }
0x231: {  	v60 =	vmul.f32 s4, v3;
	s4 =	sld [smem:$0x341]  }
0x232: {  	v31 =	vmul.f32 s6, v4;
	s6 =	sld [smem:$0x3C1]  }
0x233: {  	v36 =	vmul.f32 s28, v4;
	s28 =	sld [smem:$0x0]  }
0x234: {  	v33 =	vmul.f32 s29, v4;
	s29 =	sld [smem:$0x80]  }
0x235: {  	v55 =	vmul.f32 s30, v12;
	s30 =	sld [smem:$0x100]  }
0x236: {  	v50 =	vmul.f32 s31, v12;
	s31 =	sld [smem:$0x180]  }
0x237: {  	v54 =	vmul.f32 s9, v12;
	s9 =	sld [smem:$0x1]  }
0x238: {  	v48 =	vmul.f32 v13, v13;
	v13 =	vmul.f32 s14, v2;
	s14 =	sld [smem:$0x81];
	v17 =	vld [tilespmem:$0x1FD90];
	_ =	sdelay $0x2  }
0x239: {  	v34 =	vmul.f32 s28, v48;
	_ =	sdelay $0x1  }
0x23a: {  	v24 =	vmul.f32 s15, v2;
	s15 =	sld [smem:$0x101];
	v34 =	vadd.f32 v34, v17;
	v17 =	vld [tilespmem:$0x1FDA0];
	_ =	sdelay $0x2  }
0x23b: {  	v39 =	vmul.f32 s29, v48;
	_ =	sdelay $0x1  }
0x23c: {  	v39 =	vadd.f32 v39, v17;
	v17 =	vld [tilespmem:$0x1FDB0];
	_ =	sdelay $0x2  }
0x23d: {  	v42 =	vmul.f32 s30, v48;
	_ =	sdelay $0x1  }
0x23e: {  	v27 =	vmul.f32 s21, v5;
	s17 =	sld [smem:$0x181];
	v42 =	vadd.f32 v42, v17;
	v17 =	vld [tilespmem:$0x1FDC0]  }
0x23f: {  	v9 =	vmul.f32 s23, v4;
	v35 =	vmul.f32 s26, v4  }
0x240: {  	v1 =	vmul.f32 s25, v4;
	v49 =	vmul.f32 v21, v21  }
0x241: {  	v40 =	vmul.f32 s7, v12;
	v43 =	vmul.f32 s31, v48  }
0x242: {  	v47 =	vmul.f32 s18, v12;
	v0 =	vmul.f32 s13, v2  }
0x243: {  	v56 =	vmul.f32 s19, v21;
	v57 =	vmul.f32 s9, v49;
	v43 =	vadd.f32 v43, v17  }
0x244: {  	v14 =	vadd.f32 v14, v34;
	v15 =	vadd.f32 v15, v39;
	v39 =	vmul.f32 s14, v49  }
0x245: {  	s18 =	sld [smem:$0x2];
	v16 =	vadd.f32 v16, v42;
	v23 =	vadd.f32 v23, v43;
	v43 =	vmul.f32 s15, v49  }
0x246: {  	v14 =	vadd.f32 v57, v14;
	v15 =	vadd.f32 v39, v15;
	v39 =	vmul.f32 v2, v2;
	s19 =	sld [smem:$0x82]  }
0x247: {  	v42 =	vmul.f32 s20, v21;
	v16 =	vadd.f32 v43, v16;
	v43 =	vmul.f32 s22, v21;
	s22 =	sld [smem:$0x102]  }
0x248: {  	v41 =	vmul.f32 s8, v12;
	v34 =	vmul.f32 s24, v21;
	v14 =	vadd.f32 v56, v14;
	s23 =	sld [smem:$0x182]  }
0x249: {  	v15 =	vadd.f32 v42, v15;
	v42 =	vmul.f32 s18, v39;
	s24 =	sld [smem:$0x3];
	[tilespmem:$0x1FD60] =	vst v0;
	v0 =	vmul.f32 s12, v2  }
0x24a: {  	v51 =	vmul.f32 s0, v12;
	v57 =	vmul.f32 s17, v49  }
0x24b: {  	v46 =	vmul.f32 s1, v12;
	v14 =	vadd.f32 v42, v14;
	s25 =	sld [smem:$0x83];
	[tilespmem:$0x1FD70] =	vst v0;
	v0 =	vmul.f32 s5, v2  }
0x24c: {  	v32 =	vmul.f32 s2, v2;
	v56 =	vmul.f32 s10, v2;
	v23 =	vadd.f32 v57, v23  }
0x24d: {  	v13 =	vadd.f32 v13, v14;
	v16 =	vadd.f32 v43, v16;
	v43 =	vmul.f32 s19, v39;
	[tilespmem:$0x1FD80] =	vst v0  }
0x24e: {  	v23 =	vadd.f32 v34, v23;
	v34 =	vmul.f32 v12, v12;
	v57 =	vmul.f32 s22, v39;
	s26 =	sld [smem:$0x103]  }
0x24f: {  	v42 =	vmul.f32 s23, v39;
	v12 =	vadd.f32 v43, v15;
	v43 =	vmul.f32 s3, v2;
	s28 =	sld [smem:$0x183]  }
0x250: {  	v2 =	vmul.f32 s11, v21;
	v15 =	vadd.f32 v57, v16;
	v14 =	vmul.f32 s24, v34;
	s29 =	sld [smem:$0x4]  }
0x251: {  	v16 =	vadd.f32 v42, v23;
	v12 =	vadd.f32 v24, v12;
	v57 =	vmul.f32 s25, v34;
	s30 =	sld [smem:$0x84]  }
0x252: {  	v24 =	vmul.f32 v5, v5;
	v23 =	vmul.f32 v3, v3;
	v13 =	vadd.f32 v14, v13;
	s31 =	sld [smem:$0x104]  }
0x253: {  	v16 =	vadd.f32 v56, v16;
	v42 =	vadd.f32 v57, v12;
	v14 =	vmul.f32 s28, v34;
	s1 =	sld [smem:$0x184]  }
0x254: {  	v5 =	vmul.f32 s4, v21;
	v15 =	vadd.f32 v32, v15;
	v3 =	vmul.f32 s26, v34;
	s0 =	sld [smem:$0x5]  }
0x255: {  	v32 =	vmul.f32 v4, v4;
	v14 =	vadd.f32 v14, v16;
	v16 =	vadd.f32 v41, v42;
	s2 =	sld [smem:$0x85];
	v41 =	vld [tilespmem:$0x1FDD0]  }
0x256: {  	v4 =	vmul.f32 s16, v21;
	v56 =	vadd.f32 v3, v15;
	v3 =	vmul.f32 s6, v21;
	v42 =	vld [tilespmem:$0x1FDE0]  }
0x257: {  	v12 =	vmul.f32 s29, v32;
	v21 =	vmul.f32 v10, v10;
	v17 =	vld [tilespmem:$0x1FDF0]  }
0x258: {  	s23 =	simm.s32 $0x200;
	s26 =	simm.s32 $0x8;
	v15 =	vadd.f32 v40, v13;
	v13 =	vmul.f32 s30, v32;
	v57 =	vmul.f32 s31, v32;
	v40 =	vld [tilespmem:$0x1FE00]  }
.LBB2_7:
0x259: {  	s18 =	sld [smem:s23+$0xFFFFFF05]  }
0x25a: {  	s19 =	sld [smem:s23+$0xFFFFFF85]  }
0x25b: {  	s20 =	sld [smem:s23+$0xFFFFFE06]  }
0x25c: {  	s21 =	sld [smem:s23+$0xFFFFFE86]  }
0x25d: {  	s22 =	sld [smem:s23+$0xFFFFFF06]  }
0x25e: {  	s24 =	sld [smem:s23+$0xFFFFFF86]  }
0x25f: {  	s25 =	sld [smem:s23+$0xFFFFFE07]  }
0x260: {  	s28 =	sld [smem:s23+$0xFFFFFE87];
	v14 =	vadd.f32 v55, v14;
	v55 =	vmul.f32 s1, v32  }
0x261: {  	s29 =	sld [smem:s23+$0xFFFFFF07]  }
0x262: {  	s30 =	sld [smem:s23+$0xFFFFFF87];
	v14 =	vadd.f32 v55, v14  }
0x263: {  	s3 =	sld [smem:s23+$0x0];
	v54 =	vadd.f32 v54, v56;
	v13 =	vadd.f32 v13, v16  }
0x264: {  	s31 =	sld [smem:s23+$0x80];
	v6 =	vadd.f32 v1, v14;
	v1 =	vld [tilespmem:$0x1FD30]  }
0x265: {  	s4 =	sld [smem:s23+$0x100];
	v16 =	vadd.f32 v57, v54;
	v57 =	vmul.f32 s2, v24;
	v9 =	vadd.f32 v9, v13  }
0x266: {  	s5 =	sld [smem:s23+$0x180]  }
0x267: {  	s6 =	sld [smem:s23+$0x1];
	v9 =	vadd.f32 v57, v9  }
0x268: {  	v0 =	vld [tilespmem:$0x1FD20];
	s7 =	sld [smem:s23+$0x81];
	v12 =	vadd.f32 v12, v15  }
0x269: {  	s8 =	sld [smem:s23+$0x101];
	v15 =	vmul.f32 s0, v24;
	v1 =	vadd.f32 v1, v9;
	v9 =	vld [tilespmem:$0x1FD40]  }
0x26a: {  	s9 =	sld [smem:s23+$0x181];
	v8 =	vadd.f32 v8, v12;
	v12 =	vmul.f32 s18, v24;
	v7 =	vadd.f32 v7, v16  }
0x26b: {  	s10 =	sld [smem:s23+$0x2]  }
0x26c: {  	s11 =	sld [smem:s23+$0x82];
	v8 =	vadd.f32 v15, v8;
	v7 =	vadd.f32 v12, v7  }
0x26d: {  	s12 =	sld [smem:s23+$0x102]  }
0x26e: {  	s13 =	sld [smem:s23+$0x182];
	v14 =	vmul.f32 s20, v23;
	v0 =	vadd.f32 v0, v8;
	v7 =	vadd.f32 v9, v7;
	v9 =	vld [tilespmem:$0x1FD50]  }
0x26f: {  	s14 =	sld [smem:s23+$0x3];
	v13 =	vmul.f32 s19, v24  }
0x270: {  	s15 =	sld [smem:s23+$0x83];
	v12 =	vmul.f32 s21, v23;
	v0 =	vadd.f32 v14, v0  }
0x271: {  	s16 =	sld [smem:s23+$0x103];
	v8 =	vmul.f32 s22, v23;
	v6 =	vadd.f32 v13, v6  }
0x272: {  	s17 =	sld [smem:s23+$0x183];
	v0 =	vadd.f32 v63, v0;
	v1 =	vadd.f32 v12, v1;
	v12 =	vmul.f32 s25, v21  }
0x273: {  	s18 =	sld [smem:s23+$0x4];
	v7 =	vadd.f32 v8, v7;
	v6 =	vadd.f32 v9, v6;
	v9 =	vmul.f32 s24, v23  }
0x274: {  	s19 =	sld [smem:s23+$0x84];
	v1 =	vadd.f32 v62, v1;
	v0 =	vadd.f32 v12, v0;
	v8 =	vmul.f32 s28, v21  }
0x275: {  	s20 =	sld [smem:s23+$0x104];
	v7 =	vadd.f32 v61, v7;
	v6 =	vadd.f32 v9, v6;
	v9 =	vmul.f32 s29, v21  }
0x276: {  	s21 =	sld [smem:s23+$0x184];
	v0 =	vadd.f32 v59, v0;
	v1 =	vadd.f32 v8, v1  }
0x277: {  	s22 =	sld [smem:s23+$0x5];
	v13 =	vmul.f32 s30, v21;
	v6 =	vadd.f32 v60, v6;
	v7 =	vadd.f32 v9, v7  }
0x278: {  	s30 =	sld [smem:s23+$0x86];
	[tilespmem:$0x1FC30] =	vst v0;
	v0 =	vadd.f32 v58, v1  }
0x279: {  	v14 =	vmul.f32 s3, v48;
	s3 =	sld [smem:s23+$0x186];
	v6 =	vadd.f32 v13, v6;
	v1 =	vadd.f32 v53, v7  }
0x27a: {  	s25 =	sld [smem:s23+$0x105];
	v8 =	vmul.f32 s31, v48;
	v9 =	vmul.f32 s4, v48  }
0x27b: {  	v12 =	vmul.f32 s8, v49;
	s8 =	sld [smem:s23+$0x147];
	[tilespmem:$0x1FC50] =	vst v1;
	v1 =	vadd.f32 v52, v6  }
0x27c: {  	s28 =	sld [smem:s23+$0x185];
	v6 =	vadd.f32 v8, v42;
	v8 =	vadd.f32 v9, v17  }
0x27d: {  	s31 =	sld [smem:s23+$0x106];
	[tilespmem:$0x1FC60] =	vst v1;
	v1 =	vadd.f32 v14, v41  }
0x27e: {  	s24 =	sld [smem:s23+$0x85];
	[tilespmem:$0x1FC40] =	vst v0;
	v0 =	vmul.f32 s5, v48;
	v7 =	vmul.f32 s6, v49;
	v8 =	vadd.f32 v37, v8  }
0x27f: {  	s29 =	sld [smem:s23+$0x6];
	v9 =	vmul.f32 s7, v49;
	v6 =	vadd.f32 v45, v6;
	v1 =	vadd.f32 v38, v1  }
0x280: {  	s5 =	sld [smem:s23+$0x87];
	v0 =	vadd.f32 v0, v40;
	v8 =	vadd.f32 v12, v8  }
0x281: {  	s4 =	sld [smem:s23+$0x7];
	v6 =	vadd.f32 v9, v6;
	v1 =	vadd.f32 v7, v1  }
0x282: {  	v13 =	vmul.f32 s9, v49;
	s6 =	sld [smem:s23+$0x107];
	v0 =	vadd.f32 v44, v0;
	v5 =	vadd.f32 v5, v8  }
0x283: {  	s9 =	sld [smem:s23+$0x1C7];
	v1 =	vadd.f32 v2, v1;
	v2 =	vadd.f32 v4, v6;
	v4 =	vmul.f32 s12, v39  }
0x284: {  	s7 =	sld [smem:s23+$0x187];
	s23 =	sadd.s32 $0x8, s23;
	v7 =	vmul.f32 s10, v39  }
0x285: {  	v0 =	vadd.f32 v13, v0;
	s1 =	sld [smem:s23+$0xFFFFFE40];
	v4 =	vadd.f32 v4, v5;
	v5 =	vld [tilespmem:$0x1FD60]  }
0x286: {  	s2 =	sld [smem:s23+$0xFFFFFEC0];
	v1 =	vadd.f32 v7, v1;
	v7 =	vld [tilespmem:$0x1FD70]  }
0x287: {  	s0 =	sld [smem:s23+$0x140];
	v0 =	vadd.f32 v3, v0;
	v9 =	vmul.f32 s11, v39  }
0x288: {  	v3 =	vmul.f32 s13, v39;
	s13 =	sld [smem:s23+$0xFFFFFFC7];
	v6 =	vmul.f32 s14, v34;
	v1 =	vadd.f32 v43, v1  }
0x289: {  	s11 =	sld [smem:s23+$0xFFFFFEC7];
	v2 =	vadd.f32 v9, v2  }
0x28a: {  	v0 =	vadd.f32 v3, v0;
	v3 =	vmul.f32 s15, v34;
	s15 =	sld [smem:s23+$0xFFFFFF46];
	v1 =	vadd.f32 v6, v1  }
0x28b: {  	s10 =	sld [smem:s23+$0xFFFFFE47];
	v2 =	vadd.f32 v5, v2;
	v4 =	vadd.f32 v7, v4;
	v7 =	vld [tilespmem:$0x1FD80]  }
0x28c: {  	[dreg:$0xc] =	wrdreg s13;
	v5 =	vmul.f32 s16, v34  }
0x28d: {  	s13 =	sld [smem:s23+$0xFFFFFE44];
	v1 =	vadd.f32 v50, v1;
	v2 =	vadd.f32 v3, v2;
	v3 =	vmul.f32 s18, v32  }
0x28e: {  	[dreg:$0x8] =	wrdreg s11;
	v6 =	vmul.f32 s20, v32;
	v4 =	vadd.f32 v5, v4  }
0x28f: {  	s11 =	sld [smem:s23+$0x45];
	v5 =	vmul.f32 s19, v32;
	v2 =	vadd.f32 v51, v2;
	v1 =	vadd.f32 v3, v1  }
0x290: {  	s12 =	sld [smem:s23+$0xFFFFFF47];
	v4 =	vadd.f32 v46, v4;
	v0 =	vadd.f32 v7, v0;
	v7 =	vmul.f32 s17, v34  }
0x291: {  	s14 =	sld [smem:s23+$0x47];
	v3 =	vmul.f32 s22, v24;
	v2 =	vadd.f32 v5, v2;
	v1 =	vadd.f32 v35, v1  }
0x292: {  	[dreg:$0x11] =	wrdreg s15;
	v4 =	vadd.f32 v6, v4;
	v5 =	vmul.f32 s24, v24;
	v0 =	vadd.f32 v7, v0  }
0x293: {  	s15 =	sld [smem:s23+$0x145];
	v6 =	vmul.f32 s25, v24;
	v2 =	vadd.f32 v36, v2;
	v1 =	vadd.f32 v3, v1  }
0x294: {  	[dreg:$0x6] =	wrdreg s10;
	v7 =	vmul.f32 s21, v32;
	v4 =	vadd.f32 v33, v4;
	v0 =	vadd.f32 v47, v0  }
0x295: {  	s10 =	sld [smem:s23+$0xFFFFFFC5];
	v3 =	vmul.f32 s29, v23;
	v2 =	vadd.f32 v5, v2;
	v1 =	vadd.f32 v29, v1  }
0x296: {  	[dreg:$0xa] =	wrdreg s12;
	v4 =	vadd.f32 v6, v4;
	v5 =	vmul.f32 s30, v23;
	v0 =	vadd.f32 v7, v0  }
0x297: {  	[dreg:$0xe] =	wrdreg s14;
	v6 =	vmul.f32 s31, v23;
	v2 =	vadd.f32 v30, v2;
	v1 =	vadd.f32 v3, v1  }
0x298: {  	s16 =	sld [smem:s23+$0x146];
	v7 =	vmul.f32 s28, v24;
	v4 =	vadd.f32 v28, v4;
	v0 =	vadd.f32 v31, v0  }
0x299: {  	s14 =	sld [smem:s23+$0xFFFFFEC6];
	v3 =	vmul.f32 s4, v21;
	v2 =	vadd.f32 v5, v2;
	v1 =	vadd.f32 v26, v1  }
0x29a: {  	s12 =	sld [smem:s23+$0xC5];
	v4 =	vadd.f32 v6, v4;
	v0 =	vadd.f32 v7, v0  }
0x29b: {  	[dreg:$0x12] =	wrdreg s16;
	v5 =	vmul.f32 s5, v21;
	v2 =	vadd.f32 v25, v2;
	v1 =	vadd.f32 v3, v1  }
0x29c: {  	s16 =	sld [smem:s23+$0x144];
	v6 =	vmul.f32 s6, v21;
	v4 =	vadd.f32 v22, v4;
	v0 =	vadd.f32 v27, v0  }
0x29d: {  	s17 =	sld [smem:s23+$0xC6];
	v7 =	vmul.f32 s3, v23;
	v2 =	vadd.f32 v5, v2;
	v1 =	vadd.f32 v18, v1  }
0x29e: {  	s25 =	sld [smem:s23+$0xFFFFFFC6];
	v4 =	vadd.f32 v6, v4  }
0x29f: {  	s29 =	sld [smem:s23+$0xFFFFFE46];
	v3 =	vmul.f32 s8, v10;
	v0 =	vadd.f32 v7, v0;
	[tilespmem:$0x1FC80] =	vst v1;
	v1 =	vadd.f32 v19, v2  }
0x2a0: {  	v8 =	vld [tilespmem:$0x1FD10];
	s21 =	sadd.s32 $0x5, s26;
	s31 =	sld [smem:s23+$0x46];
	v7 =	vmul.f32 s7, v21  }
0x2a1: {  	s19 =	sadd.s32 $0x7, s26;
	s4 =	sld [smem:s23+$0xC4];
	v0 =	vadd.f32 v20, v0;
	[tilespmem:$0x1FC70] =	vst v1;
	v1 =	vadd.f32 v3, v4;
	v4 =	vmov s21  }
0x2a2: {  	s5 =	sld [smem:s23+$0xC7];
	v5 =	vmul.f32 s9, v10;
	v2 =	vmov s19;
	v4 =	vand.u32 $0x7D, v4  }
0x2a3: {  	s20 =	sadd.s32 $0x4, s26;
	s6 =	sld [smem:s23+$0x1C6];
	v2 =	vand.u32 $0x7F, v2;
	v0 =	vadd.f32 v7, v0;
	v4 =	vbroadcast v4, $0x0  }
0x2a4: {  	s3 =	sld [smem:s23+$0xFFFFFFC0];
	v3 =	vmov s20;
	v2 =	vbroadcast v2, $0x0  }
0x2a5: {  	s18 =	sadd.s32 $0x6, s26;
	s24 =	sadd.s32 $0x2, s26;
	s8 =	sld [smem:s23+$0xFFFFFEC5];
	v3 =	vand.u32 $0x7C, v3;
	v0 =	vadd.f32 v5, v0;
	v4 =	vor.u32 v8, v4  }
0x2a6: {  	s9 =	sld [smem:s23+$0xFFFFFF45];
	v6 =	vmov s24;
	[tilespmem:$0x1FCB0] =	vst v1;
	v1 =	vmov s18;
	v3 =	vbroadcast v3, $0x0  }
0x2a7: {  	s24 =	sld [smem:s23+$0x40];
	v2 =	vor.u32 v8, v2;
	v1 =	vand.u32 $0x7E, v1;
	[tilespmem:$0x1FCA0] =	vst v0;
	v0 =	vmov s26  }
0x2a8: {  	s7 =	sld [smem:s23+$0xFFFFFE45];
	v1 =	vbroadcast v1, $0x0;
	v3 =	vor.u32 v8, v3;
	v0 =	vand.u32 $0x78, v0  }
0x2a9: {  	s30 =	simm.s32 $0x8000;
	s19 =	sld [smem:s23+$0xFFFFFEC4];
	v0 =	vbroadcast v0, $0x0  }
0x2aa: {  	s22 =	sadd.s32 $0x3, s26;
	s20 =	sld [smem:s23+$0xFFFFFF44];
	v1 =	vor.u32 v8, v1;
	v4 =	vld.idx.msk [tilespmem:v4+s30+$0x0], $0xffff  }
0x2ab: {  	s28 =	sadd.s32 $0x1, s26;
	v6 =	vand.u32 $0x7A, v6;
	s21 =	sld [smem:s23+$0x44];
	v5 =	vmov s22;
	v0 =	vor.u32 v8, v0  }
0x2ac: {  	v6 =	vbroadcast v6, $0x0;
	v7 =	vmov s28;
	s28 =	sld [smem:s23+$0xFFFFFF40];
	v5 =	vand.u32 $0x7B, v5;
	v10 =	vld.idx.msk [tilespmem:v2+s30+$0x0], $0xffff  }
0x2ad: {  	s18 =	sld [smem:s23+$0x1C5];
	v5 =	vbroadcast v5, $0x0;
	v2 =	vand.u32 $0x79, v7;
	v14 =	vld.idx.msk [tilespmem:v3+s30+$0x0], $0xffff  }
0x2ae: {  	v6 =	vor.u32 v8, v6;
	s22 =	sld [smem:s23+$0xFFFFFFC4];
	v2 =	vbroadcast v2, $0x0  }
0x2af: {  	v5 =	vor.u32 v8, v5;
	v1 =	vld.idx.msk [tilespmem:v1+s30+$0x0], $0xffff;
	v45 =	vmul.f32 s12, v4;
	s12 =	sld [smem:s23+$0x42]  }
0x2b0: {  	v3 =	vor.u32 v8, v2;
	v0 =	vld.idx.msk [tilespmem:v0+s30+$0x0], $0xffff;
	v42 =	vmul.f32 s15, v4;
	s15 =	sld [smem:s23+$0xC2]  }
0x2b1: {  	v44 =	vmul.f32 s18, v4;
	s18 =	sld [smem:s23+$0x142]  }
0x2b2: {  	v9 =	vmul.f32 s19, v14;
	s19 =	sld [smem:s23+$0x1C2]  }
0x2b3: {  	v2 =	vld.idx.msk [tilespmem:v6+s30+$0x0], $0xffff;
	v8 =	vmul.f32 s13, v14;
	v7 =	vmul.f32 s20, v14;
	s20 =	sld [smem:s23+$0xFFFFFE41]  }
0x2b4: {  	v5 =	vld.idx.msk [tilespmem:v5+s30+$0x0], $0xffff;
	v35 =	vmul.f32 s21, v14;
	v59 =	vmul.f32 s16, v14;
	s21 =	sld [smem:s23+$0xFFFFFEC1]  }
0x2b5: {  	v3 =	vld.idx.msk [tilespmem:v3+s30+$0x0], $0xffff;
	s30 =	sld [smem:s23+$0xC0];
	v62 =	vmul.f32 s14, v1;
	v48 =	vmul.f32 v0, v0  }
0x2b6: {  	v12 =	vmul.f32 s1, v0;
	v56 =	vmul.f32 s28, v0;
	s28 =	sld [smem:s23+$0x1C0]  }
0x2b7: {  	s13 =	sld [smem:s23+$0xFFFFFF80];
	v13 =	vmul.f32 s2, v0;
	v6 =	vmul.f32 s24, v0  }
0x2b8: {  	s16 =	sld [smem:s23+$0xFFFFFF01];
	v57 =	vmul.f32 s3, v0;
	v11 =	vmul.f32 s30, v0  }
0x2b9: {  	s14 =	sld [smem:s23+$0x143];
	[tilespmem:$0x1FD00] =	vst v6;
	v6 =	vmul.f32 s0, v0;
	v0 =	vmul.f32 s28, v0  }
0x2ba: {  	s28 =	rddreg [dreg:$0x6]  }
0x2bb: {  	[tilespmem:$0x1FC90] =	vst v0;
	v0 =	vmul.f32 s28, v10;
	s28 =	rddreg [dreg:$0xa]  }
0x2bc: {  	v53 =	vmul.f32 s28, v10;
	s28 =	rddreg [dreg:$0xc]  }
0x2bd: {  	v23 =	vmul.f32 v1, v1;
	v37 =	vmul.f32 s28, v10;
	s28 =	rddreg [dreg:$0xe]  }
0x2be: {  	v63 =	vmul.f32 s29, v1;
	s29 =	rddreg [dreg:$0x11];
	[tilespmem:$0x1FCE0] =	vst v6;
	v6 =	vmul.f32 s28, v10  }
0x2bf: {  	v60 =	vmul.f32 s25, v1;
	s25 =	sld [smem:s23+$0x1C3];
	v41 =	vmul.f32 s31, v1  }
0x2c0: {  	v40 =	vmul.f32 s17, v1;
	s17 =	sld [smem:s23+$0xFFFFFE42];
	[tilespmem:$0x1FCD0] =	vst v6;
	v6 =	vmul.f32 s5, v10  }
0x2c1: {  	v38 =	vmul.f32 s6, v1;
	v61 =	vmul.f32 s29, v1;
	s29 =	rddreg [dreg:$0x12]  }
0x2c2: {  	s31 =	sld [smem:s23+$0xFFFFFEC2];
	[tilespmem:$0x1FCC0] =	vst v6;
	v6 =	vmul.f32 s29, v1;
	v1 =	vmul.f32 s7, v4  }
0x2c3: {  	v43 =	vmul.f32 s12, v2;
	s12 =	sld [smem:s23+$0xFFFFFF00]  }
0x2c4: {  	s3 =	sld [smem:s23+$0x1C4];
	[tilespmem:$0x1FD20] =	vst v1;
	v1 =	vmul.f32 s8, v4  }
0x2c5: {  	v24 =	vmul.f32 v4, v4;
	s2 =	sld [smem:s23+$0xFFFFFE43]  }
0x2c6: {  	v32 =	vmul.f32 v14, v14;
	s1 =	sld [smem:s23+$0xFFFFFF43];
	[tilespmem:$0x1FD30] =	vst v1;
	v1 =	vmul.f32 s9, v4  }
0x2c7: {  	v36 =	vmul.f32 s4, v14;
	v39 =	vmul.f32 v2, v2;
	s30 =	rddreg [dreg:$0x8]  }
0x2c8: {  	v34 =	vmul.f32 v5, v5;
	[tilespmem:$0x1FD40] =	vst v1;
	v1 =	vmul.f32 s10, v4;
	s10 =	sld [smem:s23+$0xFFFFFFC2]  }
0x2c9: {  	s24 =	sld [smem:s23+$0xFFFFFFC3];
	v46 =	vmul.f32 s14, v5;
	v47 =	vmul.f32 s25, v5  }
0x2ca: {  	v33 =	vld [tilespmem:$0x1FC50];
	v17 =	vmul.f32 s31, v2;
	s31 =	sld [smem:s23+$0x141];
	v49 =	vmul.f32 v3, v3  }
0x2cb: {  	v31 =	vld [tilespmem:$0x1FC30];
	v58 =	vmul.f32 s30, v10;
	v19 =	vmul.f32 s10, v2;
	s10 =	sld [smem:s23+$0xFFFFFE00]  }
0x2cc: {  	s30 =	sld [smem:s23+$0x43];
	v20 =	vmul.f32 s20, v3;
	v22 =	vmul.f32 s21, v3  }
0x2cd: {  	s0 =	sld [smem:s23+$0xFFFFFEC3];
	v29 =	vmul.f32 s12, v48;
	v30 =	vmul.f32 s13, v48  }
0x2ce: {  	v52 =	vmul.f32 s3, v14;
	s28 =	sld [smem:s23+$0xFFFFFFC1];
	v27 =	vmul.f32 s10, v48  }
0x2cf: {  	v15 =	vmul.f32 s2, v5;
	v54 =	vmul.f32 s1, v5;
	v29 =	vadd.f32 v29, v33;
	v33 =	vld [tilespmem:$0x1FC60];
	s8 =	sld [smem:s23+$0xFFFFFF42]  }
0x2d0: {  	v55 =	vmul.f32 s24, v5;
	[tilespmem:$0x1FCF0] =	vst v6;
	v6 =	vmul.f32 s11, v4;
	s11 =	sld [smem:s23+$0xFFFFFE80];
	v27 =	vadd.f32 v27, v31;
	v31 =	vld [tilespmem:$0x1FC40]  }
0x2d1: {  	s14 =	sld [smem:s23+$0xFFFFFE01];
	v50 =	vmul.f32 s30, v5;
	v16 =	vmul.f32 s0, v5  }
0x2d2: {  	s25 =	sld [smem:s23+$0xFFFFFF03];
	v26 =	vmul.f32 s28, v3;
	v18 =	vmul.f32 s8, v2  }
0x2d3: {  	v28 =	vmul.f32 s11, v48;
	v4 =	vmul.f32 s15, v2;
	s15 =	sld [smem:s23+$0xFFFFFE81]  }
0x2d4: {  	v30 =	vadd.f32 v30, v33;
	[tilespmem:$0x1FD50] =	vst v1;
	v1 =	vmul.f32 s22, v14;
	s22 =	sld [smem:s23+$0xFFFFFF41];
	v14 =	vmul.f32 s17, v2  }
0x2d5: {  	[tilespmem:$0x1FD60] =	vst v4;
	v4 =	vmul.f32 s18, v2;
	s17 =	sld [smem:s23+$0xFFFFFF81];
	v2 =	vmul.f32 s19, v2;
	v28 =	vadd.f32 v28, v31  }
0x2d6: {  	s18 =	sld [smem:s23+$0xFFFFFE02];
	v33 =	vmul.f32 s15, v49;
	v12 =	vadd.f32 v12, v27;
	v31 =	vmul.f32 s14, v49  }
0x2d7: {  	s19 =	sld [smem:s23+$0xFFFFFE82];
	v25 =	vmul.f32 s22, v3;
	v13 =	vadd.f32 v13, v28;
	v28 =	vadd.f32 v56, v29  }
0x2d8: {  	s20 =	sld [smem:s23+$0xFFFFFF02];
	v27 =	vmul.f32 s16, v49;
	v29 =	vadd.f32 v57, v30;
	v12 =	vadd.f32 v31, v12  }
0x2d9: {  	s22 =	sld [smem:s23+$0xFFFFFE03];
	v56 =	vmul.f32 s17, v49;
	v31 =	vmul.f32 s18, v39;
	v13 =	vadd.f32 v33, v13  }
0x2da: {  	s21 =	sld [smem:s23+$0xFFFFFF82];
	v30 =	vmovc v45;
	v45 =	vmovc v11;
	v11 =	vmul.f32 s19, v39;
	v27 =	vadd.f32 v27, v28;
	v12 =	vadd.f32 v20, v12  }
0x2db: {  	s5 =	sld [smem:s23+$0xC3];
	v33 =	vmovc v59;
	v59 =	vmovc v0;
	v0 =	vadd.f32 v56, v29;
	v20 =	vmul.f32 s20, v39;
	v13 =	vadd.f32 v22, v13  }
0x2dc: {  	s24 =	sld [smem:s23+$0xFFFFFE83];
	v22 =	vadd.f32 v25, v27;
	v12 =	vadd.f32 v31, v12;
	v27 =	vmul.f32 s22, v34  }
0x2dd: {  	s30 =	sld [smem:s23+$0xC1];
	v25 =	vadd.f32 v26, v0;
	v28 =	vmovc v42;
	v42 =	vld [tilespmem:$0x1FC70];
	v0 =	vmul.f32 s21, v39;
	v13 =	vadd.f32 v11, v13  }
0x2de: {  	s28 =	sld [smem:s23+$0xFFFFFF83];
	v51 =	vmul.f32 s5, v5;
	v26 =	vmovc v41;
	v41 =	vld [tilespmem:$0x1FC80];
	v20 =	vadd.f32 v20, v22;
	v12 =	vadd.f32 v14, v12  }
0x2df: {  	s29 =	sld [smem:s23+$0x41];
	v5 =	vmul.f32 s31, v3;
	v31 =	vmovc v52;
	v52 =	vmovc v37;
	v37 =	vld [tilespmem:$0x1FCE0];
	v22 =	vadd.f32 v0, v25;
	v13 =	vadd.f32 v17, v13  }
0x2e0: {  	s31 =	sld [smem:s23+$0xFFFFFF04];
	v29 =	vmovc v6;
	v14 =	vmul.f32 s25, v34;
	v17 =	vadd.f32 v18, v20;
	v6 =	vadd.f32 v27, v12;
	v27 =	vmovc v44;
	v44 =	vld [tilespmem:$0x1FC90]  }
0x2e1: {  	p1 =	slt.u32 s26, $0x38;
	s8 =	sld [smem:s23+$0x1C1];
	v18 =	vadd.f32 v19, v22;
	v19 =	vmul.f32 s28, v34;
	v25 =	vmov v40;
	v40 =	vld [tilespmem:$0x1FCA0]  }
.Ltmp2:
0x2e2: {  	[tilespmem:$0x1FD80] =	vst v2;
	v2 =	vmul.f32 s29, v3;
	s29 =	sld [smem:s23+$0xFFFFFE04];
	v0 =	vmul.f32 s24, v34;
	v56 =	vadd.f32 v14, v17;
	v17 =	vld [tilespmem:$0x1FCB0];
	(pc) =	sbr.rel @p1 .LBB2_7-.Ltmp2, $4  }
0x2e3: {  	[tilespmem:$0x1FD70] =	vst v4;
	v4 =	vmul.f32 s30, v3;
	s30 =	sld [smem:s23+$0xFFFFFE84];
	v14 =	vadd.f32 v19, v18;
	v19 =	vld [tilespmem:$0x1FCC0]  }
0x2e4: {  	v21 =	vmul.f32 v10, v10;
	s1 =	sld [smem:s23+$0xFFFFFF84];
	v3 =	vmul.f32 s8, v3;
	v22 =	vadd.f32 v0, v13;
	v18 =	vld [tilespmem:$0x1FCD0]  }
0x2e5: {  	s2 =	sld [smem:s23+$0xFFFFFE85];
	v57 =	vmul.f32 s31, v32;
	v12 =	vmul.f32 s29, v32;
	v20 =	vmov v38;
	v38 =	vld [tilespmem:$0x1FD00]  }
0x2e6: {  	s26 =	sadd.s32 $0x8, s26;
	s0 =	sld [smem:s23+$0xFFFFFE05];
	v13 =	vmul.f32 s30, v32;
	v15 =	vadd.f32 v15, v6;
	v16 =	vadd.f32 v16, v22;
	v22 =	vld [tilespmem:$0x1FCF0]  }
0x2e7: {  	v11 =	vadd.f32 v54, v56  }
0x2e8: {  	s3 =	sld [smem:s23+$0xFFFFFF05];
	v13 =	vadd.f32 v13, v16  }
0x2e9: {  	v14 =	vadd.f32 v55, v14;
	v55 =	vmul.f32 s1, v32;
	v11 =	vadd.f32 v57, v11  }
0x2ea: {  	s13 =	sld [smem:s23+$0xFFFFFF85];
	v16 =	vld [tilespmem:$0x1FD30];
	v57 =	vmul.f32 s2, v24;
	v9 =	vadd.f32 v9, v13  }
0x2eb: {  	s15 =	sld [smem:s23+$0xFFFFFE86];
	v14 =	vadd.f32 v55, v14;
	v55 =	vld [tilespmem:$0x1FD40];
	v0 =	vmul.f32 s3, v24;
	v7 =	vadd.f32 v7, v11  }
0x2ec: {  	s17 =	sld [smem:s23+$0xFFFFFF86];
	v12 =	vadd.f32 v12, v15;
	v9 =	vadd.f32 v57, v9;
	v57 =	vld [tilespmem:$0x1FD50]  }
0x2ed: {  	s16 =	sld [smem:s23+$0xFFFFFF06];
	v6 =	vadd.f32 v1, v14;
	v1 =	vmul.f32 s13, v24;
	v7 =	vadd.f32 v0, v7;
	v0 =	vld [tilespmem:$0x1FD20]  }
0x2ee: {  	s19 =	sld [smem:s23+$0xFFFFFE87];
	v56 =	vmul.f32 s0, v24;
	v8 =	vadd.f32 v8, v12;
	v54 =	vmul.f32 s15, v23  }
0x2ef: {  	s14 =	sld [smem:s23+$0xFFFFFE06];
	v15 =	vmul.f32 s17, v23;
	v6 =	vadd.f32 v1, v6;
	v1 =	vadd.f32 v16, v9  }
0x2f0: {  	s24 =	sld [smem:s23+$0x80];
	v8 =	vadd.f32 v56, v8;
	v56 =	vmul.f32 s16, v23;
	v7 =	vadd.f32 v55, v7  }
0x2f1: {  	s20 =	sld [smem:s23+$0xFFFFFF07];
	v1 =	vadd.f32 v54, v1;
	v54 =	vmul.f32 s19, v21;
	v6 =	vadd.f32 v57, v6  }
0x2f2: {  	s22 =	sld [smem:s23+$0x0];
	v7 =	vadd.f32 v56, v7;
	v0 =	vadd.f32 v0, v8;
	v8 =	vmul.f32 s14, v23  }
0x2f3: {  	s21 =	sld [smem:s23+$0xFFFFFF87];
	v1 =	vadd.f32 v62, v1;
	v62 =	vmul.f32 s24, v48;
	v6 =	vadd.f32 v15, v6  }
0x2f4: {  	s18 =	sld [smem:s23+$0xFFFFFE07];
	v55 =	vmul.f32 s20, v21;
	v7 =	vadd.f32 v61, v7;
	v0 =	vadd.f32 v8, v0  }
0x2f5: {  	s25 =	sld [smem:s23+$0x100];
	v61 =	vmul.f32 s22, v48;
	v1 =	vadd.f32 v54, v1;
	v8 =	vadd.f32 v62, v42  }
0x2f6: {  	s26 =	sld [smem:s23+$0x180];
	v56 =	vmul.f32 s21, v21;
	v6 =	vadd.f32 v60, v6;
	v57 =	vadd.f32 v55, v7  }
0x2f7: {  	s28 =	sld [smem:s23+$0x1];
	v11 =	vadd.f32 v61, v41;
	v0 =	vadd.f32 v63, v0  }
0x2f8: {  	v16 =	vmul.f32 s18, v21;
	v8 =	vadd.f32 v45, v8;
	v60 =	vadd.f32 v56, v6  }
0x2f9: {  	s30 =	sld [smem:s23+$0x101];
	v63 =	vmul.f32 s25, v48;
	v6 =	vadd.f32 v58, v1;
	v11 =	vadd.f32 v38, v11  }
0x2fa: {  	s29 =	sld [smem:s23+$0x81];
	v38 =	vmul.f32 s28, v49;
	v0 =	vadd.f32 v16, v0;
	v16 =	vmul.f32 s26, v48  }
0x2fb: {  	s31 =	sld [smem:s23+$0x181];
	v9 =	vadd.f32 v63, v17;
	v1 =	vadd.f32 v52, v60  }
0x2fc: {  	s2 =	sld [smem:s23+$0x82];
	v41 =	vmul.f32 s30, v49;
	v11 =	vadd.f32 v38, v11;
	v12 =	vadd.f32 v16, v40  }
0x2fd: {  	s1 =	sld [smem:s23+$0x2];
	v7 =	vadd.f32 v59, v0;
	v9 =	vadd.f32 v37, v9;
	v40 =	vmul.f32 s29, v49  }
0x2fe: {  	s4 =	sld [smem:s23+$0x102];
	v42 =	vmul.f32 s31, v49;
	v0 =	vadd.f32 v53, v57;
	v12 =	vadd.f32 v44, v12  }
0x2ff: {  	s5 =	sld [smem:s23+$0x182];
	v54 =	vld [tilespmem:$0x1FD70];
	v45 =	vmul.f32 s2, v39;
	v8 =	vadd.f32 v40, v8;
	v9 =	vadd.f32 v41, v9  }
0x300: {  	s7 =	sld [smem:s23+$0x83];
	v52 =	vld [tilespmem:$0x1FD60];
	v2 =	vadd.f32 v2, v11;
	v44 =	vmul.f32 s1, v39;
	v12 =	vadd.f32 v42, v12  }
0x301: {  	s6 =	sld [smem:s23+$0x3];
	v56 =	vld [tilespmem:$0x1FD80];
	v48 =	vmul.f32 s4, v39;
	v4 =	vadd.f32 v4, v8;
	v5 =	vadd.f32 v5, v9  }
0x302: {  	s8 =	sld [smem:s23+$0x103];
	v49 =	vmul.f32 s5, v39;
	v2 =	vadd.f32 v44, v2;
	v3 =	vadd.f32 v3, v12  }
0x303: {  	s9 =	sld [smem:s23+$0x183];
	v55 =	vmul.f32 s7, v34;
	v4 =	vadd.f32 v45, v4;
	v5 =	vadd.f32 v48, v5  }
0x304: {  	s12 =	sld [smem:s23+$0x104];
	v53 =	vmul.f32 s6, v34;
	v2 =	vadd.f32 v43, v2;
	v3 =	vadd.f32 v49, v3  }
0x305: {  	s10 =	sld [smem:s23+$0x4];
	v57 =	vmul.f32 s8, v34;
	v4 =	vadd.f32 v52, v4;
	v5 =	vadd.f32 v54, v5  }
0x306: {  	s11 =	sld [smem:s23+$0x84];
	v58 =	vmul.f32 s9, v34;
	v2 =	vadd.f32 v53, v2;
	v3 =	vadd.f32 v56, v3  }
0x307: {  	s13 =	sld [smem:s23+$0x184];
	v61 =	vmul.f32 s12, v32;
	v4 =	vadd.f32 v55, v4;
	v5 =	vadd.f32 v57, v5  }
0x308: {  	s14 =	sld [smem:s23+$0x5];
	v59 =	vmul.f32 s10, v32;
	v2 =	vadd.f32 v50, v2;
	v3 =	vadd.f32 v58, v3  }
0x309: {  	s16 =	sld [smem:s23+$0x105];
	v60 =	vmul.f32 s11, v32;
	v4 =	vadd.f32 v51, v4;
	v5 =	vadd.f32 v46, v5  }
0x30a: {  	s15 =	sld [smem:s23+$0x85];
	v62 =	vmul.f32 s13, v32;
	v2 =	vadd.f32 v59, v2;
	v3 =	vadd.f32 v47, v3  }
0x30b: {  	s17 =	sld [smem:s23+$0x185];
	v63 =	vmul.f32 s14, v24;
	v4 =	vadd.f32 v60, v4;
	v5 =	vadd.f32 v61, v5  }
0x30c: {  	s18 =	sld [smem:s23+$0x6];
	v17 =	vmul.f32 s16, v24;
	v2 =	vadd.f32 v35, v2;
	v3 =	vadd.f32 v62, v3  }
0x30d: {  	s20 =	sld [smem:s23+$0x106];
	v16 =	vmul.f32 s15, v24;
	v4 =	vadd.f32 v36, v4;
	v5 =	vadd.f32 v33, v5  }
0x30e: {  	s19 =	sld [smem:s23+$0x86];
	v24 =	vmul.f32 s17, v24;
	v2 =	vadd.f32 v63, v2;
	v3 =	vadd.f32 v31, v3  }
0x30f: {  	s21 =	sld [smem:s23+$0x186];
	v4 =	vadd.f32 v16, v4;
	v5 =	vadd.f32 v17, v5  }
0x310: {  	s22 =	sld [smem:s23+$0x7];
	v32 =	vmul.f32 s20, v23;
	v2 =	vadd.f32 v29, v2;
	v3 =	vadd.f32 v24, v3  }
0x311: {  	s26 =	sld [smem:s23+$0x187];
	v31 =	vmul.f32 s19, v23;
	v4 =	vadd.f32 v30, v4;
	v30 =	vmul.f32 s18, v23  }
0x312: {  	s24 =	sld [smem:s23+$0x87];
	v33 =	vmul.f32 s21, v23;
	v5 =	vadd.f32 v28, v5;
	v3 =	vadd.f32 v27, v3  }
0x313: {  	s25 =	sld [smem:s23+$0x107];
	v34 =	vmul.f32 s22, v21;
	v2 =	vadd.f32 v30, v2;
	v4 =	vadd.f32 v31, v4  }
0x314: {  	s28 =	sld [smem:s23+$0x147];
	v37 =	vmul.f32 s26, v21;
	v5 =	vadd.f32 v32, v5;
	v3 =	vadd.f32 v33, v3  }
0x315: {  	s29 =	sld [smem:s23+$0x1C7];
	v35 =	vmul.f32 s24, v21;
	v2 =	vadd.f32 v26, v2;
	v4 =	vadd.f32 v25, v4  }
0x316: {  	v36 =	vmul.f32 s25, v21;
	v5 =	vadd.f32 v22, v5;
	v3 =	vadd.f32 v20, v3  }
0x317: {  	v38 =	vmul.f32 s28, v10;
	v2 =	vadd.f32 v34, v2;
	v4 =	vadd.f32 v35, v4  }
0x318: {  	v39 =	vmul.f32 s29, v10;
	v5 =	vadd.f32 v36, v5;
	v3 =	vadd.f32 v37, v3  }
0x319: {  	v2 =	vadd.f32 v18, v2;
	v4 =	vadd.f32 v19, v4  }
0x31a: {  	v5 =	vadd.f32 v38, v5;
	v3 =	vadd.f32 v39, v3  }
0x31b: {  	v40 =	vmax.f32 v7, v6  }
0x31c: {  	v41 =	vmax.f32 v0, v1;
	v42 =	vmax.f32 v2, v4;
	v43 =	vmax.f32 v5, v3  }
0x31d: {  	v8 =	vmax.f32 v40, v41;
	v44 =	vmax.f32 v42, v43  }
0x31e: {  	v8 =	vmax.f32 v8, v44  }
0x31f: {  	v7 =	vsub.f32 v7, v8;
	_ =	sdelay $0x1  }
0x320: {  	v6 =	vsub.f32 v6, v8;
	v7 =	vmul.f32 $1.442695020e+00, v7;
	_ =	sdelay $0x1  }
0x321: {  	v0 =	vsub.f32 v0, v8;
	v6 =	vmul.f32 $1.442695020e+00, v6;
	(erf) = vpow2.f32 v7;
	_ =	sdelay $0x1  }
0x322: {  	v1 =	vsub.f32 v1, v8;
	v0 =	vmul.f32 $1.442695020e+00, v0;
	(erf) = vpow2.f32 v6;
	_ =	sdelay $0x1  }
0x323: {  	v46 =	vsub.f32 v2, v8;
	v45 =	vmul.f32 $1.442695020e+00, v1;
	(erf) = vpow2.f32 v0;
	_ =	sdelay $0x1  }
0x324: {  	v48 =	vsub.f32 v4, v8;
	v47 =	vmul.f32 $1.442695020e+00, v46;
	(erf) = vpow2.f32 v45;
	_ =	sdelay $0x1  }
0x325: {  	v50 =	vsub.f32 v5, v8;
	v1 =	vmul.f32 $1.442695020e+00, v48;
	(erf) = vpow2.f32 v47  }
0x326: {  	v52 =	vsub.f32 v3, v8;
	v49 =	vpop (erf)  }
0x327: {  	v51 =	vmul.f32 $1.442695020e+00, v50;
	(erf) = vpow2.f32 v1;
	v0 =	vadd.f32 $0.0e+00, v49  }
0x328: {  	v53 =	vpop (erf)  }
0x329: {  	v54 =	vmul.f32 $1.442695020e+00, v52;
	(erf) = vpow2.f32 v51;
	v0 =	vadd.f32 v0, v53  }
0x32a: {  	v55 =	vpop (erf)  }
0x32b: {  	(erf) = vpow2.f32 v54;
	v0 =	vadd.f32 v0, v55  }
0x32c: {  	v56 =	vpop (erf)  }
0x32d: {  	v0 =	vadd.f32 v0, v56  }
0x32e: {  	v57 =	vpop (erf)  }
0x32f: {  	v0 =	vadd.f32 v0, v57  }
0x330: {  	v58 =	vpop (erf)  }
0x331: {  	v0 =	vadd.f32 v0, v58  }
0x332: {  	v59 =	vpop (erf)  }
0x333: {  	v0 =	vadd.f32 v0, v59  }
0x334: {  	v60 =	vpop (erf)  }
0x335: {  	v0 =	vadd.f32 v0, v60;
	_ =	sdelay $0x1  }
0x336: {  	v1 =	vand.u32 $0x7FFFFF, v0  }
0x337: {  	v1 =	vor.u32 $0x3F800000, v1  }
0x338: {  	v61 =	vmul.f32 $5.000000000e-01, v1  }
0x339: {  	vm0 =	vgt.f32 v1, $1.414213540e+00  }
0x33a: {  	v1 =	vsel vm0, v61, v1  }
0x33b: {  	v1 =	vadd.f32 $-1.000000000e+00, v1;
	_ =	sdelay $0x1  }
0x33c: {  	v62 =	vmul.f32 $1.144843550e-01, v1;
	_ =	sdelay $0x1  }
0x33d: {  	v2 =	vadd.f32 $-1.862769720e-01, v62;
	_ =	sdelay $0x1  }
0x33e: {  	v2 =	vmul.f32 v2, v1;
	_ =	sdelay $0x1  }
0x33f: {  	v2 =	vadd.f32 $2.061178540e-01, v2;
	_ =	sdelay $0x1  }
0x340: {  	v2 =	vmul.f32 v2, v1;
	_ =	sdelay $0x1  }
0x341: {  	v2 =	vadd.f32 $-2.491120990e-01, v2;
	_ =	sdelay $0x1  }
0x342: {  	v2 =	vmul.f32 v2, v1;
	_ =	sdelay $0x1  }
0x343: {  	v2 =	vadd.f32 $3.330481350e-01, v2;
	_ =	sdelay $0x1  }
0x344: {  	v2 =	vmul.f32 v2, v1;
	_ =	sdelay $0x1  }
0x345: {  	v2 =	vadd.f32 $-5.000129340e-01, v2;
	_ =	sdelay $0x1  }
0x346: {  	v2 =	vmul.f32 v2, v1  }
0x347: {  	v63 =	vimm.s32 $0xFFFFFF81  }
0x348: {  	v0 =	vshrl.u32 v0, $0x17;
	v3 =	vsel vm0, $0xFFFFFF82, v63;
	v2 =	vadd.f32 $1.000003100e+00, v2  }
0x349: {  	v0 =	vadd.s32 v0, v3  }
0x34a: {  	v0 =	vcvt.s32.f32 v0;
	v1 =	vmul.f32 v2, v1  }
0x34b: {  	s30 =	rddreg [dreg:$0x1d]  }
0x34c: {  	s0 =	sadd.s32 $0x1, s30;
	v0 =	vmul.f32 $6.931471820e-01, v0;
	v1 =	vadd.f32 $3.342326950e-08, v1  }
0x34d: {  	p1 =	sne.s32 s0, $0x10  }
.Ltmp3:
0x34e: {  	v0 =	vadd.f32 v1, v0;
	(pc) =	sbr.rel @p1 .LBB2_6-.Ltmp3, $4  }
0x34f: {  	_ = 	snop  }
0x350: {  	v0 =	vadd.f32 v0, v8  }
0x351: {  	s31 =	rddreg [dreg:$0x1f]  }
0x352: {  	[tilespmem:s31+$0x10000] =	vst v0  }
0x353: {  	s8 =	simm.s32 $0x0  }
0x354: {  	s0 =	rddreg [dreg:$0x17];
	s1 =	simm.s32 $0x10000;
	s4 =	simm.s32 $0x3  }
0x355: {  	[hbm4b:s0+s8] =	stream.linear.scatter [tilespmem:s1], [sflag:$0x3], $0x100, $0x38;
	[tilespmem:$0x10148] =	vst v63  }
0x356: {  	_ =	swait.ge [sflag:s4], $0x100  }
0x357: {  	s30 =	rddreg [dreg:$0x1b]  }
0x358: {  	s31 =	rddreg [dreg:$0x18];
	s1 =	sadd.s32 $0x1, s30  }
0x359: {  	p1 =	sne.s32 s1, s31  }
.Ltmp4:
0x35a: {  	_ = 	snop;
	(pc) =	sbr.rel @p1 .LBB2_1-.Ltmp4, $3  }
0x35b: {  	_ =	sdelay $0x1  }
0x35c: {  	[sflag:s4] =	ssyncset.done $0x0  }
0x35d: {  	s9 =	simm.s32 $0x8000;
	[sflag:s4] =	ssyncadd.s32 $0xFFFFFF00  }
0x35e: {  	_ =	sfence.sel $0x180000  }
0x35f: {  	[bflag:$0x0] =	sbarrier.arrive $0xFFFF  }
0x360: {  	_ =	strace $0x90000047  }
0x361: {  	[bflag:$0x2] =	sbarrier.arrive $0xFFFF  }
0x362: {  	s0 =	rddreg [dreg:$0x4]  }
0x363: {  	s0 =	sadd.s32 @!p0 $0x100000, s0  }
0x364: {  	[sflag:s0] =	ssyncadd.tile.s32 @!p0 $0x1;
	_ =	shalt  }
.Lfunc_end2:
_tile_overlayer_lowered:
.L_overlay_start_2:
0x365: {  	(tag) =	ssettag $0x2  }
0x366: {  	s0 =	rddreg [dreg:$0x0];
	s2 =	stileid.u32  }
0x367: {  	s1 =	rddreg [dreg:$0x1];
	p0 =	sne.s32 s2, $0x0  }
0x368: {  	s3 =	rddreg [dreg:$0x2];
	[bflag:$0x3] =	sbarrier.arrive $0xFFFF;
	s2 =	simm.s32 @!p0 $0x1C03  }
0x369: {  	[timem:s3], [sflag:s2] =	dma.local @!p0 [hbm:s0], s1  }
0x36a: {  	s0 =	simm.s32 @!p0 $0x3  }
0x36b: {  	_ =	swait.ge @!p0 [sflag:s0], s1  }
0x36c: {  	s1 =	ssub.s32 @!p0 $0x0, s1;
	[sflag:s0] =	ssyncset.done @!p0 $0x0  }
0x36d: {  	[sflag:s0] =	ssyncadd.s32 @!p0 s1  }
0x36e: {  	[bflag:$0x3] =	sbarrier.arrive $0xFFFF  }
0x36f: {  	_ =	shalt  }

</sc_bundles>
